<compile_context>
chip_gen: v7x
topology: tpu7x:2x2x1
jax: 0.10.2.dev20260603
libtpu: 0.0.44.dev20260713+nightly
codegen_flags: <defaults>
</compile_context>

<pallas_src>
import functools

import jax
import jax.numpy as jnp
from jax import lax
from jax.experimental import pallas as pl
from jax.experimental.pallas import tpu as pltpu
from jax.experimental.pallas import tpu_sc as plsc

_HID = 4096
_K = 64
_TOP_K = 8
_TB = 1024

_NC = 2
_NS = 16
_NW = _NC * _NS
_CH = 256


def _mm_body(h_ref, wt_ref, b_ref, z_ref):
    z_ref[...] = (
        jnp.dot(h_ref[...], wt_ref[...], preferred_element_type=jnp.float32)
        + b_ref[...]
    )


def _project(hf, wt, bias, row0, rows):
    nb = rows // _TB
    off = row0 // _TB
    return pl.pallas_call(
        _mm_body,
        grid=(nb,),
        in_specs=[
            pl.BlockSpec((_TB, _HID), lambda i: (i + off, 0)),
            pl.BlockSpec((_HID, 2 * _K), lambda i: (0, 0)),
            pl.BlockSpec((1, 2 * _K), lambda i: (0, 0)),
        ],
        out_specs=pl.BlockSpec((_TB, 2 * _K), lambda i: (i, 0)),
        out_shape=jax.ShapeDtypeStruct((rows, 2 * _K), jnp.float32),
    )(hf, wt, bias)


def _merge_desc(va, pa, vb, pb):
    vbr = lax.rev(vb, (0,))
    pbr = lax.rev(pb, (0,))
    take_a = va >= vbr
    v = jnp.where(take_a, va, vbr)
    p = jnp.where(take_a, pa, pbr)
    return plsc.sort_key_val(v, p, descending=True)


def _sc_gate_body(z_hbm, o_hbm, zbuf, obuf, *, tpw, ch):
    wid = lax.axis_index("s") * _NC + lax.axis_index("c")
    base = wid * tpw
    i16 = lax.iota(jnp.int32, 16)
    lane8 = i16 < _TOP_K

    for c in range(tpw // ch):
        pltpu.sync_copy(z_hbm.at[pl.ds(base + c * ch, ch), :], zbuf)

        @plsc.parallel_loop(0, ch, 1, unroll=2)
        def tok_body(t):
            parts = []
            for j in range(4):
                g = zbuf[t, pl.ds(16 * j, 16)]
                parts.append(plsc.sort_key_val(g, i16 + 16 * j, descending=True))
            v01, p01 = _merge_desc(*parts[0], *parts[1])
            v23, p23 = _merge_desc(*parts[2], *parts[3])
            v, p = _merge_desc(v01, p01, v23, p23)
            m = jnp.max(v)
            e = jnp.where(lane8, jnp.exp(v - m), jnp.float32(0.0))
            den = jnp.sum(e)
            row = jnp.broadcast_to(t, (16,)).astype(jnp.int32)
            ev = plsc.load_gather(zbuf, [row, p + _K])
            num = jnp.sum(e * ev)
            res = jnp.broadcast_to(num, (16,)) / jnp.broadcast_to(den, (16,))
            o = c * ch + t
            plsc.store_scatter(
                obuf,
                [jnp.broadcast_to(o, (16,)).astype(jnp.int32)],
                res,
                mask=i16 == 0,
            )

    pltpu.sync_copy(obuf, o_hbm.at[pl.ds(base, tpw)])


def _sc_gate(z):
    n_tok = z.shape[0]
    tpw = n_tok // _NW
    ch = min(_CH, tpw)
    mesh = plsc.VectorSubcoreMesh(
        core_axis_name="c", subcore_axis_name="s", num_cores=_NC,
        num_subcores=_NS,
    )
    f = functools.partial(
        pl.kernel,
        out_type=jax.ShapeDtypeStruct((n_tok,), jnp.float32),
        mesh=mesh,
        compiler_params=pltpu.CompilerParams(needs_layout_passes=False),
        scratch_types=[
            pltpu.VMEM((ch, 2 * _K), jnp.float32),
            pltpu.VMEM((tpw,), jnp.float32),
        ],
    )(functools.partial(_sc_gate_body, tpw=tpw, ch=ch))
    return f(z)


def kernel(h, W_e, b_e, W_g):
    B, L, _ = h.shape
    hf = h.reshape(B * L, _HID)
    wt = jnp.concatenate([W_g, W_e], axis=0).T
    bias = jnp.concatenate([jnp.zeros((_K,), b_e.dtype), b_e]).reshape(1, 2 * _K)
    sizes = (8192, 8192, 8192, 8192)
    outs = []
    row0 = 0
    for rows in sizes:
        z = _project(hf, wt, bias, row0, rows)
        outs.append(_sc_gate(z))
        row0 += rows
    out = jnp.concatenate(outs)
    return out.reshape(B, L)

# --- scband reference (transcript-rebuilt; emitter-appended) ---
"""Pipeline reference for scband-mo-ehead-prediction-16303695855721 (READ-ONLY COPY).

The authoritative reference and input builder live on the scoring server;
editing this copy changes nothing except your own understanding.
"""

import jax, jax.numpy as jnp
import numpy as np

HID = 4096
K = 64
TOP_K = 8
P = 1
B = 4
L = 8192


def setup_inputs(seed: int = 0) -> dict:
    key = jax.random.key(seed)
    k1, k2, k3 = jax.random.split(key, 3)
    h = jax.random.normal(k1, (B, L, HID), dtype=jnp.float32)
    # torch nn.Linear(hid, k*p) weight: [k*p, hid], bias: [k*p]
    W_e = jax.random.normal(k2, (K * P, HID), dtype=jnp.float32) * (1.0 / np.sqrt(HID))
    b_e = jnp.zeros((K * P,), dtype=jnp.float32)
    # torch nn.Linear(hid, k, bias=False) weight: [k, hid]
    W_g = jax.random.normal(k3, (K, HID), dtype=jnp.float32) * (1.0 / np.sqrt(HID))
    return {"h": h, "W_e": W_e, "b_e": b_e, "W_g": W_g}


def reference(h, W_e, b_e, W_g):
    # gate_scores = self.gate(h) : [B, L, K]
    gate_scores = jnp.einsum('blh,kh->blk', h, W_g)
    # top-k gating with sparse softmax weights scattered back to K slots
    top_vals, top_idx = jax.lax.top_k(gate_scores, TOP_K)
    sm = jax.nn.softmax(top_vals, axis=-1)
    one_hot = jax.nn.one_hot(top_idx, K, dtype=gate_scores.dtype)  # [B, L, TOP_K, K]
    weights = jnp.sum(one_hot * sm[..., None], axis=-2)  # [B, L, K]
    # expert_out = self.experts(h) : [B, L, K*P] -> [B, L, K, P]
    expert_out = jnp.einsum('blh,kh->blk', h, W_e) + b_e
    expert_out = expert_out.reshape(h.shape[0], h.shape[1], K, P)
    preds = jnp.sum(weights[..., None] * expert_out, axis=2)  # [B, L, P]
    preds = jnp.squeeze(preds, -1)  # P == 1 -> [B, L]
    return preds

if __name__ == "__main__":
    import jax
    _d = setup_inputs()
    print(jax.jit(kernel)(*tuple(_d.values())))

</pallas_src>

<mosaic_0001>
#map = affine_map<(d0, d1) -> (0, 0)>
#map1 = affine_map<(d0, d1) -> (0)>
module attributes {stable_mosaic.version = 14 : i64} {
  func.func @_sc_gate_body(%arg0: i32, %arg1: i32, %arg2: memref<8192x128xf32, #tpu.memory_space<hbm>>, %arg3: memref<8192xf32, #tpu.memory_space<hbm>>, %arg4: memref<256x128xf32, #tpu.memory_space<vmem>>, %arg5: memref<256xf32, #tpu.memory_space<vmem>>) attributes {dimension_semantics = [#tpu.dimension_semantics<core_parallel>, #tpu.dimension_semantics<subcore_parallel>], iteration_bounds = array<i64: 2, 16>, scalar_prefetch = 0 : i64, scratch_operands = 2 : i64, tpu.core_type = #tpu.core_type<sc_vector_subcore>, window_params = [{transform_indices = #map}, {transform_indices = #map1}]} {
    %mul3A = arith.constant 2 : i32
    %mul3A_0 = arith.muli %arg1, %mul3A : i32
    %add3A = arith.addi %mul3A_0, %arg0 : i32
    %mul3A_1 = arith.constant 256 : i32
    %mul3A_2 = arith.muli %add3A, %mul3A_1 : i32
    %iota3A = tpu.iota {dimensions = array<i32: 0>} : vector<16xi32>
    %lt3A = arith.constant 8 : i32
    %lt3A_3 = vector.broadcast %lt3A : i32 to vector<16xi32>
    %lt3A_4 = arith.cmpi slt, %iota3A, %lt3A_3 : vector<16xi32>
    %add3A_5 = arith.constant 0 : i32
    %add3A_6 = arith.addi %mul3A_2, %add3A_5 : i32
    "tpu.region"() ({
      %run_scoped3A = tpu.sem_alloc : memref<!tpu.dma_semaphore, #tpu.memory_space<semaphore_mem>>
      %dma_start3A = arith.constant 0 : i32
      %dma_start3A_9 = tpu.memref_slice %arg2[%add3A_6, %dma_start3A] : memref<8192x128xf32, #tpu.memory_space<hbm>> -> memref<256x128xf32, #tpu.memory_space<hbm>>
      %dma_start3A_10 = arith.constant 0 : i32
      %dma_start3A_11 = tpu.memref_slice %arg2[%add3A_6, %dma_start3A_10] : memref<8192x128xf32, #tpu.memory_space<hbm>> -> memref<256x128xf32, #tpu.memory_space<hbm>>
      tpu.enqueue_dma source(%dma_start3A_11 : memref<256x128xf32, #tpu.memory_space<hbm>>) target(%arg4 : memref<256x128xf32, #tpu.memory_space<vmem>>) target_semaphore(%run_scoped3A : memref<!tpu.dma_semaphore, #tpu.memory_space<semaphore_mem>>)
      %dma_wait3A = arith.constant 0 : i32
      %dma_wait3A_12 = tpu.memref_slice %arg2[%add3A_6, %dma_wait3A] : memref<8192x128xf32, #tpu.memory_space<hbm>> -> memref<256x128xf32, #tpu.memory_space<hbm>>
      %dma_wait3A_13 = arith.constant 0 : i32
      %dma_wait3A_14 = tpu.memref_slice %arg2[%add3A_6, %dma_wait3A_13] : memref<8192x128xf32, #tpu.memory_space<hbm>> -> memref<256x128xf32, #tpu.memory_space<hbm>>
      tpu.wait_dma2 semaphore(%run_scoped3A : memref<!tpu.dma_semaphore, #tpu.memory_space<semaphore_mem>>) src(%dma_wait3A_14 : memref<256x128xf32, #tpu.memory_space<hbm>>) dst(%arg4 : memref<256x128xf32, #tpu.memory_space<vmem>>)
      tpu.yield
    }) : () -> ()
    %parallel_loop3A = arith.constant 0 : i32
    %parallel_loop3A_7 = arith.constant 256 : i32
    %parallel_loop3A_8 = arith.constant 1 : i32
    scf.for %parallel_loop3A_9 = %parallel_loop3A to %parallel_loop3A_7 step %parallel_loop3A_8  : i32 {
      %parallel_loop3A_10 = arith.index_cast %parallel_loop3A_9 : i32 to index
      %parallel_loop3A_11 = arith.constant 0 : index
      %parallel_loop3A_12 = tpu.vector_load %arg4[%parallel_loop3A_10, %parallel_loop3A_11] {strides = array<i32>} : memref<256x128xf32, #tpu.memory_space<vmem>>, vector<16xf32>,
      %parallel_loop3A_13 = arith.constant 0 : i32
      %parallel_loop3A_14 = vector.broadcast %parallel_loop3A_13 : i32 to vector<16xi32>
      %parallel_loop3A_15 = arith.addi %iota3A, %parallel_loop3A_14 : vector<16xi32>
      %parallel_loop3A_16 = arith.constant dense<true> : vector<16xi1>
      %parallel_loop3A_17, %parallel_loop3A_18, %parallel_loop3A_19 = tpu.sort %parallel_loop3A_12, %parallel_loop3A_15 masked %parallel_loop3A_16 {descending = true} : (vector<16xf32>, vector<16xi32>, vector<16xi1>) -> (vector<16xi1>, vector<16xf32>, vector<16xi32>)
      %parallel_loop3A_20 = arith.index_cast %parallel_loop3A_9 : i32 to index
      %parallel_loop3A_21 = arith.constant 16 : index
      %parallel_loop3A_22 = tpu.vector_load %arg4[%parallel_loop3A_20, %parallel_loop3A_21] {strides = array<i32>} : memref<256x128xf32, #tpu.memory_space<vmem>>, vector<16xf32>,
      %parallel_loop3A_23 = arith.constant 16 : i32
      %parallel_loop3A_24 = vector.broadcast %parallel_loop3A_23 : i32 to vector<16xi32>
      %parallel_loop3A_25 = arith.addi %iota3A, %parallel_loop3A_24 : vector<16xi32>
      %parallel_loop3A_26 = arith.constant dense<true> : vector<16xi1>
      %parallel_loop3A_27, %parallel_loop3A_28, %parallel_loop3A_29 = tpu.sort %parallel_loop3A_22, %parallel_loop3A_25 masked %parallel_loop3A_26 {descending = true} : (vector<16xf32>, vector<16xi32>, vector<16xi1>) -> (vector<16xi1>, vector<16xf32>, vector<16xi32>)
      %parallel_loop3A_30 = arith.index_cast %parallel_loop3A_9 : i32 to index
      %parallel_loop3A_31 = arith.constant 32 : index
      %parallel_loop3A_32 = tpu.vector_load %arg4[%parallel_loop3A_30, %parallel_loop3A_31] {strides = array<i32>} : memref<256x128xf32, #tpu.memory_space<vmem>>, vector<16xf32>,
      %parallel_loop3A_33 = arith.constant 32 : i32
      %parallel_loop3A_34 = vector.broadcast %parallel_loop3A_33 : i32 to vector<16xi32>
      %parallel_loop3A_35 = arith.addi %iota3A, %parallel_loop3A_34 : vector<16xi32>
      %parallel_loop3A_36 = arith.constant dense<true> : vector<16xi1>
      %parallel_loop3A_37, %parallel_loop3A_38, %parallel_loop3A_39 = tpu.sort %parallel_loop3A_32, %parallel_loop3A_35 masked %parallel_loop3A_36 {descending = true} : (vector<16xf32>, vector<16xi32>, vector<16xi1>) -> (vector<16xi1>, vector<16xf32>, vector<16xi32>)
      %parallel_loop3A_40 = arith.index_cast %parallel_loop3A_9 : i32 to index
      %parallel_loop3A_41 = arith.constant 48 : index
      %parallel_loop3A_42 = tpu.vector_load %arg4[%parallel_loop3A_40, %parallel_loop3A_41] {strides = array<i32>} : memref<256x128xf32, #tpu.memory_space<vmem>>, vector<16xf32>,
      %parallel_loop3A_43 = arith.constant 48 : i32
      %parallel_loop3A_44 = vector.broadcast %parallel_loop3A_43 : i32 to vector<16xi32>
      %parallel_loop3A_45 = arith.addi %iota3A, %parallel_loop3A_44 : vector<16xi32>
      %parallel_loop3A_46 = arith.constant dense<true> : vector<16xi1>
      %parallel_loop3A_47, %parallel_loop3A_48, %parallel_loop3A_49 = tpu.sort %parallel_loop3A_42, %parallel_loop3A_45 masked %parallel_loop3A_46 {descending = true} : (vector<16xf32>, vector<16xi32>, vector<16xi1>) -> (vector<16xi1>, vector<16xf32>, vector<16xi32>)
      %parallel_loop3A_50 = arith.constant 15 : i32
      %parallel_loop3A_51 = vector.broadcast %parallel_loop3A_50 : i32 to vector<16xi32>
      %parallel_loop3A_52 = tpu.iota {dimensions = array<i32: 0>} : vector<16xi32>
      %parallel_loop3A_53 = arith.subi %parallel_loop3A_51, %parallel_loop3A_52 : vector<16xi32>
      %parallel_loop3A_54 = tpu.dynamic_gather %parallel_loop3A_28[%parallel_loop3A_53] in [0] : vector<16xf32>, vector<16xi32> -> vector<16xf32>
      %parallel_loop3A_55 = arith.constant 15 : i32
      %parallel_loop3A_56 = vector.broadcast %parallel_loop3A_55 : i32 to vector<16xi32>
      %parallel_loop3A_57 = tpu.iota {dimensions = array<i32: 0>} : vector<16xi32>
      %parallel_loop3A_58 = arith.subi %parallel_loop3A_56, %parallel_loop3A_57 : vector<16xi32>
      %parallel_loop3A_59 = tpu.dynamic_gather %parallel_loop3A_29[%parallel_loop3A_58] in [0] : vector<16xi32>, vector<16xi32> -> vector<16xi32>
      %parallel_loop3A_60 = arith.cmpf oge, %parallel_loop3A_18, %parallel_loop3A_54 : vector<16xf32>
      %parallel_loop3A_61 = arith.select %parallel_loop3A_60, %parallel_loop3A_18, %parallel_loop3A_54 : vector<16xi1>, vector<16xf32>
      %parallel_loop3A_62 = arith.select %parallel_loop3A_60, %parallel_loop3A_19, %parallel_loop3A_59 : vector<16xi1>, vector<16xi32>
      %parallel_loop3A_63 = arith.constant dense<true> : vector<16xi1>
      %parallel_loop3A_64, %parallel_loop3A_65, %parallel_loop3A_66 = tpu.sort %parallel_loop3A_61, %parallel_loop3A_62 masked %parallel_loop3A_63 {descending = true} : (vector<16xf32>, vector<16xi32>, vector<16xi1>) -> (vector<16xi1>, vector<16xf32>, vector<16xi32>)
      %parallel_loop3A_67 = arith.constant 15 : i32
      %parallel_loop3A_68 = vector.broadcast %parallel_loop3A_67 : i32 to vector<16xi32>
      %parallel_loop3A_69 = tpu.iota {dimensions = array<i32: 0>} : vector<16xi32>
      %parallel_loop3A_70 = arith.subi %parallel_loop3A_68, %parallel_loop3A_69 : vector<16xi32>
      %parallel_loop3A_71 = tpu.dynamic_gather %parallel_loop3A_48[%parallel_loop3A_70] in [0] : vector<16xf32>, vector<16xi32> -> vector<16xf32>
      %parallel_loop3A_72 = arith.constant 15 : i32
      %parallel_loop3A_73 = vector.broadcast %parallel_loop3A_72 : i32 to vector<16xi32>
      %parallel_loop3A_74 = tpu.iota {dimensions = array<i32: 0>} : vector<16xi32>
      %parallel_loop3A_75 = arith.subi %parallel_loop3A_73, %parallel_loop3A_74 : vector<16xi32>
      %parallel_loop3A_76 = tpu.dynamic_gather %parallel_loop3A_49[%parallel_loop3A_75] in [0] : vector<16xi32>, vector<16xi32> -> vector<16xi32>
      %parallel_loop3A_77 = arith.cmpf oge, %parallel_loop3A_38, %parallel_loop3A_71 : vector<16xf32>
      %parallel_loop3A_78 = arith.select %parallel_loop3A_77, %parallel_loop3A_38, %parallel_loop3A_71 : vector<16xi1>, vector<16xf32>
      %parallel_loop3A_79 = arith.select %parallel_loop3A_77, %parallel_loop3A_39, %parallel_loop3A_76 : vector<16xi1>, vector<16xi32>
      %parallel_loop3A_80 = arith.constant dense<true> : vector<16xi1>
      %parallel_loop3A_81, %parallel_loop3A_82, %parallel_loop3A_83 = tpu.sort %parallel_loop3A_78, %parallel_loop3A_79 masked %parallel_loop3A_80 {descending = true} : (vector<16xf32>, vector<16xi32>, vector<16xi1>) -> (vector<16xi1>, vector<16xf32>, vector<16xi32>)
      %parallel_loop3A_84 = arith.constant 15 : i32
      %parallel_loop3A_85 = vector.broadcast %parallel_loop3A_84 : i32 to vector<16xi32>
      %parallel_loop3A_86 = tpu.iota {dimensions = array<i32: 0>} : vector<16xi32>
      %parallel_loop3A_87 = arith.subi %parallel_loop3A_85, %parallel_loop3A_86 : vector<16xi32>
      %parallel_loop3A_88 = tpu.dynamic_gather %parallel_loop3A_82[%parallel_loop3A_87] in [0] : vector<16xf32>, vector<16xi32> -> vector<16xf32>
      %parallel_loop3A_89 = arith.constant 15 : i32
      %parallel_loop3A_90 = vector.broadcast %parallel_loop3A_89 : i32 to vector<16xi32>
      %parallel_loop3A_91 = tpu.iota {dimensions = array<i32: 0>} : vector<16xi32>
      %parallel_loop3A_92 = arith.subi %parallel_loop3A_90, %parallel_loop3A_91 : vector<16xi32>
      %parallel_loop3A_93 = tpu.dynamic_gather %parallel_loop3A_83[%parallel_loop3A_92] in [0] : vector<16xi32>, vector<16xi32> -> vector<16xi32>
      %parallel_loop3A_94 = arith.cmpf oge, %parallel_loop3A_65, %parallel_loop3A_88 : vector<16xf32>
      %parallel_loop3A_95 = arith.select %parallel_loop3A_94, %parallel_loop3A_65, %parallel_loop3A_88 : vector<16xi1>, vector<16xf32>
      %parallel_loop3A_96 = arith.select %parallel_loop3A_94, %parallel_loop3A_66, %parallel_loop3A_93 : vector<16xi1>, vector<16xi32>
      %parallel_loop3A_97 = arith.constant dense<true> : vector<16xi1>
      %parallel_loop3A_98, %parallel_loop3A_99, %parallel_loop3A_100 = tpu.sort %parallel_loop3A_95, %parallel_loop3A_96 masked %parallel_loop3A_97 {descending = true} : (vector<16xf32>, vector<16xi32>, vector<16xi1>) -> (vector<16xi1>, vector<16xf32>, vector<16xi32>)
      %parallel_loop3A_101 = arith.constant true
      %parallel_loop3A_102 = vector.broadcast %parallel_loop3A_101 : i1 to vector<16xi1>
      %parallel_loop3A_103 = tpu.scan <max>, %parallel_loop3A_99 masked %parallel_loop3A_102 : vector<16xf32>, vector<16xi1> -> vector<16xf32>
      %parallel_loop3A_104 = vector.extract %parallel_loop3A_103[15] : f32 from vector<16xf32>
      %parallel_loop3A_105 = vector.broadcast %parallel_loop3A_104 : f32 to vector<16xf32>
      %parallel_loop3A_106 = arith.subf %parallel_loop3A_99, %parallel_loop3A_105 : vector<16xf32>
      %parallel_loop3A_107 = math.exp %parallel_loop3A_106 : vector<16xf32>
      %parallel_loop3A_108 = arith.constant 0.000000e+00 : f32
      %parallel_loop3A_109 = vector.broadcast %parallel_loop3A_108 : f32 to vector<16xf32>
      %parallel_loop3A_110 = arith.select %lt3A_4, %parallel_loop3A_107, %parallel_loop3A_109 : vector<16xi1>, vector<16xf32>
      %parallel_loop3A_111 = arith.constant true
      %parallel_loop3A_112 = vector.broadcast %parallel_loop3A_111 : i1 to vector<16xi1>
      %parallel_loop3A_113 = tpu.scan <sum>, %parallel_loop3A_110 masked %parallel_loop3A_112 : vector<16xf32>, vector<16xi1> -> vector<16xf32>
      %parallel_loop3A_114 = vector.extract %parallel_loop3A_113[15] : f32 from vector<16xf32>
      %parallel_loop3A_115 = vector.broadcast %parallel_loop3A_9 : i32 to vector<16xi32>
      %parallel_loop3A_116 = arith.constant 64 : i32
      %parallel_loop3A_117 = vector.broadcast %parallel_loop3A_116 : i32 to vector<16xi32>
      %parallel_loop3A_118 = arith.addi %parallel_loop3A_100, %parallel_loop3A_117 : vector<16xi32>
      %parallel_loop3A_119 = tpu.vector_load_idx %arg4[%parallel_loop3A_115, %parallel_loop3A_118] : memref<256x128xf32, #tpu.memory_space<vmem>>[vector<16xi32>, vector<16xi32>], vector<16xf32>,
      %parallel_loop3A_120 = arith.mulf %parallel_loop3A_110, %parallel_loop3A_119 : vector<16xf32>
      %parallel_loop3A_121 = arith.constant true
      %parallel_loop3A_122 = vector.broadcast %parallel_loop3A_121 : i1 to vector<16xi1>
      %parallel_loop3A_123 = tpu.scan <sum>, %parallel_loop3A_120 masked %parallel_loop3A_122 : vector<16xf32>, vector<16xi1> -> vector<16xf32>
      %parallel_loop3A_124 = vector.extract %parallel_loop3A_123[15] : f32 from vector<16xf32>
      %parallel_loop3A_125 = vector.broadcast %parallel_loop3A_124 : f32 to vector<16xf32>
      %parallel_loop3A_126 = vector.broadcast %parallel_loop3A_114 : f32 to vector<16xf32>
      %parallel_loop3A_127 = arith.divf %parallel_loop3A_125, %parallel_loop3A_126 : vector<16xf32>
      %parallel_loop3A_128 = arith.constant 0 : i32
      %parallel_loop3A_129 = arith.addi %parallel_loop3A_128, %parallel_loop3A_9 : i32
      %parallel_loop3A_130 = vector.broadcast %parallel_loop3A_129 : i32 to vector<16xi32>
      %parallel_loop3A_131 = arith.constant 0 : i32
      %parallel_loop3A_132 = vector.broadcast %parallel_loop3A_131 : i32 to vector<16xi32>
      %parallel_loop3A_133 = arith.cmpi eq, %iota3A, %parallel_loop3A_132 : vector<16xi32>
      tpu.vector_store_idx %arg5[%parallel_loop3A_130], %parallel_loop3A_127 masked %parallel_loop3A_133 : memref<256xf32, #tpu.memory_space<vmem>>[vector<16xi32>], vector<16xf32>, vector<16xi1>
    } {sc.loop_unroll_factor = 2 : i64, sc.parallel_access}
    "tpu.region"() ({
      %run_scoped3A = tpu.sem_alloc : memref<!tpu.dma_semaphore, #tpu.memory_space<semaphore_mem>>
      %dma_start3A = tpu.memref_slice %arg3[%mul3A_2] : memref<8192xf32, #tpu.memory_space<hbm>> -> memref<256xf32, #tpu.memory_space<hbm>>
      %dma_start3A_9 = tpu.memref_slice %arg3[%mul3A_2] : memref<8192xf32, #tpu.memory_space<hbm>> -> memref<256xf32, #tpu.memory_space<hbm>>
      tpu.enqueue_dma source(%arg5 : memref<256xf32, #tpu.memory_space<vmem>>) target(%dma_start3A_9 : memref<256xf32, #tpu.memory_space<hbm>>) target_semaphore(%run_scoped3A : memref<!tpu.dma_semaphore, #tpu.memory_space<semaphore_mem>>)
      %dma_wait3A = tpu.memref_slice %arg3[%mul3A_2] : memref<8192xf32, #tpu.memory_space<hbm>> -> memref<256xf32, #tpu.memory_space<hbm>>
      %dma_wait3A_10 = tpu.memref_slice %arg3[%mul3A_2] : memref<8192xf32, #tpu.memory_space<hbm>> -> memref<256xf32, #tpu.memory_space<hbm>>
      tpu.wait_dma2 semaphore(%run_scoped3A : memref<!tpu.dma_semaphore, #tpu.memory_space<semaphore_mem>>) src(%arg5 : memref<256xf32, #tpu.memory_space<vmem>>) dst(%dma_wait3A_10 : memref<256xf32, #tpu.memory_space<hbm>>)
      tpu.yield
    }) : () -> ()
    return
  }
}

#map = affine_map<(d0, d1) -> (0, 0)>
#map1 = affine_map<(d0, d1) -> (0)>
module attributes {stable_mosaic.version = 14 : i64} {
  func.func @_sc_gate_body(%arg0: i32, %arg1: i32, %arg2: memref<8192x128xf32, #tpu.memory_space<hbm>>, %arg3: memref<8192xf32, #tpu.memory_space<hbm>>, %arg4: memref<256x128xf32, #tpu.memory_space<vmem>>, %arg5: memref<256xf32, #tpu.memory_space<vmem>>) attributes {dimension_semantics = [#tpu.dimension_semantics<core_parallel>, #tpu.dimension_semantics<subcore_parallel>], iteration_bounds = array<i64: 2, 16>, scalar_prefetch = 0 : i64, scratch_operands = 2 : i64, tpu.core_type = #tpu.core_type<sc_vector_subcore>, window_params = [{transform_indices = #map}, {transform_indices = #map1}]} {
    %mul3A = arith.constant 2 : i32
    %mul3A_0 = arith.muli %arg1, %mul3A : i32
    %add3A = arith.addi %mul3A_0, %arg0 : i32
    %mul3A_1 = arith.constant 256 : i32
    %mul3A_2 = arith.muli %add3A, %mul3A_1 : i32
    %iota3A = tpu.iota {dimensions = array<i32: 0>} : vector<16xi32>
    %lt3A = arith.constant 8 : i32
    %lt3A_3 = vector.broadcast %lt3A : i32 to vector<16xi32>
    %lt3A_4 = arith.cmpi slt, %iota3A, %lt3A_3 : vector<16xi32>
    %add3A_5 = arith.constant 0 : i32
    %add3A_6 = arith.addi %mul3A_2, %add3A_5 : i32
    "tpu.region"() ({
      %run_scoped3A = tpu.sem_alloc : memref<!tpu.dma_semaphore, #tpu.memory_space<semaphore_mem>>
      %dma_start3A = arith.constant 0 : i32
      %dma_start3A_9 = tpu.memref_slice %arg2[%add3A_6, %dma_start3A] : memref<8192x128xf32, #tpu.memory_space<hbm>> -> memref<256x128xf32, #tpu.memory_space<hbm>>
      %dma_start3A_10 = arith.constant 0 : i32
      %dma_start3A_11 = tpu.memref_slice %arg2[%add3A_6, %dma_start3A_10] : memref<8192x128xf32, #tpu.memory_space<hbm>> -> memref<256x128xf32, #tpu.memory_space<hbm>>
      tpu.enqueue_dma source(%dma_start3A_11 : memref<256x128xf32, #tpu.memory_space<hbm>>) target(%arg4 : memref<256x128xf32, #tpu.memory_space<vmem>>) target_semaphore(%run_scoped3A : memref<!tpu.dma_semaphore, #tpu.memory_space<semaphore_mem>>)
      %dma_wait3A = arith.constant 0 : i32
      %dma_wait3A_12 = tpu.memref_slice %arg2[%add3A_6, %dma_wait3A] : memref<8192x128xf32, #tpu.memory_space<hbm>> -> memref<256x128xf32, #tpu.memory_space<hbm>>
      %dma_wait3A_13 = arith.constant 0 : i32
      %dma_wait3A_14 = tpu.memref_slice %arg2[%add3A_6, %dma_wait3A_13] : memref<8192x128xf32, #tpu.memory_space<hbm>> -> memref<256x128xf32, #tpu.memory_space<hbm>>
      tpu.wait_dma2 semaphore(%run_scoped3A : memref<!tpu.dma_semaphore, #tpu.memory_space<semaphore_mem>>) src(%dma_wait3A_14 : memref<256x128xf32, #tpu.memory_space<hbm>>) dst(%arg4 : memref<256x128xf32, #tpu.memory_space<vmem>>)
      tpu.yield
    }) : () -> ()
    %parallel_loop3A = arith.constant 0 : i32
    %parallel_loop3A_7 = arith.constant 256 : i32
    %parallel_loop3A_8 = arith.constant 1 : i32
    scf.for %parallel_loop3A_9 = %parallel_loop3A to %parallel_loop3A_7 step %parallel_loop3A_8  : i32 {
      %parallel_loop3A_10 = arith.index_cast %parallel_loop3A_9 : i32 to index
      %parallel_loop3A_11 = arith.constant 0 : index
      %parallel_loop3A_12 = tpu.vector_load %arg4[%parallel_loop3A_10, %parallel_loop3A_11] {strides = array<i32>} : memref<256x128xf32, #tpu.memory_space<vmem>>, vector<16xf32>,
      %parallel_loop3A_13 = arith.constant 0 : i32
      %parallel_loop3A_14 = vector.broadcast %parallel_loop3A_13 : i32 to vector<16xi32>
      %parallel_loop3A_15 = arith.addi %iota3A, %parallel_loop3A_14 : vector<16xi32>
      %parallel_loop3A_16 = arith.constant dense<true> : vector<16xi1>
      %parallel_loop3A_17, %parallel_loop3A_18, %parallel_loop3A_19 = tpu.sort %parallel_loop3A_12, %parallel_loop3A_15 masked %parallel_loop3A_16 {descending = true} : (vector<16xf32>, vector<16xi32>, vector<16xi1>) -> (vector<16xi1>, vector<16xf32>, vector<16xi32>)
      %parallel_loop3A_20 = arith.index_cast %parallel_loop3A_9 : i32 to index
      %parallel_loop3A_21 = arith.constant 16 : index
      %parallel_loop3A_22 = tpu.vector_load %arg4[%parallel_loop3A_20, %parallel_loop3A_21] {strides = array<i32>} : memref<256x128xf32, #tpu.memory_space<vmem>>, vector<16xf32>,
      %parallel_loop3A_23 = arith.constant 16 : i32
      %parallel_loop3A_24 = vector.broadcast %parallel_loop3A_23 : i32 to vector<16xi32>
      %parallel_loop3A_25 = arith.addi %iota3A, %parallel_loop3A_24 : vector<16xi32>
      %parallel_loop3A_26 = arith.constant dense<true> : vector<16xi1>
      %parallel_loop3A_27, %parallel_loop3A_28, %parallel_loop3A_29 = tpu.sort %parallel_loop3A_22, %parallel_loop3A_25 masked %parallel_loop3A_26 {descending = true} : (vector<16xf32>, vector<16xi32>, vector<16xi1>) -> (vector<16xi1>, vector<16xf32>, vector<16xi32>)
      %parallel_loop3A_30 = arith.index_cast %parallel_loop3A_9 : i32 to index
      %parallel_loop3A_31 = arith.constant 32 : index
      %parallel_loop3A_32 = tpu.vector_load %arg4[%parallel_loop3A_30, %parallel_loop3A_31] {strides = array<i32>} : memref<256x128xf32, #tpu.memory_space<vmem>>, vector<16xf32>,
      %parallel_loop3A_33 = arith.constant 32 : i32
      %parallel_loop3A_34 = vector.broadcast %parallel_loop3A_33 : i32 to vector<16xi32>
      %parallel_loop3A_35 = arith.addi %iota3A, %parallel_loop3A_34 : vector<16xi32>
      %parallel_loop3A_36 = arith.constant dense<true> : vector<16xi1>
      %parallel_loop3A_37, %parallel_loop3A_38, %parallel_loop3A_39 = tpu.sort %parallel_loop3A_32, %parallel_loop3A_35 masked %parallel_loop3A_36 {descending = true} : (vector<16xf32>, vector<16xi32>, vector<16xi1>) -> (vector<16xi1>, vector<16xf32>, vector<16xi32>)
      %parallel_loop3A_40 = arith.index_cast %parallel_loop3A_9 : i32 to index
      %parallel_loop3A_41 = arith.constant 48 : index
      %parallel_loop3A_42 = tpu.vector_load %arg4[%parallel_loop3A_40, %parallel_loop3A_41] {strides = array<i32>} : memref<256x128xf32, #tpu.memory_space<vmem>>, vector<16xf32>,
      %parallel_loop3A_43 = arith.constant 48 : i32
      %parallel_loop3A_44 = vector.broadcast %parallel_loop3A_43 : i32 to vector<16xi32>
      %parallel_loop3A_45 = arith.addi %iota3A, %parallel_loop3A_44 : vector<16xi32>
      %parallel_loop3A_46 = arith.constant dense<true> : vector<16xi1>
      %parallel_loop3A_47, %parallel_loop3A_48, %parallel_loop3A_49 = tpu.sort %parallel_loop3A_42, %parallel_loop3A_45 masked %parallel_loop3A_46 {descending = true} : (vector<16xf32>, vector<16xi32>, vector<16xi1>) -> (vector<16xi1>, vector<16xf32>, vector<16xi32>)
      %parallel_loop3A_50 = arith.constant 15 : i32
      %parallel_loop3A_51 = vector.broadcast %parallel_loop3A_50 : i32 to vector<16xi32>
      %parallel_loop3A_52 = tpu.iota {dimensions = array<i32: 0>} : vector<16xi32>
      %parallel_loop3A_53 = arith.subi %parallel_loop3A_51, %parallel_loop3A_52 : vector<16xi32>
      %parallel_loop3A_54 = tpu.dynamic_gather %parallel_loop3A_28[%parallel_loop3A_53] in [0] : vector<16xf32>, vector<16xi32> -> vector<16xf32>
      %parallel_loop3A_55 = arith.constant 15 : i32
      %parallel_loop3A_56 = vector.broadcast %parallel_loop3A_55 : i32 to vector<16xi32>
      %parallel_loop3A_57 = tpu.iota {dimensions = array<i32: 0>} : vector<16xi32>
      %parallel_loop3A_58 = arith.subi %parallel_loop3A_56, %parallel_loop3A_57 : vector<16xi32>
      %parallel_loop3A_59 = tpu.dynamic_gather %parallel_loop3A_29[%parallel_loop3A_58] in [0] : vector<16xi32>, vector<16xi32> -> vector<16xi32>
      %parallel_loop3A_60 = arith.cmpf oge, %parallel_loop3A_18, %parallel_loop3A_54 : vector<16xf32>
      %parallel_loop3A_61 = arith.select %parallel_loop3A_60, %parallel_loop3A_18, %parallel_loop3A_54 : vector<16xi1>, vector<16xf32>
      %parallel_loop3A_62 = arith.select %parallel_loop3A_60, %parallel_loop3A_19, %parallel_loop3A_59 : vector<16xi1>, vector<16xi32>
      %parallel_loop3A_63 = arith.constant dense<true> : vector<16xi1>
      %parallel_loop3A_64, %parallel_loop3A_65, %parallel_loop3A_66 = tpu.sort %parallel_loop3A_61, %parallel_loop3A_62 masked %parallel_loop3A_63 {descending = true} : (vector<16xf32>, vector<16xi32>, vector<16xi1>) -> (vector<16xi1>, vector<16xf32>, vector<16xi32>)
      %parallel_loop3A_67 = arith.constant 15 : i32
      %parallel_loop3A_68 = vector.broadcast %parallel_loop3A_67 : i32 to vector<16xi32>
      %parallel_loop3A_69 = tpu.iota {dimensions = array<i32: 0>} : vector<16xi32>
      %parallel_loop3A_70 = arith.subi %parallel_loop3A_68, %parallel_loop3A_69 : vector<16xi32>
      %parallel_loop3A_71 = tpu.dynamic_gather %parallel_loop3A_48[%parallel_loop3A_70] in [0] : vector<16xf32>, vector<16xi32> -> vector<16xf32>
      %parallel_loop3A_72 = arith.constant 15 : i32
      %parallel_loop3A_73 = vector.broadcast %parallel_loop3A_72 : i32 to vector<16xi32>
      %parallel_loop3A_74 = tpu.iota {dimensions = array<i32: 0>} : vector<16xi32>
      %parallel_loop3A_75 = arith.subi %parallel_loop3A_73, %parallel_loop3A_74 : vector<16xi32>
      %parallel_loop3A_76 = tpu.dynamic_gather %parallel_loop3A_49[%parallel_loop3A_75] in [0] : vector<16xi32>, vector<16xi32> -> vector<16xi32>
      %parallel_loop3A_77 = arith.cmpf oge, %parallel_loop3A_38, %parallel_loop3A_71 : vector<16xf32>
      %parallel_loop3A_78 = arith.select %parallel_loop3A_77, %parallel_loop3A_38, %parallel_loop3A_71 : vector<16xi1>, vector<16xf32>
      %parallel_loop3A_79 = arith.select %parallel_loop3A_77, %parallel_loop3A_39, %parallel_loop3A_76 : vector<16xi1>, vector<16xi32>
      %parallel_loop3A_80 = arith.constant dense<true> : vector<16xi1>
      %parallel_loop3A_81, %parallel_loop3A_82, %parallel_loop3A_83 = tpu.sort %parallel_loop3A_78, %parallel_loop3A_79 masked %parallel_loop3A_80 {descending = true} : (vector<16xf32>, vector<16xi32>, vector<16xi1>) -> (vector<16xi1>, vector<16xf32>, vector<16xi32>)
      %parallel_loop3A_84 = arith.constant 15 : i32
      %parallel_loop3A_85 = vector.broadcast %parallel_loop3A_84 : i32 to vector<16xi32>
      %parallel_loop3A_86 = tpu.iota {dimensions = array<i32: 0>} : vector<16xi32>
      %parallel_loop3A_87 = arith.subi %parallel_loop3A_85, %parallel_loop3A_86 : vector<16xi32>
      %parallel_loop3A_88 = tpu.dynamic_gather %parallel_loop3A_82[%parallel_loop3A_87] in [0] : vector<16xf32>, vector<16xi32> -> vector<16xf32>
      %parallel_loop3A_89 = arith.constant 15 : i32
      %parallel_loop3A_90 = vector.broadcast %parallel_loop3A_89 : i32 to vector<16xi32>
      %parallel_loop3A_91 = tpu.iota {dimensions = array<i32: 0>} : vector<16xi32>
      %parallel_loop3A_92 = arith.subi %parallel_loop3A_90, %parallel_loop3A_91 : vector<16xi32>
      %parallel_loop3A_93 = tpu.dynamic_gather %parallel_loop3A_83[%parallel_loop3A_92] in [0] : vector<16xi32>, vector<16xi32> -> vector<16xi32>
      %parallel_loop3A_94 = arith.cmpf oge, %parallel_loop3A_65, %parallel_loop3A_88 : vector<16xf32>
      %parallel_loop3A_95 = arith.select %parallel_loop3A_94, %parallel_loop3A_65, %parallel_loop3A_88 : vector<16xi1>, vector<16xf32>
      %parallel_loop3A_96 = arith.select %parallel_loop3A_94, %parallel_loop3A_66, %parallel_loop3A_93 : vector<16xi1>, vector<16xi32>
      %parallel_loop3A_97 = arith.constant dense<true> : vector<16xi1>
      %parallel_loop3A_98, %parallel_loop3A_99, %parallel_loop3A_100 = tpu.sort %parallel_loop3A_95, %parallel_loop3A_96 masked %parallel_loop3A_97 {descending = true} : (vector<16xf32>, vector<16xi32>, vector<16xi1>) -> (vector<16xi1>, vector<16xf32>, vector<16xi32>)
      %parallel_loop3A_101 = arith.constant true
      %parallel_loop3A_102 = vector.broadcast %parallel_loop3A_101 : i1 to vector<16xi1>
      %parallel_loop3A_103 = tpu.scan <max>, %parallel_loop3A_99 masked %parallel_loop3A_102 : vector<16xf32>, vector<16xi1> -> vector<16xf32>
      %parallel_loop3A_104 = vector.extract %parallel_loop3A_103[15] : f32 from vector<16xf32>
      %parallel_loop3A_105 = vector.broadcast %parallel_loop3A_104 : f32 to vector<16xf32>
      %parallel_loop3A_106 = arith.subf %parallel_loop3A_99, %parallel_loop3A_105 : vector<16xf32>
      %parallel_loop3A_107 = math.exp %parallel_loop3A_106 : vector<16xf32>
      %parallel_loop3A_108 = arith.constant 0.000000e+00 : f32
      %parallel_loop3A_109 = vector.broadcast %parallel_loop3A_108 : f32 to vector<16xf32>
      %parallel_loop3A_110 = arith.select %lt3A_4, %parallel_loop3A_107, %parallel_loop3A_109 : vector<16xi1>, vector<16xf32>
      %parallel_loop3A_111 = arith.constant true
      %parallel_loop3A_112 = vector.broadcast %parallel_loop3A_111 : i1 to vector<16xi1>
      %parallel_loop3A_113 = tpu.scan <sum>, %parallel_loop3A_110 masked %parallel_loop3A_112 : vector<16xf32>, vector<16xi1> -> vector<16xf32>
      %parallel_loop3A_114 = vector.extract %parallel_loop3A_113[15] : f32 from vector<16xf32>
      %parallel_loop3A_115 = vector.broadcast %parallel_loop3A_9 : i32 to vector<16xi32>
      %parallel_loop3A_116 = arith.constant 64 : i32
      %parallel_loop3A_117 = vector.broadcast %parallel_loop3A_116 : i32 to vector<16xi32>
      %parallel_loop3A_118 = arith.addi %parallel_loop3A_100, %parallel_loop3A_117 : vector<16xi32>
      %parallel_loop3A_119 = tpu.vector_load_idx %arg4[%parallel_loop3A_115, %parallel_loop3A_118] : memref<256x128xf32, #tpu.memory_space<vmem>>[vector<16xi32>, vector<16xi32>], vector<16xf32>,
      %parallel_loop3A_120 = arith.mulf %parallel_loop3A_110, %parallel_loop3A_119 : vector<16xf32>
      %parallel_loop3A_121 = arith.constant true
      %parallel_loop3A_122 = vector.broadcast %parallel_loop3A_121 : i1 to vector<16xi1>
      %parallel_loop3A_123 = tpu.scan <sum>, %parallel_loop3A_120 masked %parallel_loop3A_122 : vector<16xf32>, vector<16xi1> -> vector<16xf32>
      %parallel_loop3A_124 = vector.extract %parallel_loop3A_123[15] : f32 from vector<16xf32>
      %parallel_loop3A_125 = vector.broadcast %parallel_loop3A_124 : f32 to vector<16xf32>
      %parallel_loop3A_126 = vector.broadcast %parallel_loop3A_114 : f32 to vector<16xf32>
      %parallel_loop3A_127 = arith.divf %parallel_loop3A_125, %parallel_loop3A_126 : vector<16xf32>
      %parallel_loop3A_128 = arith.constant 0 : i32
      %parallel_loop3A_129 = arith.addi %parallel_loop3A_128, %parallel_loop3A_9 : i32
      %parallel_loop3A_130 = vector.broadcast %parallel_loop3A_129 : i32 to vector<16xi32>
      %parallel_loop3A_131 = arith.constant 0 : i32
      %parallel_loop3A_132 = vector.broadcast %parallel_loop3A_131 : i32 to vector<16xi32>
      %parallel_loop3A_133 = arith.cmpi eq, %iota3A, %parallel_loop3A_132 : vector<16xi32>
      tpu.vector_store_idx %arg5[%parallel_loop3A_130], %parallel_loop3A_127 masked %parallel_loop3A_133 : memref<256xf32, #tpu.memory_space<vmem>>[vector<16xi32>], vector<16xf32>, vector<16xi1>
    } {sc.loop_unroll_factor = 2 : i64, sc.parallel_access}
    "tpu.region"() ({
      %run_scoped3A = tpu.sem_alloc : memref<!tpu.dma_semaphore, #tpu.memory_space<semaphore_mem>>
      %dma_start3A = tpu.memref_slice %arg3[%mul3A_2] : memref<8192xf32, #tpu.memory_space<hbm>> -> memref<256xf32, #tpu.memory_space<hbm>>
      %dma_start3A_9 = tpu.memref_slice %arg3[%mul3A_2] : memref<8192xf32, #tpu.memory_space<hbm>> -> memref<256xf32, #tpu.memory_space<hbm>>
      tpu.enqueue_dma source(%arg5 : memref<256xf32, #tpu.memory_space<vmem>>) target(%dma_start3A_9 : memref<256xf32, #tpu.memory_space<hbm>>) target_semaphore(%run_scoped3A : memref<!tpu.dma_semaphore, #tpu.memory_space<semaphore_mem>>)
      %dma_wait3A = tpu.memref_slice %arg3[%mul3A_2] : memref<8192xf32, #tpu.memory_space<hbm>> -> memref<256xf32, #tpu.memory_space<hbm>>
      %dma_wait3A_10 = tpu.memref_slice %arg3[%mul3A_2] : memref<8192xf32, #tpu.memory_space<hbm>> -> memref<256xf32, #tpu.memory_space<hbm>>
      tpu.wait_dma2 semaphore(%run_scoped3A : memref<!tpu.dma_semaphore, #tpu.memory_space<semaphore_mem>>) src(%arg5 : memref<256xf32, #tpu.memory_space<vmem>>) dst(%dma_wait3A_10 : memref<256xf32, #tpu.memory_space<hbm>>)
      tpu.yield
    }) : () -> ()
    return
  }
}

#map = affine_map<(d0, d1) -> (0, 0)>
#map1 = affine_map<(d0, d1) -> (0)>
module attributes {stable_mosaic.version = 14 : i64} {
  func.func @_sc_gate_body(%arg0: i32, %arg1: i32, %arg2: memref<8192x128xf32, #tpu.memory_space<hbm>>, %arg3: memref<8192xf32, #tpu.memory_space<hbm>>, %arg4: memref<256x128xf32, #tpu.memory_space<vmem>>, %arg5: memref<256xf32, #tpu.memory_space<vmem>>) attributes {dimension_semantics = [#tpu.dimension_semantics<core_parallel>, #tpu.dimension_semantics<subcore_parallel>], iteration_bounds = array<i64: 2, 16>, scalar_prefetch = 0 : i64, scratch_operands = 2 : i64, tpu.core_type = #tpu.core_type<sc_vector_subcore>, window_params = [{transform_indices = #map}, {transform_indices = #map1}]} {
    %mul3A = arith.constant 2 : i32
    %mul3A_0 = arith.muli %arg1, %mul3A : i32
    %add3A = arith.addi %mul3A_0, %arg0 : i32
    %mul3A_1 = arith.constant 256 : i32
    %mul3A_2 = arith.muli %add3A, %mul3A_1 : i32
    %iota3A = tpu.iota {dimensions = array<i32: 0>} : vector<16xi32>
    %lt3A = arith.constant 8 : i32
    %lt3A_3 = vector.broadcast %lt3A : i32 to vector<16xi32>
    %lt3A_4 = arith.cmpi slt, %iota3A, %lt3A_3 : vector<16xi32>
    %add3A_5 = arith.constant 0 : i32
    %add3A_6 = arith.addi %mul3A_2, %add3A_5 : i32
    "tpu.region"() ({
      %run_scoped3A = tpu.sem_alloc : memref<!tpu.dma_semaphore, #tpu.memory_space<semaphore_mem>>
      %dma_start3A = arith.constant 0 : i32
      %dma_start3A_9 = tpu.memref_slice %arg2[%add3A_6, %dma_start3A] : memref<8192x128xf32, #tpu.memory_space<hbm>> -> memref<256x128xf32, #tpu.memory_space<hbm>>
      %dma_start3A_10 = arith.constant 0 : i32
      %dma_start3A_11 = tpu.memref_slice %arg2[%add3A_6, %dma_start3A_10] : memref<8192x128xf32, #tpu.memory_space<hbm>> -> memref<256x128xf32, #tpu.memory_space<hbm>>
      tpu.enqueue_dma source(%dma_start3A_11 : memref<256x128xf32, #tpu.memory_space<hbm>>) target(%arg4 : memref<256x128xf32, #tpu.memory_space<vmem>>) target_semaphore(%run_scoped3A : memref<!tpu.dma_semaphore, #tpu.memory_space<semaphore_mem>>)
      %dma_wait3A = arith.constant 0 : i32
      %dma_wait3A_12 = tpu.memref_slice %arg2[%add3A_6, %dma_wait3A] : memref<8192x128xf32, #tpu.memory_space<hbm>> -> memref<256x128xf32, #tpu.memory_space<hbm>>
      %dma_wait3A_13 = arith.constant 0 : i32
      %dma_wait3A_14 = tpu.memref_slice %arg2[%add3A_6, %dma_wait3A_13] : memref<8192x128xf32, #tpu.memory_space<hbm>> -> memref<256x128xf32, #tpu.memory_space<hbm>>
      tpu.wait_dma2 semaphore(%run_scoped3A : memref<!tpu.dma_semaphore, #tpu.memory_space<semaphore_mem>>) src(%dma_wait3A_14 : memref<256x128xf32, #tpu.memory_space<hbm>>) dst(%arg4 : memref<256x128xf32, #tpu.memory_space<vmem>>)
      tpu.yield
    }) : () -> ()
    %parallel_loop3A = arith.constant 0 : i32
    %parallel_loop3A_7 = arith.constant 256 : i32
    %parallel_loop3A_8 = arith.constant 1 : i32
    scf.for %parallel_loop3A_9 = %parallel_loop3A to %parallel_loop3A_7 step %parallel_loop3A_8  : i32 {
      %parallel_loop3A_10 = arith.index_cast %parallel_loop3A_9 : i32 to index
      %parallel_loop3A_11 = arith.constant 0 : index
      %parallel_loop3A_12 = tpu.vector_load %arg4[%parallel_loop3A_10, %parallel_loop3A_11] {strides = array<i32>} : memref<256x128xf32, #tpu.memory_space<vmem>>, vector<16xf32>,
      %parallel_loop3A_13 = arith.constant 0 : i32
      %parallel_loop3A_14 = vector.broadcast %parallel_loop3A_13 : i32 to vector<16xi32>
      %parallel_loop3A_15 = arith.addi %iota3A, %parallel_loop3A_14 : vector<16xi32>
      %parallel_loop3A_16 = arith.constant dense<true> : vector<16xi1>
      %parallel_loop3A_17, %parallel_loop3A_18, %parallel_loop3A_19 = tpu.sort %parallel_loop3A_12, %parallel_loop3A_15 masked %parallel_loop3A_16 {descending = true} : (vector<16xf32>, vector<16xi32>, vector<16xi1>) -> (vector<16xi1>, vector<16xf32>, vector<16xi32>)
      %parallel_loop3A_20 = arith.index_cast %parallel_loop3A_9 : i32 to index
      %parallel_loop3A_21 = arith.constant 16 : index
      %parallel_loop3A_22 = tpu.vector_load %arg4[%parallel_loop3A_20, %parallel_loop3A_21] {strides = array<i32>} : memref<256x128xf32, #tpu.memory_space<vmem>>, vector<16xf32>,
      %parallel_loop3A_23 = arith.constant 16 : i32
      %parallel_loop3A_24 = vector.broadcast %parallel_loop3A_23 : i32 to vector<16xi32>
      %parallel_loop3A_25 = arith.addi %iota3A, %parallel_loop3A_24 : vector<16xi32>
      %parallel_loop3A_26 = arith.constant dense<true> : vector<16xi1>
      %parallel_loop3A_27, %parallel_loop3A_28, %parallel_loop3A_29 = tpu.sort %parallel_loop3A_22, %parallel_loop3A_25 masked %parallel_loop3A_26 {descending = true} : (vector<16xf32>, vector<16xi32>, vector<16xi1>) -> (vector<16xi1>, vector<16xf32>, vector<16xi32>)
      %parallel_loop3A_30 = arith.index_cast %parallel_loop3A_9 : i32 to index
      %parallel_loop3A_31 = arith.constant 32 : index
      %parallel_loop3A_32 = tpu.vector_load %arg4[%parallel_loop3A_30, %parallel_loop3A_31] {strides = array<i32>} : memref<256x128xf32, #tpu.memory_space<vmem>>, vector<16xf32>,
      %parallel_loop3A_33 = arith.constant 32 : i32
      %parallel_loop3A_34 = vector.broadcast %parallel_loop3A_33 : i32 to vector<16xi32>
      %parallel_loop3A_35 = arith.addi %iota3A, %parallel_loop3A_34 : vector<16xi32>
      %parallel_loop3A_36 = arith.constant dense<true> : vector<16xi1>
      %parallel_loop3A_37, %parallel_loop3A_38, %parallel_loop3A_39 = tpu.sort %parallel_loop3A_32, %parallel_loop3A_35 masked %parallel_loop3A_36 {descending = true} : (vector<16xf32>, vector<16xi32>, vector<16xi1>) -> (vector<16xi1>, vector<16xf32>, vector<16xi32>)
      %parallel_loop3A_40 = arith.index_cast %parallel_loop3A_9 : i32 to index
      %parallel_loop3A_41 = arith.constant 48 : index
      %parallel_loop3A_42 = tpu.vector_load %arg4[%parallel_loop3A_40, %parallel_loop3A_41] {strides = array<i32>} : memref<256x128xf32, #tpu.memory_space<vmem>>, vector<16xf32>,
      %parallel_loop3A_43 = arith.constant 48 : i32
      %parallel_loop3A_44 = vector.broadcast %parallel_loop3A_43 : i32 to vector<16xi32>
      %parallel_loop3A_45 = arith.addi %iota3A, %parallel_loop3A_44 : vector<16xi32>
      %parallel_loop3A_46 = arith.constant dense<true> : vector<16xi1>
      %parallel_loop3A_47, %parallel_loop3A_48, %parallel_loop3A_49 = tpu.sort %parallel_loop3A_42, %parallel_loop3A_45 masked %parallel_loop3A_46 {descending = true} : (vector<16xf32>, vector<16xi32>, vector<16xi1>) -> (vector<16xi1>, vector<16xf32>, vector<16xi32>)
      %parallel_loop3A_50 = arith.constant 15 : i32
      %parallel_loop3A_51 = vector.broadcast %parallel_loop3A_50 : i32 to vector<16xi32>
      %parallel_loop3A_52 = tpu.iota {dimensions = array<i32: 0>} : vector<16xi32>
      %parallel_loop3A_53 = arith.subi %parallel_loop3A_51, %parallel_loop3A_52 : vector<16xi32>
      %parallel_loop3A_54 = tpu.dynamic_gather %parallel_loop3A_28[%parallel_loop3A_53] in [0] : vector<16xf32>, vector<16xi32> -> vector<16xf32>
      %parallel_loop3A_55 = arith.constant 15 : i32
      %parallel_loop3A_56 = vector.broadcast %parallel_loop3A_55 : i32 to vector<16xi32>
      %parallel_loop3A_57 = tpu.iota {dimensions = array<i32: 0>} : vector<16xi32>
      %parallel_loop3A_58 = arith.subi %parallel_loop3A_56, %parallel_loop3A_57 : vector<16xi32>
      %parallel_loop3A_59 = tpu.dynamic_gather %parallel_loop3A_29[%parallel_loop3A_58] in [0] : vector<16xi32>, vector<16xi32> -> vector<16xi32>
      %parallel_loop3A_60 = arith.cmpf oge, %parallel_loop3A_18, %parallel_loop3A_54 : vector<16xf32>
      %parallel_loop3A_61 = arith.select %parallel_loop3A_60, %parallel_loop3A_18, %parallel_loop3A_54 : vector<16xi1>, vector<16xf32>
      %parallel_loop3A_62 = arith.select %parallel_loop3A_60, %parallel_loop3A_19, %parallel_loop3A_59 : vector<16xi1>, vector<16xi32>
      %parallel_loop3A_63 = arith.constant dense<true> : vector<16xi1>
      %parallel_loop3A_64, %parallel_loop3A_65, %parallel_loop3A_66 = tpu.sort %parallel_loop3A_61, %parallel_loop3A_62 masked %parallel_loop3A_63 {descending = true} : (vector<16xf32>, vector<16xi32>, vector<16xi1>) -> (vector<16xi1>, vector<16xf32>, vector<16xi32>)
      %parallel_loop3A_67 = arith.constant 15 : i32
      %parallel_loop3A_68 = vector.broadcast %parallel_loop3A_67 : i32 to vector<16xi32>
      %parallel_loop3A_69 = tpu.iota {dimensions = array<i32: 0>} : vector<16xi32>
      %parallel_loop3A_70 = arith.subi %parallel_loop3A_68, %parallel_loop3A_69 : vector<16xi32>
      %parallel_loop3A_71 = tpu.dynamic_gather %parallel_loop3A_48[%parallel_loop3A_70] in [0] : vector<16xf32>, vector<16xi32> -> vector<16xf32>
      %parallel_loop3A_72 = arith.constant 15 : i32
      %parallel_loop3A_73 = vector.broadcast %parallel_loop3A_72 : i32 to vector<16xi32>
      %parallel_loop3A_74 = tpu.iota {dimensions = array<i32: 0>} : vector<16xi32>
      %parallel_loop3A_75 = arith.subi %parallel_loop3A_73, %parallel_loop3A_74 : vector<16xi32>
      %parallel_loop3A_76 = tpu.dynamic_gather %parallel_loop3A_49[%parallel_loop3A_75] in [0] : vector<16xi32>, vector<16xi32> -> vector<16xi32>
      %parallel_loop3A_77 = arith.cmpf oge, %parallel_loop3A_38, %parallel_loop3A_71 : vector<16xf32>
      %parallel_loop3A_78 = arith.select %parallel_loop3A_77, %parallel_loop3A_38, %parallel_loop3A_71 : vector<16xi1>, vector<16xf32>
      %parallel_loop3A_79 = arith.select %parallel_loop3A_77, %parallel_loop3A_39, %parallel_loop3A_76 : vector<16xi1>, vector<16xi32>
      %parallel_loop3A_80 = arith.constant dense<true> : vector<16xi1>
      %parallel_loop3A_81, %parallel_loop3A_82, %parallel_loop3A_83 = tpu.sort %parallel_loop3A_78, %parallel_loop3A_79 masked %parallel_loop3A_80 {descending = true} : (vector<16xf32>, vector<16xi32>, vector<16xi1>) -> (vector<16xi1>, vector<16xf32>, vector<16xi32>)
      %parallel_loop3A_84 = arith.constant 15 : i32
      %parallel_loop3A_85 = vector.broadcast %parallel_loop3A_84 : i32 to vector<16xi32>
      %parallel_loop3A_86 = tpu.iota {dimensions = array<i32: 0>} : vector<16xi32>
      %parallel_loop3A_87 = arith.subi %parallel_loop3A_85, %parallel_loop3A_86 : vector<16xi32>
      %parallel_loop3A_88 = tpu.dynamic_gather %parallel_loop3A_82[%parallel_loop3A_87] in [0] : vector<16xf32>, vector<16xi32> -> vector<16xf32>
      %parallel_loop3A_89 = arith.constant 15 : i32
      %parallel_loop3A_90 = vector.broadcast %parallel_loop3A_89 : i32 to vector<16xi32>
      %parallel_loop3A_91 = tpu.iota {dimensions = array<i32: 0>} : vector<16xi32>
      %parallel_loop3A_92 = arith.subi %parallel_loop3A_90, %parallel_loop3A_91 : vector<16xi32>
      %parallel_loop3A_93 = tpu.dynamic_gather %parallel_loop3A_83[%parallel_loop3A_92] in [0] : vector<16xi32>, vector<16xi32> -> vector<16xi32>
      %parallel_loop3A_94 = arith.cmpf oge, %parallel_loop3A_65, %parallel_loop3A_88 : vector<16xf32>
      %parallel_loop3A_95 = arith.select %parallel_loop3A_94, %parallel_loop3A_65, %parallel_loop3A_88 : vector<16xi1>, vector<16xf32>
      %parallel_loop3A_96 = arith.select %parallel_loop3A_94, %parallel_loop3A_66, %parallel_loop3A_93 : vector<16xi1>, vector<16xi32>
      %parallel_loop3A_97 = arith.constant dense<true> : vector<16xi1>
      %parallel_loop3A_98, %parallel_loop3A_99, %parallel_loop3A_100 = tpu.sort %parallel_loop3A_95, %parallel_loop3A_96 masked %parallel_loop3A_97 {descending = true} : (vector<16xf32>, vector<16xi32>, vector<16xi1>) -> (vector<16xi1>, vector<16xf32>, vector<16xi32>)
      %parallel_loop3A_101 = arith.constant true
      %parallel_loop3A_102 = vector.broadcast %parallel_loop3A_101 : i1 to vector<16xi1>
      %parallel_loop3A_103 = tpu.scan <max>, %parallel_loop3A_99 masked %parallel_loop3A_102 : vector<16xf32>, vector<16xi1> -> vector<16xf32>
      %parallel_loop3A_104 = vector.extract %parallel_loop3A_103[15] : f32 from vector<16xf32>
      %parallel_loop3A_105 = vector.broadcast %parallel_loop3A_104 : f32 to vector<16xf32>
      %parallel_loop3A_106 = arith.subf %parallel_loop3A_99, %parallel_loop3A_105 : vector<16xf32>
      %parallel_loop3A_107 = math.exp %parallel_loop3A_106 : vector<16xf32>
      %parallel_loop3A_108 = arith.constant 0.000000e+00 : f32
      %parallel_loop3A_109 = vector.broadcast %parallel_loop3A_108 : f32 to vector<16xf32>
      %parallel_loop3A_110 = arith.select %lt3A_4, %parallel_loop3A_107, %parallel_loop3A_109 : vector<16xi1>, vector<16xf32>
      %parallel_loop3A_111 = arith.constant true
      %parallel_loop3A_112 = vector.broadcast %parallel_loop3A_111 : i1 to vector<16xi1>
      %parallel_loop3A_113 = tpu.scan <sum>, %parallel_loop3A_110 masked %parallel_loop3A_112 : vector<16xf32>, vector<16xi1> -> vector<16xf32>
      %parallel_loop3A_114 = vector.extract %parallel_loop3A_113[15] : f32 from vector<16xf32>
      %parallel_loop3A_115 = vector.broadcast %parallel_loop3A_9 : i32 to vector<16xi32>
      %parallel_loop3A_116 = arith.constant 64 : i32
      %parallel_loop3A_117 = vector.broadcast %parallel_loop3A_116 : i32 to vector<16xi32>
      %parallel_loop3A_118 = arith.addi %parallel_loop3A_100, %parallel_loop3A_117 : vector<16xi32>
      %parallel_loop3A_119 = tpu.vector_load_idx %arg4[%parallel_loop3A_115, %parallel_loop3A_118] : memref<256x128xf32, #tpu.memory_space<vmem>>[vector<16xi32>, vector<16xi32>], vector<16xf32>,
      %parallel_loop3A_120 = arith.mulf %parallel_loop3A_110, %parallel_loop3A_119 : vector<16xf32>
      %parallel_loop3A_121 = arith.constant true
      %parallel_loop3A_122 = vector.broadcast %parallel_loop3A_121 : i1 to vector<16xi1>
      %parallel_loop3A_123 = tpu.scan <sum>, %parallel_loop3A_120 masked %parallel_loop3A_122 : vector<16xf32>, vector<16xi1> -> vector<16xf32>
      %parallel_loop3A_124 = vector.extract %parallel_loop3A_123[15] : f32 from vector<16xf32>
      %parallel_loop3A_125 = vector.broadcast %parallel_loop3A_124 : f32 to vector<16xf32>
      %parallel_loop3A_126 = vector.broadcast %parallel_loop3A_114 : f32 to vector<16xf32>
      %parallel_loop3A_127 = arith.divf %parallel_loop3A_125, %parallel_loop3A_126 : vector<16xf32>
      %parallel_loop3A_128 = arith.constant 0 : i32
      %parallel_loop3A_129 = arith.addi %parallel_loop3A_128, %parallel_loop3A_9 : i32
      %parallel_loop3A_130 = vector.broadcast %parallel_loop3A_129 : i32 to vector<16xi32>
      %parallel_loop3A_131 = arith.constant 0 : i32
      %parallel_loop3A_132 = vector.broadcast %parallel_loop3A_131 : i32 to vector<16xi32>
      %parallel_loop3A_133 = arith.cmpi eq, %iota3A, %parallel_loop3A_132 : vector<16xi32>
      tpu.vector_store_idx %arg5[%parallel_loop3A_130], %parallel_loop3A_127 masked %parallel_loop3A_133 : memref<256xf32, #tpu.memory_space<vmem>>[vector<16xi32>], vector<16xf32>, vector<16xi1>
    } {sc.loop_unroll_factor = 2 : i64, sc.parallel_access}
    "tpu.region"() ({
      %run_scoped3A = tpu.sem_alloc : memref<!tpu.dma_semaphore, #tpu.memory_space<semaphore_mem>>
      %dma_start3A = tpu.memref_slice %arg3[%mul3A_2] : memref<8192xf32, #tpu.memory_space<hbm>> -> memref<256xf32, #tpu.memory_space<hbm>>
      %dma_start3A_9 = tpu.memref_slice %arg3[%mul3A_2] : memref<8192xf32, #tpu.memory_space<hbm>> -> memref<256xf32, #tpu.memory_space<hbm>>
      tpu.enqueue_dma source(%arg5 : memref<256xf32, #tpu.memory_space<vmem>>) target(%dma_start3A_9 : memref<256xf32, #tpu.memory_space<hbm>>) target_semaphore(%run_scoped3A : memref<!tpu.dma_semaphore, #tpu.memory_space<semaphore_mem>>)
      %dma_wait3A = tpu.memref_slice %arg3[%mul3A_2] : memref<8192xf32, #tpu.memory_space<hbm>> -> memref<256xf32, #tpu.memory_space<hbm>>
      %dma_wait3A_10 = tpu.memref_slice %arg3[%mul3A_2] : memref<8192xf32, #tpu.memory_space<hbm>> -> memref<256xf32, #tpu.memory_space<hbm>>
      tpu.wait_dma2 semaphore(%run_scoped3A : memref<!tpu.dma_semaphore, #tpu.memory_space<semaphore_mem>>) src(%arg5 : memref<256xf32, #tpu.memory_space<vmem>>) dst(%dma_wait3A_10 : memref<256xf32, #tpu.memory_space<hbm>>)
      tpu.yield
    }) : () -> ()
    return
  }
}

#map = affine_map<(d0, d1) -> (0, 0)>
#map1 = affine_map<(d0, d1) -> (0)>
module attributes {stable_mosaic.version = 14 : i64} {
  func.func @_sc_gate_body(%arg0: i32, %arg1: i32, %arg2: memref<8192x128xf32, #tpu.memory_space<hbm>>, %arg3: memref<8192xf32, #tpu.memory_space<hbm>>, %arg4: memref<256x128xf32, #tpu.memory_space<vmem>>, %arg5: memref<256xf32, #tpu.memory_space<vmem>>) attributes {dimension_semantics = [#tpu.dimension_semantics<core_parallel>, #tpu.dimension_semantics<subcore_parallel>], iteration_bounds = array<i64: 2, 16>, scalar_prefetch = 0 : i64, scratch_operands = 2 : i64, tpu.core_type = #tpu.core_type<sc_vector_subcore>, window_params = [{transform_indices = #map}, {transform_indices = #map1}]} {
    %mul3A = arith.constant 2 : i32
    %mul3A_0 = arith.muli %arg1, %mul3A : i32
    %add3A = arith.addi %mul3A_0, %arg0 : i32
    %mul3A_1 = arith.constant 256 : i32
    %mul3A_2 = arith.muli %add3A, %mul3A_1 : i32
    %iota3A = tpu.iota {dimensions = array<i32: 0>} : vector<16xi32>
    %lt3A = arith.constant 8 : i32
    %lt3A_3 = vector.broadcast %lt3A : i32 to vector<16xi32>
    %lt3A_4 = arith.cmpi slt, %iota3A, %lt3A_3 : vector<16xi32>
    %add3A_5 = arith.constant 0 : i32
    %add3A_6 = arith.addi %mul3A_2, %add3A_5 : i32
    "tpu.region"() ({
      %run_scoped3A = tpu.sem_alloc : memref<!tpu.dma_semaphore, #tpu.memory_space<semaphore_mem>>
      %dma_start3A = arith.constant 0 : i32
      %dma_start3A_9 = tpu.memref_slice %arg2[%add3A_6, %dma_start3A] : memref<8192x128xf32, #tpu.memory_space<hbm>> -> memref<256x128xf32, #tpu.memory_space<hbm>>
      %dma_start3A_10 = arith.constant 0 : i32
      %dma_start3A_11 = tpu.memref_slice %arg2[%add3A_6, %dma_start3A_10] : memref<8192x128xf32, #tpu.memory_space<hbm>> -> memref<256x128xf32, #tpu.memory_space<hbm>>
      tpu.enqueue_dma source(%dma_start3A_11 : memref<256x128xf32, #tpu.memory_space<hbm>>) target(%arg4 : memref<256x128xf32, #tpu.memory_space<vmem>>) target_semaphore(%run_scoped3A : memref<!tpu.dma_semaphore, #tpu.memory_space<semaphore_mem>>)
      %dma_wait3A = arith.constant 0 : i32
      %dma_wait3A_12 = tpu.memref_slice %arg2[%add3A_6, %dma_wait3A] : memref<8192x128xf32, #tpu.memory_space<hbm>> -> memref<256x128xf32, #tpu.memory_space<hbm>>
      %dma_wait3A_13 = arith.constant 0 : i32
      %dma_wait3A_14 = tpu.memref_slice %arg2[%add3A_6, %dma_wait3A_13] : memref<8192x128xf32, #tpu.memory_space<hbm>> -> memref<256x128xf32, #tpu.memory_space<hbm>>
      tpu.wait_dma2 semaphore(%run_scoped3A : memref<!tpu.dma_semaphore, #tpu.memory_space<semaphore_mem>>) src(%dma_wait3A_14 : memref<256x128xf32, #tpu.memory_space<hbm>>) dst(%arg4 : memref<256x128xf32, #tpu.memory_space<vmem>>)
      tpu.yield
    }) : () -> ()
    %parallel_loop3A = arith.constant 0 : i32
    %parallel_loop3A_7 = arith.constant 256 : i32
    %parallel_loop3A_8 = arith.constant 1 : i32
    scf.for %parallel_loop3A_9 = %parallel_loop3A to %parallel_loop3A_7 step %parallel_loop3A_8  : i32 {
      %parallel_loop3A_10 = arith.index_cast %parallel_loop3A_9 : i32 to index
      %parallel_loop3A_11 = arith.constant 0 : index
      %parallel_loop3A_12 = tpu.vector_load %arg4[%parallel_loop3A_10, %parallel_loop3A_11] {strides = array<i32>} : memref<256x128xf32, #tpu.memory_space<vmem>>, vector<16xf32>,
      %parallel_loop3A_13 = arith.constant 0 : i32
      %parallel_loop3A_14 = vector.broadcast %parallel_loop3A_13 : i32 to vector<16xi32>
      %parallel_loop3A_15 = arith.addi %iota3A, %parallel_loop3A_14 : vector<16xi32>
      %parallel_loop3A_16 = arith.constant dense<true> : vector<16xi1>
      %parallel_loop3A_17, %parallel_loop3A_18, %parallel_loop3A_19 = tpu.sort %parallel_loop3A_12, %parallel_loop3A_15 masked %parallel_loop3A_16 {descending = true} : (vector<16xf32>, vector<16xi32>, vector<16xi1>) -> (vector<16xi1>, vector<16xf32>, vector<16xi32>)
      %parallel_loop3A_20 = arith.index_cast %parallel_loop3A_9 : i32 to index
      %parallel_loop3A_21 = arith.constant 16 : index
      %parallel_loop3A_22 = tpu.vector_load %arg4[%parallel_loop3A_20, %parallel_loop3A_21] {strides = array<i32>} : memref<256x128xf32, #tpu.memory_space<vmem>>, vector<16xf32>,
      %parallel_loop3A_23 = arith.constant 16 : i32
      %parallel_loop3A_24 = vector.broadcast %parallel_loop3A_23 : i32 to vector<16xi32>
      %parallel_loop3A_25 = arith.addi %iota3A, %parallel_loop3A_24 : vector<16xi32>
      %parallel_loop3A_26 = arith.constant dense<true> : vector<16xi1>
      %parallel_loop3A_27, %parallel_loop3A_28, %parallel_loop3A_29 = tpu.sort %parallel_loop3A_22, %parallel_loop3A_25 masked %parallel_loop3A_26 {descending = true} : (vector<16xf32>, vector<16xi32>, vector<16xi1>) -> (vector<16xi1>, vector<16xf32>, vector<16xi32>)
      %parallel_loop3A_30 = arith.index_cast %parallel_loop3A_9 : i32 to index
      %parallel_loop3A_31 = arith.constant 32 : index
      %parallel_loop3A_32 = tpu.vector_load %arg4[%parallel_loop3A_30, %parallel_loop3A_31] {strides = array<i32>} : memref<256x128xf32, #tpu.memory_space<vmem>>, vector<16xf32>,
      %parallel_loop3A_33 = arith.constant 32 : i32
      %parallel_loop3A_34 = vector.broadcast %parallel_loop3A_33 : i32 to vector<16xi32>
      %parallel_loop3A_35 = arith.addi %iota3A, %parallel_loop3A_34 : vector<16xi32>
      %parallel_loop3A_36 = arith.constant dense<true> : vector<16xi1>
      %parallel_loop3A_37, %parallel_loop3A_38, %parallel_loop3A_39 = tpu.sort %parallel_loop3A_32, %parallel_loop3A_35 masked %parallel_loop3A_36 {descending = true} : (vector<16xf32>, vector<16xi32>, vector<16xi1>) -> (vector<16xi1>, vector<16xf32>, vector<16xi32>)
      %parallel_loop3A_40 = arith.index_cast %parallel_loop3A_9 : i32 to index
      %parallel_loop3A_41 = arith.constant 48 : index
      %parallel_loop3A_42 = tpu.vector_load %arg4[%parallel_loop3A_40, %parallel_loop3A_41] {strides = array<i32>} : memref<256x128xf32, #tpu.memory_space<vmem>>, vector<16xf32>,
      %parallel_loop3A_43 = arith.constant 48 : i32
      %parallel_loop3A_44 = vector.broadcast %parallel_loop3A_43 : i32 to vector<16xi32>
      %parallel_loop3A_45 = arith.addi %iota3A, %parallel_loop3A_44 : vector<16xi32>
      %parallel_loop3A_46 = arith.constant dense<true> : vector<16xi1>
      %parallel_loop3A_47, %parallel_loop3A_48, %parallel_loop3A_49 = tpu.sort %parallel_loop3A_42, %parallel_loop3A_45 masked %parallel_loop3A_46 {descending = true} : (vector<16xf32>, vector<16xi32>, vector<16xi1>) -> (vector<16xi1>, vector<16xf32>, vector<16xi32>)
      %parallel_loop3A_50 = arith.constant 15 : i32
      %parallel_loop3A_51 = vector.broadcast %parallel_loop3A_50 : i32 to vector<16xi32>
      %parallel_loop3A_52 = tpu.iota {dimensions = array<i32: 0>} : vector<16xi32>
      %parallel_loop3A_53 = arith.subi %parallel_loop3A_51, %parallel_loop3A_52 : vector<16xi32>
      %parallel_loop3A_54 = tpu.dynamic_gather %parallel_loop3A_28[%parallel_loop3A_53] in [0] : vector<16xf32>, vector<16xi32> -> vector<16xf32>
      %parallel_loop3A_55 = arith.constant 15 : i32
      %parallel_loop3A_56 = vector.broadcast %parallel_loop3A_55 : i32 to vector<16xi32>
      %parallel_loop3A_57 = tpu.iota {dimensions = array<i32: 0>} : vector<16xi32>
      %parallel_loop3A_58 = arith.subi %parallel_loop3A_56, %parallel_loop3A_57 : vector<16xi32>
      %parallel_loop3A_59 = tpu.dynamic_gather %parallel_loop3A_29[%parallel_loop3A_58] in [0] : vector<16xi32>, vector<16xi32> -> vector<16xi32>
      %parallel_loop3A_60 = arith.cmpf oge, %parallel_loop3A_18, %parallel_loop3A_54 : vector<16xf32>
      %parallel_loop3A_61 = arith.select %parallel_loop3A_60, %parallel_loop3A_18, %parallel_loop3A_54 : vector<16xi1>, vector<16xf32>
      %parallel_loop3A_62 = arith.select %parallel_loop3A_60, %parallel_loop3A_19, %parallel_loop3A_59 : vector<16xi1>, vector<16xi32>
      %parallel_loop3A_63 = arith.constant dense<true> : vector<16xi1>
      %parallel_loop3A_64, %parallel_loop3A_65, %parallel_loop3A_66 = tpu.sort %parallel_loop3A_61, %parallel_loop3A_62 masked %parallel_loop3A_63 {descending = true} : (vector<16xf32>, vector<16xi32>, vector<16xi1>) -> (vector<16xi1>, vector<16xf32>, vector<16xi32>)
      %parallel_loop3A_67 = arith.constant 15 : i32
      %parallel_loop3A_68 = vector.broadcast %parallel_loop3A_67 : i32 to vector<16xi32>
      %parallel_loop3A_69 = tpu.iota {dimensions = array<i32: 0>} : vector<16xi32>
      %parallel_loop3A_70 = arith.subi %parallel_loop3A_68, %parallel_loop3A_69 : vector<16xi32>
      %parallel_loop3A_71 = tpu.dynamic_gather %parallel_loop3A_48[%parallel_loop3A_70] in [0] : vector<16xf32>, vector<16xi32> -> vector<16xf32>
      %parallel_loop3A_72 = arith.constant 15 : i32
      %parallel_loop3A_73 = vector.broadcast %parallel_loop3A_72 : i32 to vector<16xi32>
      %parallel_loop3A_74 = tpu.iota {dimensions = array<i32: 0>} : vector<16xi32>
      %parallel_loop3A_75 = arith.subi %parallel_loop3A_73, %parallel_loop3A_74 : vector<16xi32>
      %parallel_loop3A_76 = tpu.dynamic_gather %parallel_loop3A_49[%parallel_loop3A_75] in [0] : vector<16xi32>, vector<16xi32> -> vector<16xi32>
      %parallel_loop3A_77 = arith.cmpf oge, %parallel_loop3A_38, %parallel_loop3A_71 : vector<16xf32>
      %parallel_loop3A_78 = arith.select %parallel_loop3A_77, %parallel_loop3A_38, %parallel_loop3A_71 : vector<16xi1>, vector<16xf32>
      %parallel_loop3A_79 = arith.select %parallel_loop3A_77, %parallel_loop3A_39, %parallel_loop3A_76 : vector<16xi1>, vector<16xi32>
      %parallel_loop3A_80 = arith.constant dense<true> : vector<16xi1>
      %parallel_loop3A_81, %parallel_loop3A_82, %parallel_loop3A_83 = tpu.sort %parallel_loop3A_78, %parallel_loop3A_79 masked %parallel_loop3A_80 {descending = true} : (vector<16xf32>, vector<16xi32>, vector<16xi1>) -> (vector<16xi1>, vector<16xf32>, vector<16xi32>)
      %parallel_loop3A_84 = arith.constant 15 : i32
      %parallel_loop3A_85 = vector.broadcast %parallel_loop3A_84 : i32 to vector<16xi32>
      %parallel_loop3A_86 = tpu.iota {dimensions = array<i32: 0>} : vector<16xi32>
      %parallel_loop3A_87 = arith.subi %parallel_loop3A_85, %parallel_loop3A_86 : vector<16xi32>
      %parallel_loop3A_88 = tpu.dynamic_gather %parallel_loop3A_82[%parallel_loop3A_87] in [0] : vector<16xf32>, vector<16xi32> -> vector<16xf32>
      %parallel_loop3A_89 = arith.constant 15 : i32
      %parallel_loop3A_90 = vector.broadcast %parallel_loop3A_89 : i32 to vector<16xi32>
      %parallel_loop3A_91 = tpu.iota {dimensions = array<i32: 0>} : vector<16xi32>
      %parallel_loop3A_92 = arith.subi %parallel_loop3A_90, %parallel_loop3A_91 : vector<16xi32>
      %parallel_loop3A_93 = tpu.dynamic_gather %parallel_loop3A_83[%parallel_loop3A_92] in [0] : vector<16xi32>, vector<16xi32> -> vector<16xi32>
      %parallel_loop3A_94 = arith.cmpf oge, %parallel_loop3A_65, %parallel_loop3A_88 : vector<16xf32>
      %parallel_loop3A_95 = arith.select %parallel_loop3A_94, %parallel_loop3A_65, %parallel_loop3A_88 : vector<16xi1>, vector<16xf32>
      %parallel_loop3A_96 = arith.select %parallel_loop3A_94, %parallel_loop3A_66, %parallel_loop3A_93 : vector<16xi1>, vector<16xi32>
      %parallel_loop3A_97 = arith.constant dense<true> : vector<16xi1>
      %parallel_loop3A_98, %parallel_loop3A_99, %parallel_loop3A_100 = tpu.sort %parallel_loop3A_95, %parallel_loop3A_96 masked %parallel_loop3A_97 {descending = true} : (vector<16xf32>, vector<16xi32>, vector<16xi1>) -> (vector<16xi1>, vector<16xf32>, vector<16xi32>)
      %parallel_loop3A_101 = arith.constant true
      %parallel_loop3A_102 = vector.broadcast %parallel_loop3A_101 : i1 to vector<16xi1>
      %parallel_loop3A_103 = tpu.scan <max>, %parallel_loop3A_99 masked %parallel_loop3A_102 : vector<16xf32>, vector<16xi1> -> vector<16xf32>
      %parallel_loop3A_104 = vector.extract %parallel_loop3A_103[15] : f32 from vector<16xf32>
      %parallel_loop3A_105 = vector.broadcast %parallel_loop3A_104 : f32 to vector<16xf32>
      %parallel_loop3A_106 = arith.subf %parallel_loop3A_99, %parallel_loop3A_105 : vector<16xf32>
      %parallel_loop3A_107 = math.exp %parallel_loop3A_106 : vector<16xf32>
      %parallel_loop3A_108 = arith.constant 0.000000e+00 : f32
      %parallel_loop3A_109 = vector.broadcast %parallel_loop3A_108 : f32 to vector<16xf32>
      %parallel_loop3A_110 = arith.select %lt3A_4, %parallel_loop3A_107, %parallel_loop3A_109 : vector<16xi1>, vector<16xf32>
      %parallel_loop3A_111 = arith.constant true
      %parallel_loop3A_112 = vector.broadcast %parallel_loop3A_111 : i1 to vector<16xi1>
      %parallel_loop3A_113 = tpu.scan <sum>, %parallel_loop3A_110 masked %parallel_loop3A_112 : vector<16xf32>, vector<16xi1> -> vector<16xf32>
      %parallel_loop3A_114 = vector.extract %parallel_loop3A_113[15] : f32 from vector<16xf32>
      %parallel_loop3A_115 = vector.broadcast %parallel_loop3A_9 : i32 to vector<16xi32>
      %parallel_loop3A_116 = arith.constant 64 : i32
      %parallel_loop3A_117 = vector.broadcast %parallel_loop3A_116 : i32 to vector<16xi32>
      %parallel_loop3A_118 = arith.addi %parallel_loop3A_100, %parallel_loop3A_117 : vector<16xi32>
      %parallel_loop3A_119 = tpu.vector_load_idx %arg4[%parallel_loop3A_115, %parallel_loop3A_118] : memref<256x128xf32, #tpu.memory_space<vmem>>[vector<16xi32>, vector<16xi32>], vector<16xf32>,
      %parallel_loop3A_120 = arith.mulf %parallel_loop3A_110, %parallel_loop3A_119 : vector<16xf32>
      %parallel_loop3A_121 = arith.constant true
      %parallel_loop3A_122 = vector.broadcast %parallel_loop3A_121 : i1 to vector<16xi1>
      %parallel_loop3A_123 = tpu.scan <sum>, %parallel_loop3A_120 masked %parallel_loop3A_122 : vector<16xf32>, vector<16xi1> -> vector<16xf32>
      %parallel_loop3A_124 = vector.extract %parallel_loop3A_123[15] : f32 from vector<16xf32>
      %parallel_loop3A_125 = vector.broadcast %parallel_loop3A_124 : f32 to vector<16xf32>
      %parallel_loop3A_126 = vector.broadcast %parallel_loop3A_114 : f32 to vector<16xf32>
      %parallel_loop3A_127 = arith.divf %parallel_loop3A_125, %parallel_loop3A_126 : vector<16xf32>
      %parallel_loop3A_128 = arith.constant 0 : i32
      %parallel_loop3A_129 = arith.addi %parallel_loop3A_128, %parallel_loop3A_9 : i32
      %parallel_loop3A_130 = vector.broadcast %parallel_loop3A_129 : i32 to vector<16xi32>
      %parallel_loop3A_131 = arith.constant 0 : i32
      %parallel_loop3A_132 = vector.broadcast %parallel_loop3A_131 : i32 to vector<16xi32>
      %parallel_loop3A_133 = arith.cmpi eq, %iota3A, %parallel_loop3A_132 : vector<16xi32>
      tpu.vector_store_idx %arg5[%parallel_loop3A_130], %parallel_loop3A_127 masked %parallel_loop3A_133 : memref<256xf32, #tpu.memory_space<vmem>>[vector<16xi32>], vector<16xf32>, vector<16xi1>
    } {sc.loop_unroll_factor = 2 : i64, sc.parallel_access}
    "tpu.region"() ({
      %run_scoped3A = tpu.sem_alloc : memref<!tpu.dma_semaphore, #tpu.memory_space<semaphore_mem>>
      %dma_start3A = tpu.memref_slice %arg3[%mul3A_2] : memref<8192xf32, #tpu.memory_space<hbm>> -> memref<256xf32, #tpu.memory_space<hbm>>
      %dma_start3A_9 = tpu.memref_slice %arg3[%mul3A_2] : memref<8192xf32, #tpu.memory_space<hbm>> -> memref<256xf32, #tpu.memory_space<hbm>>
      tpu.enqueue_dma source(%arg5 : memref<256xf32, #tpu.memory_space<vmem>>) target(%dma_start3A_9 : memref<256xf32, #tpu.memory_space<hbm>>) target_semaphore(%run_scoped3A : memref<!tpu.dma_semaphore, #tpu.memory_space<semaphore_mem>>)
      %dma_wait3A = tpu.memref_slice %arg3[%mul3A_2] : memref<8192xf32, #tpu.memory_space<hbm>> -> memref<256xf32, #tpu.memory_space<hbm>>
      %dma_wait3A_10 = tpu.memref_slice %arg3[%mul3A_2] : memref<8192xf32, #tpu.memory_space<hbm>> -> memref<256xf32, #tpu.memory_space<hbm>>
      tpu.wait_dma2 semaphore(%run_scoped3A : memref<!tpu.dma_semaphore, #tpu.memory_space<semaphore_mem>>) src(%arg5 : memref<256xf32, #tpu.memory_space<vmem>>) dst(%dma_wait3A_10 : memref<256xf32, #tpu.memory_space<hbm>>)
      tpu.yield
    }) : () -> ()
    return
  }
}

module attributes {stable_mosaic.version = 14 : i64} {
  func.func @_mm_body(%arg0: i32, %arg1: memref<1024x4096xf32, #tpu.memory_space<vmem>>, %arg2: memref<4096x128xf32, #tpu.memory_space<vmem>>, %arg3: memref<1x128xf32, #tpu.memory_space<vmem>>, %arg4: memref<1024x128xf32, #tpu.memory_space<vmem>>) attributes {dimension_semantics = [#tpu.dimension_semantics<arbitrary>], iteration_bounds = array<i64: 8>, scalar_prefetch = 0 : i64, scratch_operands = 0 : i64, tpu.core_type = #tpu.core_type<tc>, window_params = [{transform_indices = @transform_0, window_bounds = array<i64: 1024, 4096>}, {pipeline_mode = #tpu.pipeline_mode<synchronous>, transform_indices = @transform_1, window_bounds = array<i64: 4096, 128>}, {pipeline_mode = #tpu.pipeline_mode<synchronous>, transform_indices = @transform_2, window_bounds = array<i64: 1, 128>}, {transform_indices = @transform_3, window_bounds = array<i64: 1024, 128>}]} {
    %get3A = arith.constant 0 : index
    %get3A_0 = arith.constant 0 : index
    %get3A_1 = vector.load %arg1[%get3A, %get3A_0] : memref<1024x4096xf32, #tpu.memory_space<vmem>>, vector<1024x4096xf32>
    %get3A_2 = arith.constant 0 : index
    %get3A_3 = arith.constant 0 : index
    %get3A_4 = vector.load %arg2[%get3A_2, %get3A_3] : memref<4096x128xf32, #tpu.memory_space<vmem>>, vector<4096x128xf32>
    %dot_general3A = arith.constant dense<0.000000e+00> : vector<1024x128xf32>
    %dot_general3A_5 = tpu.matmul %get3A_1, %get3A_4, %dot_general3A {dimension_numbers = #tpu.dot_dimension_numbers<[1], [0], [0], [1], [0, 0, 1, 1], [], []>, transpose_lhs_hint = false} : vector<1024x4096xf32>, vector<4096x128xf32>, vector<1024x128xf32> -> vector<1024x128xf32>
    %get3A_6 = arith.constant 0 : index
    %get3A_7 = arith.constant 0 : index
    %get3A_8 = vector.load %arg3[%get3A_6, %get3A_7] : memref<1x128xf32, #tpu.memory_space<vmem>>, vector<1x128xf32>
    %add3A = vector.broadcast %get3A_8 : vector<1x128xf32> to vector<1024x128xf32>
    %add3A_9 = arith.addf %dot_general3A_5, %add3A : vector<1024x128xf32>
    %swap3A = arith.constant 0 : index
    %swap3A_10 = arith.constant 0 : index
    %swap3A_11 = vector.load %arg4[%swap3A, %swap3A_10] : memref<1024x128xf32, #tpu.memory_space<vmem>>, vector<1024x128xf32>
    tpu.vector_store %arg4[%swap3A, %swap3A_10], %add3A_9 {strides = array<i32>} : memref<1024x128xf32, #tpu.memory_space<vmem>>, vector<1024x128xf32>,
    return
  }
  func.func @transform_0(%arg0: i32) -> (i32, i32) {
    %add3A = arith.constant 24 : i32
    %add3A_0 = arith.addi %arg0, %add3A : i32
    %c0_i32 = arith.constant 0 : i32
    %c0_i32_1 = arith.constant 0 : i32
    return %add3A_0, %c0_i32 : i32, i32
  }
  func.func @transform_1(%arg0: i32) -> (i32, i32) {
    %c0_i32 = arith.constant 0 : i32
    %c0_i32_0 = arith.constant 0 : i32
    %c0_i32_1 = arith.constant 0 : i32
    return %c0_i32, %c0_i32_0 : i32, i32
  }
  func.func @transform_2(%arg0: i32) -> (i32, i32) {
    %c0_i32 = arith.constant 0 : i32
    %c0_i32_0 = arith.constant 0 : i32
    %c0_i32_1 = arith.constant 0 : i32
    return %c0_i32, %c0_i32_0 : i32, i32
  }
  func.func @transform_3(%arg0: i32) -> (i32, i32) {
    %c0_i32 = arith.constant 0 : i32
    %c0_i32_0 = arith.constant 0 : i32
    return %arg0, %c0_i32 : i32, i32
  }
}

module attributes {stable_mosaic.version = 14 : i64} {
  func.func @_mm_body(%arg0: i32, %arg1: memref<1024x4096xf32, #tpu.memory_space<vmem>>, %arg2: memref<4096x128xf32, #tpu.memory_space<vmem>>, %arg3: memref<1x128xf32, #tpu.memory_space<vmem>>, %arg4: memref<1024x128xf32, #tpu.memory_space<vmem>>) attributes {dimension_semantics = [#tpu.dimension_semantics<arbitrary>], iteration_bounds = array<i64: 8>, scalar_prefetch = 0 : i64, scratch_operands = 0 : i64, tpu.core_type = #tpu.core_type<tc>, window_params = [{transform_indices = @transform_0, window_bounds = array<i64: 1024, 4096>}, {pipeline_mode = #tpu.pipeline_mode<synchronous>, transform_indices = @transform_1, window_bounds = array<i64: 4096, 128>}, {pipeline_mode = #tpu.pipeline_mode<synchronous>, transform_indices = @transform_2, window_bounds = array<i64: 1, 128>}, {transform_indices = @transform_3, window_bounds = array<i64: 1024, 128>}]} {
    %get3A = arith.constant 0 : index
    %get3A_0 = arith.constant 0 : index
    %get3A_1 = vector.load %arg1[%get3A, %get3A_0] : memref<1024x4096xf32, #tpu.memory_space<vmem>>, vector<1024x4096xf32>
    %get3A_2 = arith.constant 0 : index
    %get3A_3 = arith.constant 0 : index
    %get3A_4 = vector.load %arg2[%get3A_2, %get3A_3] : memref<4096x128xf32, #tpu.memory_space<vmem>>, vector<4096x128xf32>
    %dot_general3A = arith.constant dense<0.000000e+00> : vector<1024x128xf32>
    %dot_general3A_5 = tpu.matmul %get3A_1, %get3A_4, %dot_general3A {dimension_numbers = #tpu.dot_dimension_numbers<[1], [0], [0], [1], [0, 0, 1, 1], [], []>, transpose_lhs_hint = false} : vector<1024x4096xf32>, vector<4096x128xf32>, vector<1024x128xf32> -> vector<1024x128xf32>
    %get3A_6 = arith.constant 0 : index
    %get3A_7 = arith.constant 0 : index
    %get3A_8 = vector.load %arg3[%get3A_6, %get3A_7] : memref<1x128xf32, #tpu.memory_space<vmem>>, vector<1x128xf32>
    %add3A = vector.broadcast %get3A_8 : vector<1x128xf32> to vector<1024x128xf32>
    %add3A_9 = arith.addf %dot_general3A_5, %add3A : vector<1024x128xf32>
    %swap3A = arith.constant 0 : index
    %swap3A_10 = arith.constant 0 : index
    %swap3A_11 = vector.load %arg4[%swap3A, %swap3A_10] : memref<1024x128xf32, #tpu.memory_space<vmem>>, vector<1024x128xf32>
    tpu.vector_store %arg4[%swap3A, %swap3A_10], %add3A_9 {strides = array<i32>} : memref<1024x128xf32, #tpu.memory_space<vmem>>, vector<1024x128xf32>,
    return
  }
  func.func @transform_0(%arg0: i32) -> (i32, i32) {
    %add3A = arith.constant 16 : i32
    %add3A_0 = arith.addi %arg0, %add3A : i32
    %c0_i32 = arith.constant 0 : i32
    %c0_i32_1 = arith.constant 0 : i32
    return %add3A_0, %c0_i32 : i32, i32
  }
  func.func @transform_1(%arg0: i32) -> (i32, i32) {
    %c0_i32 = arith.constant 0 : i32
    %c0_i32_0 = arith.constant 0 : i32
    %c0_i32_1 = arith.constant 0 : i32
    return %c0_i32, %c0_i32_0 : i32, i32
  }
  func.func @transform_2(%arg0: i32) -> (i32, i32) {
    %c0_i32 = arith.constant 0 : i32
    %c0_i32_0 = arith.constant 0 : i32
    %c0_i32_1 = arith.constant 0 : i32
    return %c0_i32, %c0_i32_0 : i32, i32
  }
  func.func @transform_3(%arg0: i32) -> (i32, i32) {
    %c0_i32 = arith.constant 0 : i32
    %c0_i32_0 = arith.constant 0 : i32
    return %arg0, %c0_i32 : i32, i32
  }
}

module attributes {stable_mosaic.version = 14 : i64} {
  func.func @_mm_body(%arg0: i32, %arg1: memref<1024x4096xf32, #tpu.memory_space<vmem>>, %arg2: memref<4096x128xf32, #tpu.memory_space<vmem>>, %arg3: memref<1x128xf32, #tpu.memory_space<vmem>>, %arg4: memref<1024x128xf32, #tpu.memory_space<vmem>>) attributes {dimension_semantics = [#tpu.dimension_semantics<arbitrary>], iteration_bounds = array<i64: 8>, scalar_prefetch = 0 : i64, scratch_operands = 0 : i64, tpu.core_type = #tpu.core_type<tc>, window_params = [{transform_indices = @transform_0, window_bounds = array<i64: 1024, 4096>}, {pipeline_mode = #tpu.pipeline_mode<synchronous>, transform_indices = @transform_1, window_bounds = array<i64: 4096, 128>}, {pipeline_mode = #tpu.pipeline_mode<synchronous>, transform_indices = @transform_2, window_bounds = array<i64: 1, 128>}, {transform_indices = @transform_3, window_bounds = array<i64: 1024, 128>}]} {
    %get3A = arith.constant 0 : index
    %get3A_0 = arith.constant 0 : index
    %get3A_1 = vector.load %arg1[%get3A, %get3A_0] : memref<1024x4096xf32, #tpu.memory_space<vmem>>, vector<1024x4096xf32>
    %get3A_2 = arith.constant 0 : index
    %get3A_3 = arith.constant 0 : index
    %get3A_4 = vector.load %arg2[%get3A_2, %get3A_3] : memref<4096x128xf32, #tpu.memory_space<vmem>>, vector<4096x128xf32>
    %dot_general3A = arith.constant dense<0.000000e+00> : vector<1024x128xf32>
    %dot_general3A_5 = tpu.matmul %get3A_1, %get3A_4, %dot_general3A {dimension_numbers = #tpu.dot_dimension_numbers<[1], [0], [0], [1], [0, 0, 1, 1], [], []>, transpose_lhs_hint = false} : vector<1024x4096xf32>, vector<4096x128xf32>, vector<1024x128xf32> -> vector<1024x128xf32>
    %get3A_6 = arith.constant 0 : index
    %get3A_7 = arith.constant 0 : index
    %get3A_8 = vector.load %arg3[%get3A_6, %get3A_7] : memref<1x128xf32, #tpu.memory_space<vmem>>, vector<1x128xf32>
    %add3A = vector.broadcast %get3A_8 : vector<1x128xf32> to vector<1024x128xf32>
    %add3A_9 = arith.addf %dot_general3A_5, %add3A : vector<1024x128xf32>
    %swap3A = arith.constant 0 : index
    %swap3A_10 = arith.constant 0 : index
    %swap3A_11 = vector.load %arg4[%swap3A, %swap3A_10] : memref<1024x128xf32, #tpu.memory_space<vmem>>, vector<1024x128xf32>
    tpu.vector_store %arg4[%swap3A, %swap3A_10], %add3A_9 {strides = array<i32>} : memref<1024x128xf32, #tpu.memory_space<vmem>>, vector<1024x128xf32>,
    return
  }
  func.func @transform_0(%arg0: i32) -> (i32, i32) {
    %add3A = arith.constant 8 : i32
    %add3A_0 = arith.addi %arg0, %add3A : i32
    %c0_i32 = arith.constant 0 : i32
    %c0_i32_1 = arith.constant 0 : i32
    return %add3A_0, %c0_i32 : i32, i32
  }
  func.func @transform_1(%arg0: i32) -> (i32, i32) {
    %c0_i32 = arith.constant 0 : i32
    %c0_i32_0 = arith.constant 0 : i32
    %c0_i32_1 = arith.constant 0 : i32
    return %c0_i32, %c0_i32_0 : i32, i32
  }
  func.func @transform_2(%arg0: i32) -> (i32, i32) {
    %c0_i32 = arith.constant 0 : i32
    %c0_i32_0 = arith.constant 0 : i32
    %c0_i32_1 = arith.constant 0 : i32
    return %c0_i32, %c0_i32_0 : i32, i32
  }
  func.func @transform_3(%arg0: i32) -> (i32, i32) {
    %c0_i32 = arith.constant 0 : i32
    %c0_i32_0 = arith.constant 0 : i32
    return %arg0, %c0_i32 : i32, i32
  }
}

module attributes {stable_mosaic.version = 14 : i64} {
  func.func @_mm_body(%arg0: i32, %arg1: memref<1024x4096xf32, #tpu.memory_space<vmem>>, %arg2: memref<4096x128xf32, #tpu.memory_space<vmem>>, %arg3: memref<1x128xf32, #tpu.memory_space<vmem>>, %arg4: memref<1024x128xf32, #tpu.memory_space<vmem>>) attributes {dimension_semantics = [#tpu.dimension_semantics<arbitrary>], iteration_bounds = array<i64: 8>, scalar_prefetch = 0 : i64, scratch_operands = 0 : i64, tpu.core_type = #tpu.core_type<tc>, window_params = [{transform_indices = @transform_0, window_bounds = array<i64: 1024, 4096>}, {pipeline_mode = #tpu.pipeline_mode<synchronous>, transform_indices = @transform_1, window_bounds = array<i64: 4096, 128>}, {pipeline_mode = #tpu.pipeline_mode<synchronous>, transform_indices = @transform_2, window_bounds = array<i64: 1, 128>}, {transform_indices = @transform_3, window_bounds = array<i64: 1024, 128>}]} {
    %get3A = arith.constant 0 : index
    %get3A_0 = arith.constant 0 : index
    %get3A_1 = vector.load %arg1[%get3A, %get3A_0] : memref<1024x4096xf32, #tpu.memory_space<vmem>>, vector<1024x4096xf32>
    %get3A_2 = arith.constant 0 : index
    %get3A_3 = arith.constant 0 : index
    %get3A_4 = vector.load %arg2[%get3A_2, %get3A_3] : memref<4096x128xf32, #tpu.memory_space<vmem>>, vector<4096x128xf32>
    %dot_general3A = arith.constant dense<0.000000e+00> : vector<1024x128xf32>
    %dot_general3A_5 = tpu.matmul %get3A_1, %get3A_4, %dot_general3A {dimension_numbers = #tpu.dot_dimension_numbers<[1], [0], [0], [1], [0, 0, 1, 1], [], []>, transpose_lhs_hint = false} : vector<1024x4096xf32>, vector<4096x128xf32>, vector<1024x128xf32> -> vector<1024x128xf32>
    %get3A_6 = arith.constant 0 : index
    %get3A_7 = arith.constant 0 : index
    %get3A_8 = vector.load %arg3[%get3A_6, %get3A_7] : memref<1x128xf32, #tpu.memory_space<vmem>>, vector<1x128xf32>
    %add3A = vector.broadcast %get3A_8 : vector<1x128xf32> to vector<1024x128xf32>
    %add3A_9 = arith.addf %dot_general3A_5, %add3A : vector<1024x128xf32>
    %swap3A = arith.constant 0 : index
    %swap3A_10 = arith.constant 0 : index
    %swap3A_11 = vector.load %arg4[%swap3A, %swap3A_10] : memref<1024x128xf32, #tpu.memory_space<vmem>>, vector<1024x128xf32>
    tpu.vector_store %arg4[%swap3A, %swap3A_10], %add3A_9 {strides = array<i32>} : memref<1024x128xf32, #tpu.memory_space<vmem>>, vector<1024x128xf32>,
    return
  }
  func.func @transform_0(%arg0: i32) -> (i32, i32) {
    %add3A = arith.constant 0 : i32
    %add3A_0 = arith.addi %arg0, %add3A : i32
    %c0_i32 = arith.constant 0 : i32
    %c0_i32_1 = arith.constant 0 : i32
    return %add3A_0, %c0_i32 : i32, i32
  }
  func.func @transform_1(%arg0: i32) -> (i32, i32) {
    %c0_i32 = arith.constant 0 : i32
    %c0_i32_0 = arith.constant 0 : i32
    %c0_i32_1 = arith.constant 0 : i32
    return %c0_i32, %c0_i32_0 : i32, i32
  }
  func.func @transform_2(%arg0: i32) -> (i32, i32) {
    %c0_i32 = arith.constant 0 : i32
    %c0_i32_0 = arith.constant 0 : i32
    %c0_i32_1 = arith.constant 0 : i32
    return %c0_i32, %c0_i32_0 : i32, i32
  }
  func.func @transform_3(%arg0: i32) -> (i32, i32) {
    %c0_i32 = arith.constant 0 : i32
    %c0_i32_0 = arith.constant 0 : i32
    return %arg0, %c0_i32 : i32, i32
  }
}

</mosaic_0001>

<sc_bundles>
// kernel: kernel.10.cloned.1.call-start
scs
__scs_entry_jumppad:
0x0: {  	(pc) =	sbr.rel $0x88, $3  }
0x1: {  	(tag) =	ssettag $0x0;
	lr =	simm.s32 $0x1  }
0x2: {  	[smem:$0x3F9D] =	sst lr;
	_ =	strace $0xD0000000  }
0x3: {  	_ = 	snop  }
0x4: {  	_ = 	snop  }
0x5: {  	_ = 	snop  }
0x6: {  	_ = 	snop  }
0x7: {  	_ = 	snop  }
__scs_overlays_trampoline_lowered:
0x8: {  	[smem:$0x3FAC] =	sst s0  }
0x9: {  	[smem:$0x3FAD] =	sst s1  }
0xa: {  	[smem:$0x3FAE] =	sst s2  }
0xb: {  	[smem:$0x3FAF] =	sst s3  }
0xc: {  	[smem:$0x3FB0] =	sst s4  }
0xd: {  	[smem:$0x3FB1] =	sst s5  }
0xe: {  	[smem:$0x3FB2] =	sst s6  }
0xf: {  	[smem:$0x3FB3] =	sst s7  }
0x10: {  	[smem:$0x3FB4] =	sst s8  }
0x11: {  	[smem:$0x3FB5] =	sst s9;
	s0 =	simm.s32 @!p0 $0x0  }
0x12: {  	s1 =	sld [smem:$0x3F9B];
	s0 =	simm.s32 @p0 $0x1  }
0x13: {  	[smem:$0x3FB6] =	sst s0;
	s0 =	simm.s32 @!p1 $0x0  }
0x14: {  	s2 =	sld [smem:$0x3F9A];
	s0 =	simm.s32 @p1 $0x1  }
0x15: {  	[smem:$0x3FB7] =	sst s0;
	s0 =	simm.s32 @!p2 $0x0  }
0x16: {  	s3 =	sld [smem:$0x3FDB];
	s0 =	simm.s32 @p2 $0x1  }
0x17: {  	s4 =	simm.s32 $0x1BF5;
	[smem:$0x3FB9] =	sst s0  }
0x18: {  	s0 =	sld [smem:$0x3F9C];
	_ =	swait.ge [sflag:s4], $0x0  }
0x19: {  	s7 =	sld [smem:$0x3F9D]  }
0x1a: {  	s8 =	sadd.s32 $0xFFFFE003, lr  }
0x1b: {  	s9 =	sadd.s32 $0xFFFFFEF7, lr;
	s5 =	simm.s32 $0xFFFFFFFF;
	p2 =	slt.u32 s8, $0xFFFFF086  }
0x1c: {  	p1 =	slt.u32 s9, $0xF7A;
	s5 =	simm.s32 @!p2 $0x0  }
0x1d: {  	s5 =	simm.s32 @p1 $0x1;
	p0 =	seq.s32 s7, s2  }
0x1e: {  	s7 =	smul.u32 @!p0 $0xF7A, s2;
	p2 =	seq.s32 @!p0 s5, $0x0  }
0x1f: {  	s9 =	smul.u32 $0xF7A, s1;
	s8 =	simm.s32 @!p0 $0x1BF5;
	p2 =	por !p2, p0  }
0x20: {  	[sflag:s8] =	ssyncset.s32 @!p0 $0xFFFFF086;
	s6 =	sadd.s32 @!p0 s3, s7;
	s7 =	simm.s32 @!p0 $0x108  }
0x21: {  	s3 =	sadd.s32 s3, s9;
	s6 =	sadd.s32 @!p0 $0x88, s6;
	s7 =	simm.s32 @p2 $0x1082  }
0x22: {  	[simem:s7], [sflag:s8] =	dma.local @!p0 [hbm:s6], $0xF7A  }
0x23: {  	s9 =	sor.u32 $0xD0000000, s2;
	s6 =	simm.s32 $0x108;
	_ =	swait.ge @!p0 [sflag:s8], $0x0  }
0x24: {  	s3 =	sadd.s32 $0x88, s3;
	s6 =	simm.s32 @!p1 $0x1082;
	[sflag:s4] =	ssyncset.s32 $0xFFFFF086  }
0x25: {  	[simem:s6], [sflag:s4] =	dma.local [hbm:s3], $0xF7A  }
0x26: {  	[smem:$0x3F9D] =	sst s1;
	(tag) =	ssettag s2;
	_ =	strace s9  }
0x27: {  	s1 =	sld [smem:$0x3FAD]  }
0x28: {  	s2 =	sld [smem:$0x3FAE]  }
0x29: {  	s4 =	sld [smem:$0x3FB0]  }
0x2a: {  	p0 =	seq.s32 s5, $0x0;
	s5 =	sld [smem:$0x3FB1]  }
0x2b: {  	s6 =	sld [smem:$0x3FB2]  }
0x2c: {  	s7 =	sld [smem:$0x3FB3]  }
0x2d: {  	s3 =	simm.s32 $0x108;
	s8 =	sld [smem:$0x3FB4]  }
0x2e: {  	s3 =	simm.s32 @!p0 $0x1082;
	s9 =	sld [smem:$0x3FB5]  }
0x2f: {  	lr =	sadd.s32 s0, s3;
	s0 =	sld [smem:$0x3FAC]  }
0x30: {  	s3 =	sld [smem:$0x3FAF]  }
0x31: {  	[smem:$0x3FB8] =	sst s10  }
0x32: {  	s10 =	sld [smem:$0x3FB6];
	_ =	sdelay $0x3  }
0x33: {  	p0 =	seq.s32 s10, $0x1;
	s10 =	sld [smem:$0x3FB8];
	_ =	sdelay $0x3  }
0x34: {  	[smem:$0x3FB8] =	sst s10  }
0x35: {  	s10 =	sld [smem:$0x3FB7];
	_ =	sdelay $0x3  }
0x36: {  	p1 =	seq.s32 s10, $0x1;
	s10 =	sld [smem:$0x3FB8];
	_ =	sdelay $0x3  }
0x37: {  	[smem:$0x3FB8] =	sst s10  }
0x38: {  	s10 =	sld [smem:$0x3FB9]  }
0x39: {  	_ = 	snop;
	(pc) =	sbr.ind lr, $3  }
0x3a: {  	_ = 	snop  }
0x3b: {  	_ = 	snop  }
0x3c: {  	p2 =	seq.s32 s10, $0x1;
	s10 =	sld [smem:$0x3FB8]  }
0x3d: {  	_ =	shalt  }
0x3e: {  	_ =	shalt  }
0x3f: {  	_ =	shalt  }
0x40: {  	_ =	shalt  }
0x41: {  	_ =	shalt  }
0x42: {  	_ =	shalt  }
0x43: {  	_ =	shalt  }
0x44: {  	_ =	shalt  }
0x45: {  	_ =	shalt  }
0x46: {  	_ =	shalt  }
0x47: {  	_ =	shalt  }
0x48: {  	_ =	shalt  }
0x49: {  	_ =	shalt  }
0x4a: {  	_ =	shalt  }
0x4b: {  	_ =	shalt  }
0x4c: {  	_ =	shalt  }
0x4d: {  	_ =	shalt  }
0x4e: {  	_ =	shalt  }
0x4f: {  	_ =	shalt  }
0x50: {  	_ =	shalt  }
0x51: {  	_ =	shalt  }
0x52: {  	_ =	shalt  }
0x53: {  	_ =	shalt  }
0x54: {  	_ =	shalt  }
0x55: {  	_ =	shalt  }
0x56: {  	_ =	shalt  }
0x57: {  	_ =	shalt  }
0x58: {  	_ =	shalt  }
0x59: {  	_ =	shalt  }
0x5a: {  	_ =	shalt  }
0x5b: {  	_ =	shalt  }
0x5c: {  	_ =	shalt  }
0x5d: {  	_ =	shalt  }
0x5e: {  	_ =	shalt  }
0x5f: {  	_ =	shalt  }
0x60: {  	_ =	shalt  }
0x61: {  	_ =	shalt  }
0x62: {  	_ =	shalt  }
0x63: {  	_ =	shalt  }
0x64: {  	_ =	shalt  }
0x65: {  	_ =	shalt  }
0x66: {  	_ =	shalt  }
0x67: {  	_ =	shalt  }
0x68: {  	_ =	shalt  }
0x69: {  	_ =	shalt  }
0x6a: {  	_ =	shalt  }
0x6b: {  	_ =	shalt  }
0x6c: {  	_ =	shalt  }
0x6d: {  	_ =	shalt  }
0x6e: {  	_ =	shalt  }
0x6f: {  	_ =	shalt  }
0x70: {  	_ =	shalt  }
0x71: {  	_ =	shalt  }
0x72: {  	_ =	shalt  }
0x73: {  	_ =	shalt  }
0x74: {  	_ =	shalt  }
0x75: {  	_ =	shalt  }
0x76: {  	_ =	shalt  }
0x77: {  	_ =	shalt  }
0x78: {  	_ =	shalt  }
0x79: {  	_ =	shalt  }
0x7a: {  	_ =	shalt  }
0x7b: {  	_ =	shalt  }
0x7c: {  	_ =	shalt  }
0x7d: {  	_ =	shalt  }
0x7e: {  	_ =	shalt  }
0x7f: {  	_ =	shalt  }
0x80: {  	_ =	shalt  }
0x81: {  	_ =	shalt  }
0x82: {  	_ =	shalt  }
0x83: {  	_ =	shalt  }
0x84: {  	_ =	shalt  }
0x85: {  	_ =	shalt  }
0x86: {  	_ =	shalt  }
0x87: {  	_ =	shalt  }
.Lfunc_end0:
.L_simem_size_0:
called_computation_lowered:
.L_overlay_start_0:
0x88: {  	s2 =	sld [smem:$0x3FD9]  }
0x89: {  	s3 =	sld [smem:$0x3FFE];
	_ =	sdelay $0x1  }
0x8a: {  	s1 =	srdreg.scid  }
0x8b: {  	s0 =	sand.u32 $0x1, s1  }
0x8c: {  	s17 =	sshll.u32 s0, $0xA;
	s2 =	sadd.s32 s3, s2  }
0x8d: {  	s2 =	sadd.s32 s2, s17  }
0x8e: {  	[smem:$0x3FC4] =	sst s2  }
0x8f: {  	_ = 	snop  }
0x90: {  	s18 =	sld [smem:$0x3FD0];
	(tm) =	ssettm $0x1  }
0x91: {  	s19 =	sld [smem:$0x3FFB];
	_ =	sdelay $0x3  }
0x92: {  	_ =	strace s19  }
0x93: {  	s2 =	sld [smem:$0x3FFC];
	_ =	sdelay $0x3  }
0x94: {  	_ =	strace s2  }
0x95: {  	s2 =	sld [smem:$0x3FFD];
	_ =	sdelay $0x3  }
0x96: {  	_ =	strace s2  }
0x97: {  	_ =	strace $0x8FFFFFFF  }
0x98: {  	s20 =	sld [smem:$0x3FDB];
	_ =	sdelay $0x1  }
0x99: {  	s4 =	simm.s32 $_scs_section_size  }
0x9a: {  	s5 =	simm.s32 $_size__tile_overlayer_lowered;
	s6 =	simm.s32 $_tile_overlayer_lowered  }
0x9b: {  	s7 =	simm.s32 $0x1BFF;
	s21 =	sshll.u32 s6, $0x1;
	s4 =	sadd.s32 s4, s20  }
0x9c: {  	s22 =	simm.s32 $0x0;
	s5 =	sshll.u32 s5, $0x1;
	s6 =	sadd.s32 s21, s4  }
0x9d: {  	[timem:s22], [sflag:s7] =	dma.local [hbm:s6], s5  }
0x9e: {  	_ =	swait.ge [sflag:s7], s5  }
0x9f: {  	s5 =	ssub.s32 $0x0, s5;
	[sflag:s7] =	ssyncset.done $0x0  }
0xa0: {  	[sflag:s7] =	ssyncadd.s32 s5;
	_ =	sdelay $0x1  }
0xa1: {  	s23 =	simm.s32 $0x1B8B  }
0xa2: {  	_ =	swait.ge [sflag:s23], $0x1  }
0xa3: {  	[sflag:s23] =	ssyncset.done $0x0  }
0xa4: {  	[sflag:s23] =	ssyncadd.s32 $0xFFFFFFFF  }
0xa5: {  	s5 =	sld [smem:$0x0]  }
0xa6: {  	s6 =	sand.u32 $0xFFFFFFFE, s1  }
0xa7: {  	p0 =	sne.s32 s1, s6  }
0xa8: {  	s6 =	sshll.u32 @p0 s6, $0xE  }
0xa9: {  	s6 =	sadd.s32 @p0 $0x11B8D, s6;
	s7 =	sshll.u32 @p0 s5, $0x11  }
0xaa: {  	s6 =	sor.u32 @p0 s7, s6  }
0xab: {  	[sflag:s6] =	ssyncadd.remote.s32 @p0 $0x1;
	_ =	sdelay $0x1  }
0xac: {  	s6 =	simm.s32 @p0 $0x1B8D  }
0xad: {  	_ =	swait.eq @p0 [sflag:s6], $0x1  }
0xae: {  	[sflag:s6] =	ssyncadd.s32 @p0 $0xFFFFFFFF  }
0xaf: {  	s7 =	sshll.u32 @!p0 s1, $0xE  }
0xb0: {  	s7 =	sor.u32 @!p0 $0x4000, s7;
	s6 =	simm.s32 @!p0 $0x1B8D  }
0xb1: {  	s5 =	sshll.u32 @!p0 s5, $0x11;
	s7 =	sadd.s32 @!p0 $0x11B8D, s7;
	_ =	swait.eq @!p0 [sflag:s6], $0x1  }
0xb2: {  	s5 =	sor.u32 @!p0 s5, s7;
	[sflag:s6] =	ssyncadd.s32 @!p0 $0xFFFFFFFF  }
0xb3: {  	s25 =	simm.s32 $0x1B8E;
	s24 =	sld [smem:$0x3FFE];
	[sflag:s5] =	ssyncadd.remote.s32 @!p0 $0x1  }
0xb4: {  	s26 =	simm.s32 $execute0_lowered;
	[smem:$0x3FD2] =	sst s25  }
0xb5: {  	s6 =	sshll.u32 s26, $0x1;
	_ =	strace $0x8000004F;
	[dreg:$0x1] =	wrdreg $0xFFFFFFFF  }
0xb6: {  	s28 =	simm.s32 $_size_execute0_lowered;
	s4 =	sadd.s32 s4, s6;
	[dreg:$0x0] =	wrdreg $0x0  }
0xb7: {  	s6 =	sshll.u32 s28, $0x1;
	[dreg:$0x2] =	wrdreg s4  }
0xb8: {  	[dreg:$0x3] =	wrdreg s6  }
0xb9: {  	[dreg:$0x4] =	wrdreg $0xC0  }
0xba: {  	_ =	task [dreg:s22], $0x5FFFF  }
0xbb: {  	[dreg:$0x1] =	wrdreg $0xFFFFFFFF  }
0xbc: {  	[dreg:$0x0] =	wrdreg $0x60  }
0xbd: {  	[dreg:$0x2] =	wrdreg s24  }
0xbe: {  	[dreg:$0x3] =	wrdreg s18  }
0xbf: {  	[dreg:$0x4] =	wrdreg $0x9  }
0xc0: {  	_ =	task.clear_ibuf [dreg:s22], $0x5FFFF;
	_ =	strace $0x9000004F  }
0xc1: {  	s29 =	simm.s32 $0x9;
	_ =	strace $0x80000051  }
0xc2: {  	_ =	swait.ge [sflag:s29], $0x1  }
0xc3: {  	[sflag:s29] =	ssyncadd.s32 $0xFFFFFFFF  }
0xc4: {  	_ =	strace $0x90000051  }
0xc5: {  	_ =	sfence  }
0xc6: {  	s30 =	sld [smem:$0x0];
	_ =	sdelay $0x2  }
0xc7: {  	s31 =	sshll.u32 s1, $0xD;
	s1 =	sshrl.u32 s1, $0x2  }
0xc8: {  	s4 =	sand.u32 $0x4000, s31;
	s1 =	sadd.s32 s1, s30  }
0xc9: {  	s0 =	sor.u32 s4, s0;
	s1 =	sshll.u32 s1, $0x11  }
0xca: {  	s0 =	sor.u32 s1, s0  }
0xcb: {  	s0 =	sadd.s32 $0x8F2B, s0  }
0xcc: {  	[sflag:s0] =	ssyncadd.remote.s32 $0x1  }
0xcd: {  	_ =	sfence.sel $0xFFFF  }
0xce: {  	[dreg:$0x0] =	wrdreg $0xFFFFFFFF;
	(pc) =	sbr.abs _section_cstart, $3  }
0xcf: {  	[dreg:$0x1] =	wrdreg $0xFFFFFFFF  }
0xd0: {  	_ =	task.clear_ibuf [dreg:s22], $0x2FFFF;
	_ =	strace $0x9FFFFFFF  }
0xd1: {  	(tm) =	ssettm $0x7FFFFFFF  }
tec
execute0_lowered:
.L_overlay_start_1:
0x0: {  	(tag) =	ssettag $0x1  }
0x1: {  	s3 =	rddreg [dreg:$0x0]  }
0x2: {  	s4 =	rddreg [dreg:$0x1];
	s2 =	srdreg.scid  }
0x3: {  	s0 =	rddreg [dreg:$0x2];
	s1 =	stileid.u32;
	s5 =	sand.u32 $0x1, s2  }
0x4: {  	s2 =	simm.s32 $0x0;
	s6 =	sshll.u32 s1, $0x9;
	s7 =	sshll.u32 s5, $0x8  }
0x5: {  	[smem:$0x7FF] =	sst s2;
	s5 =	ssub.s32 $0x2, s5;
	s6 =	sor.u32 s7, s6  }
0x6: {  	v0 =	vlaneseq.u32;
	_ =	strace $0x80000050;
	s8 =	sshrl.u32 s5, $0x1;
	s7 =	sshll.u32 s6, $0x4  }
0x7: {  	v4 =	vmul.u32 $0xFFFFFFFF, v0;
	s5 =	ssub.s32 s5, s8;
	s6 =	sshrl.u32 s6, $0x3;
	s8 =	simm.s32 $0x0  }
0x8: {  	vm0 =	vmmov $0xff;
	v1 =	vor.u32 $0x10, v0;
	s3 =	sadd.s32 s7, s3;
	s4 =	sadd.s32 s4, s6;
	s5 =	smax.u32 s5, $0x1  }
0x9: {  	v2 =	vor.u32 $0x20, v0;
	v3 =	vor.u32 $0x30, v0;
	v4 =	vadd.s32 $0xF, v4;
	s6 =	simm.s32 $0x1;
	s7 =	simm.s32 $0x8000;
	s3 =	sadd.s32 $0x62600, s3  }
.LBB2_1:
0xa: {  	[tilespmem:s2], [sflag:$0x1] =	stream.linear.gather [hbm4b:s3+s2], $0x8000, $0x38;
	[tilespmem:$0x8100] =	vst v63  }
0xb: {  	_ =	swait.ge [sflag:s6], $0x8000  }
0xc: {  	[sflag:s6] =	ssyncset.done $0x0  }
0xd: {  	s9 =	simm.s32 $0x80;
	[sflag:s6] =	ssyncadd.s32 $0xFFFF8000  }
0xe: {  	v5 =	vld [tilespmem:s9+$0x10]  }
0xf: {  	v6 =	vld [tilespmem:s9+$0xFFFFFFB0]  }
0x10: {  	v7 =	vld [tilespmem:s9+$0x0]  }
0x11: {  	v8 =	vld [tilespmem:s9+$0x30]  }
0x12: {  	v9 =	vld [tilespmem:s9+$0xFFFFFFA0]  }
0x13: {  	v10 =	vld [tilespmem:s9+$0x20];
	(xrf1) =	vsort.dscd.msk.f32 $0xffff, v5, v1  }
0x14: {  	v5 =	vld [tilespmem:s9+$0xFFFFFF90];
	(xrf1) =	vsort.dscd.msk.f32 $0xffff, v6, v3  }
0x15: {  	(xrf1) =	vsort.dscd.msk.f32 $0xffff, v7, v0  }
0x16: {  	v6 =	vld [tilespmem:s9+$0xFFFFFF80];
	(xrf1) =	vsort.dscd.msk.f32 $0xffff, v8, v3  }
0x17: {  	(xrf1) =	vsort.dscd.msk.f32 $0xffff, v9, v2  }
0x18: {  	(xrf1) =	vsort.dscd.msk.f32 $0xffff, v10, v2  }
0x19: {  	(xrf1) =	vsort.dscd.msk.f32 $0xffff, v5, v1;
	_ =	sdelay $0x1  }
0x1a: {  	(xrf1) =	vsort.dscd.msk.f32 $0xffff, v6, v0;
	_ =	sdelay $0x2  }
0x1b: {  	s25 =	simm.s32 $0x180  }
0x1c: {  	v5 =	vld [tilespmem:s25+$0x10]  }
0x1d: {  	v6 =	vld [tilespmem:s25+$0xFFFFFFB0]  }
0x1e: {  	v9 =	vld [tilespmem:s25+$0x0];
	v7, v8, _ =	vpop (xrf1)  }
0x1f: {  	v12 =	vld [tilespmem:s25+$0x30];
	v10, v11, _ =	vpop (xrf1)  }
0x20: {  	v15 =	vld [tilespmem:s25+$0xFFFFFFA0];
	v13, v14, _ =	vpop (xrf1)  }
0x21: {  	v18 =	vld [tilespmem:s25+$0x20];
	(xrf1) =	vsort.dscd.msk.f32 $0xffff, v5, v1;
	v16, v17, _ =	vpop (xrf1)  }
0x22: {  	(xrf1) =	vsort.dscd.msk.f32 $0xffff, v6, v3;
	v6 =	vperm.xlane v10, v4;
	v5, v19, _ =	vpop (xrf1)  }
0x23: {  	(xrf1) =	vsort.dscd.msk.f32 $0xffff, v9, v0;
	v10, v20, _ =	vpop (xrf1)  }
0x24: {  	v9 =	vperm.xlane v11, v4;
	(xrf1) =	vsort.dscd.msk.f32 $0xffff, v12, v3;
	vm1 =	vge.f32 v5, v6;
	v11, v12, _ =	vpop (xrf1)  }
0x25: {  	(xrf1) =	vsort.dscd.msk.f32 $0xffff, v15, v2;
	v5 =	vsel vm1, v5, v6;
	v6 =	vperm.xlane v11, v4  }
0x26: {  	(xrf1) =	vsort.dscd.msk.f32 $0xffff, v18, v2;
	v9 =	vsel vm1, v19, v9;
	v11 =	vld [tilespmem:s25+$0xFFFFFF90];
	v15, v18, _ =	vpop (xrf1);
	v12 =	vperm.xlane v12, v4  }
0x27: {  	(xrf1) =	vsort.dscd.msk.f32 $0xffff, v5, v9;
	v5 =	vperm.xlane v16, v4;
	vm1 =	vge.f32 v15, v6  }
0x28: {  	v6 =	vsel vm1, v15, v6;
	v9 =	vsel vm1, v18, v12;
	v15 =	vperm.xlane v17, v4  }
0x29: {  	v12 =	vld [tilespmem:s25+$0xFFFFFF80];
	vm1 =	vge.f32 v10, v5;
	(xrf1) =	vsort.dscd.msk.f32 $0xffff, v6, v9;
	v6 =	vperm.xlane v7, v4  }
0x2a: {  	v7 =	vperm.xlane v8, v4;
	v5 =	vsel vm1, v10, v5  }
0x2b: {  	v8 =	vsel vm1, v20, v15;
	(xrf1) =	vsort.dscd.msk.f32 $0xffff, v11, v1;
	vm1 =	vge.f32 v13, v6  }
0x2c: {  	(xrf1) =	vsort.dscd.msk.f32 $0xffff, v5, v8;
	v5 =	vsel vm1, v13, v6;
	v6 =	vsel vm1, v14, v7;
	_ =	sdelay $0x1  }
0x2d: {  	(xrf1) =	vsort.dscd.msk.f32 $0xffff, v12, v0  }
0x2e: {  	s26 =	simm.s32 $0x280;
	(xrf1) =	vsort.dscd.msk.f32 $0xffff, v5, v6  }
0x2f: {  	v7 =	vld [tilespmem:s26+$0x10];
	v5, v6, _ =	vpop (xrf1)  }
0x30: {  	v10 =	vld [tilespmem:s26+$0xFFFFFFB0];
	v8, v9, _ =	vpop (xrf1)  }
0x31: {  	v13 =	vld [tilespmem:s26+$0x0];
	v11, v12, _ =	vpop (xrf1)  }
0x32: {  	v16 =	vld [tilespmem:s26+$0x30];
	v14, v15, _ =	vpop (xrf1)  }
0x33: {  	v17, v18, _ =	vpop (xrf1)  }
0x34: {  	v19 =	vld [tilespmem:s26+$0xFFFFFFA0];
	(xrf1) =	vsort.dscd.msk.f32 $0xffff, v7, v1;
	v8 =	vperm.xlane v8, v4;
	v20, v21, _ =	vpop (xrf1)  }
0x35: {  	v22 =	vld [tilespmem:s26+$0x20];
	v9 =	vperm.xlane v9, v4;
	(xrf1) =	vsort.dscd.msk.f32 $0xffff, v10, v3;
	v7, v23, _ =	vpop (xrf1)  }
0x36: {  	(xrf1) =	vsort.dscd.msk.f32 $0xffff, v13, v0;
	vm1 =	vge.f32 v17, v8;
	v7 =	vperm.xlane v7, v4  }
0x37: {  	(xrf1) =	vsort.dscd.msk.f32 $0xffff, v16, v3;
	v9 =	vsel vm1, v18, v9;
	v10 =	vperm.xlane v23, v4;
	v13, v16, _ =	vpop (xrf1)  }
0x38: {  	v8 =	vsel vm1, v17, v8;
	vm2 =	vge.f32 v13, v7  }
0x39: {  	(xrf1) =	vsort.dscd.msk.f32 $0xffff, v19, v2;
	v19, v23, _ =	vpop (xrf1);
	v10 =	vsel vm2, v16, v10  }
0x3a: {  	(xrf1) =	vsort.dscd.msk.f32 $0xffff, v22, v2;
	v7 =	vsel vm2, v13, v7;
	v13, v16, _ =	vpop (xrf1)  }
0x3b: {  	(xrf1) =	vsort.dscd.msk.f32 $0xffff, v8, v9;
	v8, v9, _ =	vpop (xrf1);
	v13 =	vperm.xlane v13, v4  }
0x3c: {  	(xrf1) =	vsort.dscd.msk.f32 $0xffff, v7, v10;
	v7 =	vperm.xlane v19, v4;
	v16 =	vperm.xlane v16, v4;
	v10, v17, _ =	vpop (xrf1)  }
0x3d: {  	v18 =	vperm.xlane v23, v4;
	vm1 =	vge.f32 v10, v13  }
0x3e: {  	vm2 =	vge.f32 v8, v7;
	v10 =	vsel vm1, v10, v13;
	v13 =	vsel vm1, v17, v16  }
0x3f: {  	v19 =	vld [tilespmem:s26+$0xFFFFFF90];
	v7 =	vsel vm2, v8, v7;
	v8 =	vsel vm2, v9, v18;
	(xrf1) =	vsort.dscd.msk.f32 $0xffff, v10, v13  }
0x40: {  	(xrf1) =	vsort.dscd.msk.f32 $0xffff, v7, v8  }
0x41: {  	v7 =	vperm.xlane v14, v4;
	v8 =	vld [tilespmem:s26+$0xFFFFFF80]  }
0x42: {  	v9 =	vperm.xlane v15, v4  }
0x43: {  	v5 =	vperm.xlane v5, v4;
	vm1 =	vge.f32 v20, v7  }
0x44: {  	s28 =	simm.s32 $0x380;
	(xrf1) =	vsort.dscd.msk.f32 $0xffff, v19, v1;
	v10, v13, _ =	vpop (xrf1);
	v7 =	vsel vm1, v20, v7;
	v9 =	vsel vm1, v21, v9  }
0x45: {  	v6 =	vperm.xlane v6, v4;
	v16 =	vld [tilespmem:s28+$0x10];
	v14, v15, _ =	vpop (xrf1);
	(xrf1) =	vsort.dscd.msk.f32 $0xffff, v7, v9  }
0x46: {  	vm1 =	vge.f32 v11, v5;
	v17, v18, _ =	vpop (xrf1);
	(xrf1) =	vsort.dscd.msk.f32 $0xffff, v8, v0;
	v8 =	vld [tilespmem:s28+$0xFFFFFFB0]  }
0x47: {  	v5 =	vsel vm1, v11, v5;
	v6 =	vsel vm1, v12, v6;
	v19, v20, _ =	vpop (xrf1)  }
0x48: {  	v11 =	vld [tilespmem:s28+$0x0];
	(xrf1) =	vsort.dscd.msk.f32 $0xffff, v5, v6;
	v7, v9, _ =	vpop (xrf1)  }
0x49: {  	v5 =	vld [tilespmem:s28+$0x30];
	v12, v21, _ =	vpop (xrf1)  }
0x4a: {  	v24 =	vld [tilespmem:s28+$0xFFFFFFA0];
	(xrf1) =	vsort.dscd.msk.f32 $0xffff, v16, v1;
	v6, v22, _ =	vpop (xrf1)  }
0x4b: {  	v16, v23, _ =	vpop (xrf1);
	(xrf1) =	vsort.dscd.msk.f32 $0xffff, v8, v3  }
0x4c: {  	v25 =	vld [tilespmem:s28+$0x20];
	(xrf0) =	vmax.scan.msk.f32 $0xffff, v16  }
0x4d: {  	v6 =	vperm.xlane v6, v4;
	v8 =	vperm.xlane v14, v4;
	(xrf1) =	vsort.dscd.msk.f32 $0xffff, v11, v0;
	v11, v14, _ =	vpop (xrf1)  }
0x4e: {  	v22 =	vperm.xlane v22, v4;
	(xrf1) =	vsort.dscd.msk.f32 $0xffff, v5, v3;
	v5 =	vperm.xlane v15, v4;
	v15, v26, _ =	vpop (xrf1)  }
0x4f: {  	vm1 =	vge.f32 v7, v8;
	(xrf1) =	vsort.dscd.msk.f32 $0xffff, v24, v2;
	vm2 =	vge.f32 v15, v6  }
0x50: {  	v7 =	vsel vm1, v7, v8;
	(xrf0) =	vmax.scan.msk.f32 $0xffff, v11;
	v6 =	vsel vm2, v15, v6;
	v15 =	vsel vm2, v26, v22  }
0x51: {  	(xrf1) =	vsort.dscd.msk.f32 $0xffff, v25, v2;
	v5 =	vsel vm1, v9, v5  }
0x52: {  	v8, v9, _ =	vpop (xrf1);
	(xrf1) =	vsort.dscd.msk.f32 $0xffff, v7, v5;
	v5 =	vperm.xlane v10, v4  }
0x53: {  	v7, _, _ =	vpop (xrf0)  }
0x54: {  	(xrf1) =	vsort.dscd.msk.f32 $0xffff, v6, v15;
	v6 =	vperm.xlane v13, v4;
	vm1 =	vge.f32 v17, v5;
	v7 =	vbroadcast v7, $0xF;
	v13, v15, _ =	vpop (xrf1)  }
0x55: {  	v10 =	vperm.xlane v19, v4;
	v5 =	vsel vm1, v17, v5;
	v19, v22, _ =	vpop (xrf1);
	v13 =	vperm.xlane v13, v4  }
0x56: {  	v17 =	vperm.xlane v20, v4;
	v7 =	vsub.f32 v16, v7;
	v15 =	vperm.xlane v15, v4;
	v20, v24, _ =	vpop (xrf1)  }
0x57: {  	v8 =	vperm.xlane v8, v4;
	v9 =	vperm.xlane v9, v4;
	vm2 =	vge.f32 v20, v13  }
0x58: {  	v25, _, _ =	vpop (xrf0);
	v7 =	vmul.f32 $1.442695020e+00, v7;
	v13 =	vsel vm2, v20, v13;
	v15 =	vsel vm2, v24, v15  }
0x59: {  	v18 =	vsel vm1, v18, v6;
	vm2 =	vge.f32 v19, v8;
	(xrf1) =	vsort.dscd.msk.f32 $0xffff, v13, v15;
	v13 =	vbroadcast v25, $0xF  }
0x5a: {  	v16 =	vld [tilespmem:s28+$0xFFFFFF90];
	(erf) = vpow2.f32 v7;
	v7 =	vmov s2;
	v9 =	vsel vm2, v22, v9  }
0x5b: {  	v8 =	vsel vm2, v19, v8;
	vm2 =	vge.f32 v12, v10;
	v11 =	vsub.f32 v11, v13  }
0x5c: {  	v20 =	vld [tilespmem:s28+$0xFFFFFF80];
	v24 =	vshll.u32 v7, $0x7;
	v15, v19, _ =	vpop (xrf1);
	v13 =	vsel vm2, v21, v17;
	v21 =	vadd.s32 $0x40, v23  }
0x5d: {  	s29 =	simm.s32 $0x480;
	s10 =	simm.s32 $0x1;
	v10 =	vsel vm2, v12, v10;
	v12, v22, _ =	vpop (xrf1);
	(xrf1) =	vsort.dscd.msk.f32 $0xffff, v8, v9;
	v23 =	vand.u32 $0xFFFFFF80, v21;
	v11 =	vmul.f32 $1.442695020e+00, v11  }
0x5e: {  	v6 =	vmov s10;
	v17 =	vld [tilespmem:s29+$0x10];
	v21 =	vand.u32 $0x7F, v21;
	v8, v9, _ =	vpop (xrf1);
	v23 =	vadd.s32 v24, v23  }
0x5f: {  	(xrf1) =	vsort.dscd.msk.f32 $0xffff, v16, v1;
	v16, v25, _ =	vpop (xrf1);
	(erf) = vpow2.f32 v11;
	v11 =	vor.u32 v21, v23;
	v23 =	vshll.u32 v6, $0x7  }
0x60: {  	(xrf1) =	vsort.dscd.msk.f32 $0xffff, v10, v13;
	v10 =	vld [tilespmem:s29+$0xFFFFFFB0];
	v13 =	vadd.s32 $0x40, v14;
	v24, v26, _ =	vpop (xrf1)  }
0x61: {  	v14 =	vld [tilespmem:s29+$0x0];
	(xrf1) =	vsort.dscd.msk.f32 $0xffff, v20, v0;
	v21 =	vand.u32 $0xFFFFFF80, v13;
	v20, v27, _ =	vpop (xrf1)  }
0x62: {  	v28 =	vld [tilespmem:s29+$0x30];
	v15 =	vperm.xlane v15, v4;
	v13 =	vand.u32 $0x7F, v13;
	(xrf1) =	vsort.dscd.msk.f32 $0xffff, v5, v18;
	v21 =	vadd.s32 v23, v21;
	v5, v18, _ =	vpop (xrf1)  }
0x63: {  	v19 =	vperm.xlane v19, v4;
	(xrf1) =	vsort.dscd.msk.f32 $0xffff, v17, v1;
	v13 =	vor.u32 v13, v21;
	v21 =	vld [tilespmem:s29+$0xFFFFFFA0];
	v17, v23, _ =	vpop (xrf1)  }
0x64: {  	v12 =	vperm.xlane v12, v4;
	vm1 =	vge.f32 v8, v15;
	v16 =	vperm.xlane v16, v4;
	(xrf0) =	vmax.scan.msk.f32 $0xffff, v17  }
0x65: {  	v29 =	vsel vm1, v8, v15;
	v8 =	vperm.xlane v25, v4;
	(xrf1) =	vsort.dscd.msk.f32 $0xffff, v10, v3  }
0x66: {  	v9 =	vsel vm1, v9, v19;
	v15 =	vpop (erf);
	vm1 =	vge.f32 v20, v16;
	v10 =	vld [tilespmem:s29+$0x20];
	(xrf1) =	vsort.dscd.msk.f32 $0xffff, v14, v0  }
0x67: {  	v16 =	vsel vm1, v20, v16;
	v25 =	vsel vm1, v27, v8;
	v8 =	vld.idx.msk [tilespmem:v11+s2+$0x0], $0xffff;
	(xrf1) =	vsort.dscd.msk.f32 $0xffff, v28, v3  }
0x68: {  	vm1 =	vge.f32 v24, v12;
	v14 =	vnsel vm0, $0x0, v15;
	(xrf1) =	vsort.dscd.msk.f32 $0xffff, v21, v2;
	v21 =	vperm.xlane v22, v4;
	v19, v15, _ =	vpop (xrf1)  }
0x69: {  	s30 =	simm.s32 $0x2;
	v18 =	vperm.xlane v18, v4;
	v12 =	vsel vm1, v24, v12;
	v11 =	vperm.xlane v5, v4;
	(xrf2) =	vadd.scan.msk.f32 $0xffff, v14;
	v22 =	vpop (erf)  }
0x6a: {  	v5 =	vmov s30;
	v20 =	vadd.s32 $0x40, v23;
	(xrf0) =	vmax.scan.msk.f32 $0xffff, v19;
	v21 =	vsel vm1, v26, v21;
	v23, _, _ =	vpop (xrf0)  }
0x6b: {  	v27 =	vand.u32 $0xFFFFFF80, v20;
	(xrf1) =	vsort.dscd.msk.f32 $0xffff, v10, v2;
	v15 =	vadd.s32 $0x40, v15;
	v22 =	vnsel vm0, $0x0, v22;
	v10, v28, _ =	vpop (xrf1)  }
0x6c: {  	v8 =	vmul.f32 v14, v8;
	(xrf2) =	vadd.scan.msk.f32 $0xffff, v22;
	vm1 =	vge.f32 v10, v11;
	v14 =	vbroadcast v23, $0xF  }
0x6d: {  	v30 =	vshll.u32 v5, $0x7;
	v60 =	vand.u32 $0x7F, v15;
	v24, v26, _ =	vpop (xrf1);
	(xrf1) =	vsort.dscd.msk.f32 $0xffff, v12, v21;
	v10 =	vsel vm1, v10, v11  }
0x6e: {  	v12, v21, _ =	vpop (xrf1);
	v11 =	vsel vm1, v28, v18;
	v18 =	vperm.xlane v24, v4;
	v14 =	vsub.f32 v17, v14  }
0x6f: {  	v23 =	vadd.s32 v30, v27;
	v26 =	vperm.xlane v26, v4;
	v24, v27, _ =	vpop (xrf1);
	v12 =	vperm.xlane v12, v4  }
0x70: {  	s31 =	simm.s32 $0x3;
	v13 =	vld.idx.msk [tilespmem:v13+s2+$0x0], $0xffff;
	v15 =	vand.u32 $0xFFFFFF80, v15;
	(xrf2) =	vadd.scan.msk.f32 $0xffff, v8;
	v21 =	vperm.xlane v21, v4;
	v17, v28, _ =	vpop (xrf1);
	v14 =	vmul.f32 $1.442695020e+00, v14  }
0x71: {  	v33 =	vld [tilespmem:s29+$0xFFFFFF90];
	v8 =	vmov s31;
	(xrf1) =	vsort.dscd.msk.f32 $0xffff, v10, v11;
	v34, _, _ =	vpop (xrf0);
	vm2 =	vge.f32 v17, v12  }
0x72: {  	vm1 =	vge.f32 v24, v18;
	v31, v32, _ =	vpop (xrf1);
	(erf) = vpow2.f32 v14;
	v14 =	vsel vm2, v28, v21  }
0x73: {  	v35 =	vshll.u32 v8, $0x7;
	v10, _, _ =	vpop (xrf2);
	v12 =	vsel vm2, v17, v12;
	v21 =	vsel vm1, v27, v26  }
0x74: {  	v11 =	vadd.s32 v35, v15;
	v18 =	vsel vm1, v24, v18;
	v17, v15, _ =	vpop (xrf1);
	(xrf1) =	vsort.dscd.msk.f32 $0xffff, v12, v14  }
0x75: {  	v13 =	vmul.f32 v22, v13;
	v10 =	vbroadcast v10, $0xF;
	v14, v26, _ =	vpop (xrf1);
	(xrf1) =	vsort.dscd.msk.f32 $0xffff, v18, v21  }
0x76: {  	v11 =	vor.u32 v60, v11;
	v24 =	vld [tilespmem:s29+$0xFFFFFF80];
	v12 =	vbroadcast v34, $0xF;
	v21, v27, _ =	vpop (xrf1);
	(xrf1) =	vsort.dscd.msk.f32 $0xffff, v33, v1  }
0x77: {  	s13 =	simm.s32 $0x580;
	v20 =	vand.u32 $0x7F, v20;
	(erf) = vrcp.f32 v10;
	v62, _, _ =	vpop (xrf2);
	(xrf2) =	vadd.scan.msk.f32 $0xffff, v13  }
0x78: {  	v22 =	vperm.xlane v31, v4;
	v28 =	vld [tilespmem:s13+$0x10];
	v12 =	vsub.f32 v19, v12  }
0x79: {  	v61 =	vor.u32 v20, v23;
	v23 =	vld [tilespmem:s13+$0x0];
	v32 =	vperm.xlane v32, v4  }
0x7a: {  	v19 =	vld [tilespmem:s13+$0x30];
	vm1 =	vge.f32 v14, v22;
	v20, v18, _ =	vpop (xrf1);
	v12 =	vmul.f32 $1.442695020e+00, v12;
	(xrf1) =	vsort.dscd.msk.f32 $0xffff, v16, v25;
	v25 =	vperm.xlane v27, v4  }
0x7b: {  	v13 =	vperm.xlane v21, v4;
	v10 =	vsel vm1, v14, v22;
	v14 =	vld.idx.msk [tilespmem:v11+s2+$0x0], $0xffff;
	v16, v21, _ =	vpop (xrf1);
	(xrf1) =	vsort.dscd.msk.f32 $0xffff, v24, v0  }
0x7c: {  	v31 =	vbroadcast v62, $0xF;
	v63, _, _ =	vpop (xrf2);
	v24 =	vld [tilespmem:s13+$0xFFFFFFB0];
	(xrf1) =	vsort.dscd.msk.f32 $0xffff, v29, v9;
	(erf) = vpow2.f32 v12  }
0x7d: {  	s12 =	simm.s32 $0x4;
	s11 =	simm.s32 $0x6;
	s14 =	simm.s32 $0xC;
	v11 =	vsel vm1, v26, v32;
	v22 =	vld [tilespmem:s13+$0x20];
	vm2 =	vge.f32 v16, v13;
	v9 =	vbroadcast v63, $0xF;
	v27, v26, _ =	vpop (xrf1);
	(xrf1) =	vsort.dscd.msk.f32 $0xffff, v28, v1  }
0x7e: {  	s15 =	simm.s32 $0x680;
	s9 =	simm.s32 $0xA;
	s10 =	simm.s32 $0x8;
	v12 =	vsel vm2, v16, v13;
	v13 =	vsel vm2, v21, v25;
	v21 =	vld.idx.msk [tilespmem:v61+s2+$0x0], $0xffff;
	v25 =	vpop (erf);
	(erf) = vrcp.f32 v31  }
.LBB2_2:
0x7f: {  	v16 =	vld [tilespmem:s15+$0x10];
	p0 =	slt.u32 s14, $0xFE;
	v28, v29, _ =	vpop (xrf1);
	s16 =	smov.u32 s14;
	s14 =	sadd.s32 $0x2, s14  }
0x80: {  	v27 =	vperm.xlane v27, v4;
	v31 =	vmov s12;
	v30 =	vld [tilespmem:s13+$0xFFFFFFA0];
	v29 =	vadd.s32 $0x40, v29;
	(xrf0) =	vmax.scan.msk.f32 $0xffff, v28;
	v32 =	vpop (erf)  }
0x81: {  	v33 =	vld [tilespmem:s13+$0xFFFFFF90];
	(xrf1) =	vsort.dscd.msk.f32 $0xffff, v24, v3;
	v24 =	vperm.xlane v26, v4;
	v26 =	vand.u32 $0xFFFFFF80, v29;
	v37 =	vmul.f32 v32, v9;
	v32, _, _ =	vpop (xrf2)  }
0x82: {  	v17 =	vperm.xlane v17, v4;
	(xrf1) =	vsort.dscd.msk.f32 $0xffff, v23, v0;
	v23 =	vshll.u32 v31, $0x7;
	v34, v35, _ =	vpop (xrf1);
	v32 =	vbroadcast v32, $0xF  }
0x83: {  	v15 =	vperm.xlane v15, v4;
	v38 =	vnsel vm0, $0x0, v25;
	(xrf1) =	vsort.dscd.msk.f32 $0xffff, v19, v3;
	v19, v36, _ =	vpop (xrf1);
	[tilespmem:v7+s7+$0x0] =	vst.idx.msk $0x1, v37  }
0x84: {  	vm1 =	vge.f32 v20, v17;
	v21 =	vmul.f32 v38, v21;
	v7, v9, _ =	vpop (xrf1);
	vm2 =	vge.f32 v19, v27;
	(xrf2) =	vadd.scan.msk.f32 $0xffff, v38  }
0x85: {  	v17 =	vsel vm1, v20, v17;
	v20 =	vand.u32 $0x7F, v29;
	(xrf1) =	vsort.dscd.msk.f32 $0xffff, v30, v2;
	v19 =	vsel vm2, v19, v27;
	v25 =	vpop (erf)  }
0x86: {  	v24 =	vsel vm2, v36, v24;
	v30 =	vadd.s32 v23, v26;
	v26, _, _ =	vpop (xrf0);
	(xrf0) =	vmax.scan.msk.f32 $0xffff, v34;
	v25 =	vnsel vm0, $0x0, v25  }
0x87: {  	v15 =	vsel vm1, v18, v15;
	(xrf1) =	vsort.dscd.msk.f32 $0xffff, v22, v2;
	v18 =	vbroadcast v26, $0xF;
	v14 =	vmul.f32 v25, v14;
	v22 =	vpop (erf)  }
0x88: {  	v7 =	vperm.xlane v7, v4;
	v29 =	vor.u32 v20, v30;
	v26, v27, _ =	vpop (xrf1);
	(xrf2) =	vadd.scan.msk.f32 $0xffff, v25;
	v30 =	vmul.f32 v22, v32  }
0x89: {  	v22, v23, _ =	vpop (xrf1);
	(xrf1) =	vsort.dscd.msk.f32 $0xffff, v17, v15;
	v15 =	vperm.xlane v26, v4;
	v17 =	vsub.f32 v28, v18;
	v18 =	vadd.s32 $0x40, v35  }
0x8a: {  	v9 =	vperm.xlane v9, v4;
	vm1 =	vge.f32 v22, v7;
	v25, v26, _ =	vpop (xrf1);
	v28 =	vand.u32 $0x7F, v18;
	[tilespmem:v6+s7+$0x0] =	vst.idx.msk $0x1, v30  }
0x8b: {  	s17 =	sadd.s32 $0x1, s12;
	s12 =	smov.u32 s11;
	s11 =	smov.u32 s10;
	v27 =	vperm.xlane v27, v4;
	v18 =	vand.u32 $0xFFFFFF80, v18;
	v6, v20, _ =	vpop (xrf1);
	v22 =	vsel vm1, v22, v7;
	(xrf1) =	vsort.dscd.msk.f32 $0xffff, v19, v24  }
0x8c: {  	s10 =	smov.u32 s9;
	s9 =	smov.u32 s16;
	vm2 =	vge.f32 v25, v15;
	v19 =	vmov s17;
	v24 =	vperm.xlane v6, v4;
	v6, _, _ =	vpop (xrf0);
	(xrf2) =	vadd.scan.msk.f32 $0xffff, v21  }
0x8d: {  	v7 =	vmovc v5;
	v5 =	vmovc v31;
	v30 =	vsel vm2, v25, v15;
	v21 =	vsel vm2, v26, v27;
	v26 =	vmul.f32 $1.442695020e+00, v17  }
0x8e: {  	v9 =	vsel vm1, v23, v9;
	(xrf1) =	vsort.dscd.msk.f32 $0xffff, v30, v21;
	v30 =	vbroadcast v6, $0xF;
	v21 =	vshll.u32 v19, $0x7;
	v23, _, _ =	vpop (xrf2)  }
0x8f: {  	v17, v15, _ =	vpop (xrf1);
	(xrf1) =	vsort.dscd.msk.f32 $0xffff, v22, v9;
	v9 =	vadd.s32 v21, v18;
	(erf) = vpow2.f32 v26;
	v31 =	vbroadcast v23, $0xF  }
0x90: {  	v6 =	vmov v8;
	v21 =	vld [tilespmem:s13+$0xFFFFFF80];
	(xrf1) =	vsort.dscd.msk.f32 $0xffff, v33, v1;
	v22, v25, _ =	vpop (xrf1);
	v23 =	vsub.f32 v34, v30;
	v9 =	vor.u32 v28, v9;
	s13 =	smov.u32 s15  }
0x91: {  	v26 =	vperm.xlane v20, v4;
	vm1 =	vge.f32 v22, v24;
	v27, v28, _ =	vpop (xrf1);
	(erf) = vrcp.f32 v31;
	(xrf2) =	vadd.scan.msk.f32 $0xffff, v14  }
0x92: {  	v8 =	vmov v19;
	v30 =	vmul.f32 $1.442695020e+00, v23;
	v14, _, _ =	vpop (xrf2)  }
0x93: {  	v19 =	vld [tilespmem:s15+$0x30];
	v20, v18, _ =	vpop (xrf1);
	v31 =	vbroadcast v14, $0xF  }
.Ltmp0:
0x94: {  	v22 =	vsel vm1, v22, v24;
	v32 =	vperm.xlane v27, v4;
	v23 =	vld [tilespmem:s15+$0x0];
	(xrf1) =	vsort.dscd.msk.f32 $0xffff, v12, v13;
	(pc) =	sbr.rel @p0 .LBB2_2-.Ltmp0, $4  }
0x95: {  	v28 =	vperm.xlane v28, v4;
	v13 =	vsel vm1, v25, v26;
	(xrf1) =	vsort.dscd.msk.f32 $0xffff, v21, v0;
	v12, v21, _ =	vpop (xrf1);
	v14 =	vld.idx.msk [tilespmem:v9+s2+$0x0], $0xffff  }
0x96: {  	v24 =	vld [tilespmem:s15+$0xFFFFFFB0];
	vm1 =	vge.f32 v12, v32;
	(xrf1) =	vsort.dscd.msk.f32 $0xffff, v10, v11;
	(erf) = vpow2.f32 v30;
	v9, _, _ =	vpop (xrf2);
	v10 =	vmov v22  }
0x97: {  	v11 =	vmov v13;
	v22 =	vld [tilespmem:s15+$0x20];
	(xrf1) =	vsort.dscd.msk.f32 $0xffff, v16, v1;
	v12 =	vsel vm1, v12, v32;
	v27, v26, _ =	vpop (xrf1);
	v9 =	vbroadcast v9, $0xF  }
0x98: {  	s15 =	sadd.s32 $0x100, s15;
	v13 =	vsel vm1, v21, v28;
	v21 =	vld.idx.msk [tilespmem:v29+s2+$0x0], $0xffff;
	v25 =	vpop (erf);
	(erf) = vrcp.f32 v31  }
0x99: {  	_ =	sdelay $0x1  }
0x9a: {  	v16 =	vld [tilespmem:s13+$0xFFFFFFA0];
	_ =	sdelay $0x1  }
0x9b: {  	v17 =	vperm.xlane v17, v4;
	(xrf1) =	vsort.dscd.msk.f32 $0xffff, v24, v3  }
0x9c: {  	v60, v24, _ =	vpop (xrf1);
	(xrf1) =	vsort.dscd.msk.f32 $0xffff, v23, v0  }
0x9d: {  	v15 =	vperm.xlane v15, v4;
	vm1 =	vge.f32 v20, v17;
	(xrf1) =	vsort.dscd.msk.f32 $0xffff, v19, v3;
	v61, v19, _ =	vpop (xrf1)  }
0x9e: {  	v17 =	vsel vm1, v20, v17;
	(xrf1) =	vsort.dscd.msk.f32 $0xffff, v16, v2;
	v28, v29, _ =	vpop (xrf1)  }
0x9f: {  	v27 =	vperm.xlane v27, v4;
	v15 =	vsel vm1, v18, v15;
	v30, v31, _ =	vpop (xrf1)  }
0xa0: {  	v26 =	vperm.xlane v26, v4;
	(xrf0) =	vmax.scan.msk.f32 $0xffff, v60;
	v35, v63, _ =	vpop (xrf1)  }
0xa1: {  	vm2 =	vge.f32 v28, v27;
	(xrf1) =	vsort.dscd.msk.f32 $0xffff, v22, v2;
	v37, v38, _ =	vpop (xrf1);
	v22 =	vperm.xlane v35, v4  }
0xa2: {  	v25 =	vnsel vm0, $0x0, v25;
	v62 =	vsel vm2, v28, v27;
	(xrf1) =	vsort.dscd.msk.f32 $0xffff, v17, v15;
	v27 =	vperm.xlane v63, v4;
	v15, v17, _ =	vpop (xrf1)  }
0xa3: {  	v36 =	vperm.xlane v30, v4;
	v26 =	vsel vm2, v29, v26;
	vm2 =	vge.f32 v15, v22  }
0xa4: {  	v32 =	vld [tilespmem:s13+$0xFFFFFF90];
	(xrf2) =	vadd.scan.msk.f32 $0xffff, v25;
	v17 =	vsel vm2, v17, v27  }
0xa5: {  	(xrf0) =	vmax.scan.msk.f32 $0xffff, v61;
	v39 =	vperm.xlane v31, v4;
	vm1 =	vge.f32 v37, v36;
	v15 =	vsel vm2, v15, v22  }
0xa6: {  	v40 =	vld [tilespmem:s13+$0xFFFFFF80];
	(xrf1) =	vsort.dscd.msk.f32 $0xffff, v62, v26;
	v18 =	vsel vm1, v37, v36  }
0xa7: {  	v41, _, _ =	vpop (xrf0);
	v42 =	vsel vm1, v38, v39;
	(xrf1) =	vsort.dscd.msk.f32 $0xffff, v15, v17  }
0xa8: {  	v15, v17, _ =	vpop (xrf1);
	(xrf1) =	vsort.dscd.msk.f32 $0xffff, v18, v42  }
0xa9: {  	v18, v26, _ =	vpop (xrf1);
	(xrf1) =	vsort.dscd.msk.f32 $0xffff, v32, v1  }
0xaa: {  	v27, v28, _ =	vpop (xrf1);
	(xrf1) =	vsort.dscd.msk.f32 $0xffff, v12, v13  }
0xab: {  	v12, v13, _ =	vpop (xrf1);
	(xrf1) =	vsort.dscd.msk.f32 $0xffff, v40, v0  }
0xac: {  	v44, v43, _ =	vpop (xrf1);
	(xrf1) =	vsort.dscd.msk.f32 $0xffff, v10, v11  }
0xad: {  	v22 =	vbroadcast v41, $0xF;
	v11, _, _ =	vpop (xrf2)  }
0xae: {  	v47, _, _ =	vpop (xrf2)  }
0xaf: {  	v46, _, _ =	vpop (xrf0);
	v22 =	vsub.f32 v60, v22;
	v31 =	vbroadcast v47, $0xF  }
0xb0: {  	v23 =	vbroadcast v46, $0xF;
	v10 =	vpop (erf)  }
0xb1: {  	v22 =	vmul.f32 $1.442695020e+00, v22;
	v45 =	vpop (erf)  }
0xb2: {  	v21 =	vmul.f32 v25, v21;
	v48, v33, _ =	vpop (xrf1)  }
0xb3: {  	v16 =	vsub.f32 v61, v23;
	(erf) = vpow2.f32 v22;
	v18 =	vperm.xlane v18, v4;
	v51, v50, _ =	vpop (xrf1)  }
0xb4: {  	v52 =	vperm.xlane v26, v4;
	(erf) = vrcp.f32 v31;
	v23, v31, _ =	vpop (xrf1)  }
0xb5: {  	v16 =	vmul.f32 $1.442695020e+00, v16;
	vm1 =	vge.f32 v44, v18;
	v49 =	vnsel vm0, $0x0, v45;
	v34, v35, _ =	vpop (xrf1)  }
0xb6: {  	v55 =	vsel vm1, v44, v18;
	v25 =	vsel vm1, v43, v52;
	v22 =	vperm.xlane v51, v4;
	(xrf2) =	vadd.scan.msk.f32 $0xffff, v49;
	v36, v37, _ =	vpop (xrf1)  }
0xb7: {  	v14 =	vmul.f32 v49, v14;
	v30 =	vperm.xlane v50, v4;
	(xrf1) =	vsort.dscd.msk.f32 $0xffff, v55, v25;
	v53, v38, _ =	vpop (xrf1)  }
0xb8: {  	v54 =	vperm.xlane v12, v4;
	(xrf2) =	vadd.scan.msk.f32 $0xffff, v21;
	(erf) = vpow2.f32 v16;
	vm2 =	vge.f32 v36, v22;
	v57, v58, _ =	vpop (xrf1)  }
0xb9: {  	(xrf2) =	vadd.scan.msk.f32 $0xffff, v14;
	v56 =	vsel vm2, v36, v22;
	v59 =	vsel vm2, v37, v30;
	v61, v60, _ =	vpop (xrf1);
	v20 =	vperm.xlane v57, v4  }
0xba: {  	v26 =	vperm.xlane v53, v4;
	v22 =	vperm.xlane v58, v4;
	v63, v62, _ =	vpop (xrf1);
	(xrf1) =	vsort.dscd.msk.f32 $0xffff, v56, v59  }
0xbb: {  	v13 =	vperm.xlane v13, v4;
	(xrf0) =	vmax.scan.msk.f32 $0xffff, v23;
	v37 =	vperm.xlane v38, v4;
	vm1 =	vge.f32 v63, v20  }
0xbc: {  	v12 =	vpop (erf);
	(xrf0) =	vmax.scan.msk.f32 $0xffff, v34;
	vm2 =	vge.f32 v61, v26;
	v38 =	vsel vm1, v63, v20;
	v39 =	vsel vm1, v62, v22  }
0xbd: {  	v40 =	vpop (erf);
	v41 =	vsel vm2, v61, v26;
	v16 =	vsel vm2, v60, v37;
	(xrf1) =	vsort.dscd.msk.f32 $0xffff, v38, v39  }
0xbe: {  	v42 =	vperm.xlane v15, v4;
	v20 =	vnsel vm0, $0x0, v40;
	vm1 =	vge.f32 v48, v54;
	(xrf1) =	vsort.dscd.msk.f32 $0xffff, v41, v16  }
0xbf: {  	v43 =	vperm.xlane v17, v4;
	(xrf2) =	vadd.scan.msk.f32 $0xffff, v20;
	v44 =	vsel vm1, v48, v54;
	v13 =	vsel vm1, v33, v13  }
0xc0: {  	vm1 =	vge.f32 v27, v42;
	(xrf1) =	vsort.dscd.msk.f32 $0xffff, v44, v13  }
0xc1: {  	v45, _, _ =	vpop (xrf2);
	v14 =	vsel vm1, v27, v42;
	v46 =	vsel vm1, v28, v43  }
0xc2: {  	v19 =	vadd.s32 $0x40, v19;
	v47 =	vadd.s32 $0x40, v24;
	v15 =	vpop (erf);
	(xrf1) =	vsort.dscd.msk.f32 $0xffff, v14, v46  }
0xc3: {  	v17 =	vmov s11;
	v51 =	vand.u32 $0xFFFFFF80, v19;
	v19 =	vand.u32 $0x7F, v19;
	v50 =	vpop (erf)  }
0xc4: {  	v21 =	vand.u32 $0x7F, v47;
	v53, _, _ =	vpop (xrf0);
	v56 =	vbroadcast v45, $0xF;
	v59 =	vadd.s32 $0x40, v31  }
0xc5: {  	v55, _, _ =	vpop (xrf0);
	v24 =	vnsel vm0, $0x0, v50;
	v61 =	vand.u32 $0xFFFFFF80, v59;
	v29 =	vand.u32 $0x7F, v59  }
0xc6: {  	(erf) = vrcp.f32 v56;
	v62 =	vshll.u32 v17, $0x7;
	v26 =	vbroadcast v55, $0xF;
	v57, v58, _ =	vpop (xrf1)  }
0xc7: {  	v48 =	vand.u32 $0xFFFFFF80, v47;
	v54 =	vbroadcast v53, $0xF;
	v16, _, _ =	vpop (xrf2);
	v27 =	vperm.xlane v57, v4  }
0xc8: {  	s28 =	sadd.s32 $0x1, s12;
	(xrf2) =	vadd.scan.msk.f32 $0xffff, v24;
	v28 =	vperm.xlane v58, v4;
	v26 =	vsub.f32 v34, v26;
	v13 =	vmov s12;
	v60, v30, _ =	vpop (xrf1)  }
0xc9: {  	v43 =	vadd.s32 $0x40, v35;
	v18, _, _ =	vpop (xrf2);
	v49 =	vshll.u32 v13, $0x7;
	v14 =	vmov s28;
	(xrf0) =	vmax.scan.msk.f32 $0xffff, v60  }
0xca: {  	v23 =	vsub.f32 v23, v54;
	v22 =	vadd.s32 v49, v48;
	v52 =	vshll.u32 v14, $0x7;
	v63, _, _ =	vpop (xrf2)  }
0xcb: {  	v46 =	vand.u32 $0xFFFFFF80, v43;
	v21 =	vor.u32 v21, v22;
	v22 =	vadd.s32 v52, v51;
	v33, v36, _ =	vpop (xrf1)  }
0xcc: {  	v26 =	vmul.f32 $1.442695020e+00, v26;
	v23 =	vmul.f32 $1.442695020e+00, v23;
	v22 =	vor.u32 v19, v22;
	v41, v40, _ =	vpop (xrf1)  }
0xcd: {  	v19 =	vadd.s32 v62, v61;
	v42 =	vbroadcast v63, $0xF;
	vm1 =	vge.f32 v41, v27  }
0xce: {  	(erf) = vpow2.f32 v23;
	v44, v45, _ =	vpop (xrf1);
	v27 =	vsel vm1, v41, v27;
	v28 =	vsel vm1, v40, v28  }
0xcf: {  	s29 =	sadd.s32 $0x1, s11;
	v29 =	vor.u32 v29, v19;
	(erf) = vrcp.f32 v42;
	v48 =	vperm.xlane v44, v4;
	(xrf1) =	vsort.dscd.msk.f32 $0xffff, v27, v28;
	v47, _, _ =	vpop (xrf0)  }
0xd0: {  	v19 =	vmov s29;
	v49, v50, _ =	vpop (xrf1);
	v23 =	vperm.xlane v45, v4;
	v28 =	vbroadcast v47, $0xF  }
0xd1: {  	v51 =	vshll.u32 v19, $0x7;
	v21 =	vld.idx.msk [tilespmem:v21+s2+$0x0], $0xffff;
	(erf) = vpow2.f32 v26;
	vm1 =	vge.f32 v49, v48  }
0xd2: {  	v22 =	vld.idx.msk [tilespmem:v22+s2+$0x0], $0xffff;
	v52, _, _ =	vpop (xrf2);
	v53 =	vsel vm1, v49, v48;
	v23 =	vsel vm1, v50, v23;
	v25 =	vsub.f32 v60, v28  }
0xd3: {  	v31 =	vand.u32 $0x7F, v43;
	v26 =	vbroadcast v52, $0xF;
	v27 =	vadd.s32 v51, v46;
	(xrf1) =	vsort.dscd.msk.f32 $0xffff, v53, v23  }
0xd4: {  	v54 =	vor.u32 v31, v27;
	v25 =	vmul.f32 $1.442695020e+00, v25  }
0xd5: {  	(erf) = vrcp.f32 v26  }
0xd6: {  	v20 =	vmul.f32 v20, v21;
	(erf) = vpow2.f32 v25  }
0xd7: {  	v55 =	vmul.f32 v24, v22  }
0xd8: {  	v56 =	vld.idx.msk [tilespmem:v29+s2+$0x0], $0xffff;
	v22 =	vpop (erf);
	(xrf2) =	vadd.scan.msk.f32 $0xffff, v20  }
0xd9: {  	v57 =	vpop (erf);
	(xrf2) =	vadd.scan.msk.f32 $0xffff, v55;
	v58 =	vld.idx.msk [tilespmem:v54+s2+$0x0], $0xffff  }
0xda: {  	(xrf0) =	vmax.scan.msk.f32 $0xffff, v33;
	v24 =	vnsel vm0, $0x0, v57;
	v23 =	vpop (erf)  }
0xdb: {  	(xrf2) =	vadd.scan.msk.f32 $0xffff, v24;
	v59 =	vpop (erf)  }
0xdc: {  	v25 =	vnsel vm0, $0x0, v59  }
0xdd: {  	v20 =	vmul.f32 v24, v56;
	(xrf2) =	vadd.scan.msk.f32 $0xffff, v25;
	v61, v60, _ =	vpop (xrf1)  }
0xde: {  	v24 =	vpop (erf);
	v21 =	vmul.f32 v25, v58;
	(xrf0) =	vmax.scan.msk.f32 $0xffff, v61  }
0xdf: {  	(xrf2) =	vadd.scan.msk.f32 $0xffff, v20;
	v62 =	vpop (erf)  }
0xe0: {  	v43, _, _ =	vpop (xrf0);
	(xrf2) =	vadd.scan.msk.f32 $0xffff, v21;
	v20 =	vnsel vm0, $0x0, v62  }
0xe1: {  	v63, v25, _ =	vpop (xrf1);
	(xrf2) =	vadd.scan.msk.f32 $0xffff, v20  }
0xe2: {  	s30 =	sadd.s32 $0x1, s10;
	v32, _, _ =	vpop (xrf2);
	(xrf0) =	vmax.scan.msk.f32 $0xffff, v63  }
0xe3: {  	v38 =	vmov s30;
	v30 =	vadd.s32 $0x40, v30;
	v37, _, _ =	vpop (xrf2)  }
0xe4: {  	v39 =	vshll.u32 v38, $0x7;
	v45 =	vand.u32 $0xFFFFFF80, v30;
	v44, _, _ =	vpop (xrf0)  }
0xe5: {  	v30 =	vand.u32 $0x7F, v30;
	v28 =	vbroadcast v43, $0xF;
	v49, _, _ =	vpop (xrf2);
	v29 =	vbroadcast v44, $0xF  }
0xe6: {  	v31 =	vmov s10;
	v47 =	vadd.s32 $0x40, v36;
	v36 =	vbroadcast v49, $0xF  }
0xe7: {  	v46 =	vshll.u32 v31, $0x7;
	v35 =	vand.u32 $0xFFFFFF80, v47;
	v28 =	vsub.f32 v33, v28;
	v50, _, _ =	vpop (xrf2)  }
0xe8: {  	v48 =	vand.u32 $0x7F, v47;
	v34 =	vadd.s32 v46, v45;
	v35 =	vadd.s32 v39, v35;
	v40, _, _ =	vpop (xrf0)  }
0xe9: {  	v28 =	vmul.f32 $1.442695020e+00, v28;
	v26 =	vsub.f32 v61, v29;
	v40 =	vbroadcast v40, $0xF;
	v29, _, _ =	vpop (xrf2)  }
0xea: {  	v30 =	vor.u32 v30, v34;
	(erf) = vrcp.f32 v36;
	v33 =	vbroadcast v50, $0xF;
	v36, _, _ =	vpop (xrf2)  }
0xeb: {  	(erf) = vpow2.f32 v28;
	v26 =	vmul.f32 $1.442695020e+00, v26;
	v21 =	vsub.f32 v63, v40;
	v51, _, _ =	vpop (xrf2)  }
0xec: {  	v34 =	vor.u32 v48, v35;
	(erf) = vrcp.f32 v33;
	v28 =	vbroadcast v51, $0xF  }
0xed: {  	(erf) = vpow2.f32 v26;
	v21 =	vmul.f32 $1.442695020e+00, v21  }
0xee: {  	(erf) = vrcp.f32 v28  }
0xef: {  	v52 =	vld.idx.msk [tilespmem:v30+s2+$0x0], $0xffff;
	(erf) = vpow2.f32 v21;
	_ =	sdelay $0x1  }
0xf0: {  	v53 =	vld.idx.msk [tilespmem:v34+s2+$0x0], $0xffff  }
0xf1: {  	s31 =	sadd.s32 $0x1, s9;
	v27 =	vadd.s32 $0x40, v60;
	v28 =	vmov s9  }
0xf2: {  	v35 =	vmov s31;
	v54 =	vand.u32 $0xFFFFFF80, v27;
	v30 =	vpop (erf);
	v55 =	vshll.u32 v28, $0x7  }
0xf3: {  	v57 =	vand.u32 $0x7F, v27;
	v20 =	vmul.f32 v20, v52;
	v56 =	vpop (erf);
	v58 =	vadd.s32 v55, v54  }
0xf4: {  	v25 =	vadd.s32 $0x40, v25;
	v60 =	vnsel vm0, $0x0, v56;
	v59 =	vpop (erf);
	v26 =	vor.u32 v57, v58  }
0xf5: {  	v62 =	vshll.u32 v35, $0x7;
	v61 =	vand.u32 $0xFFFFFF80, v25;
	(xrf2) =	vadd.scan.msk.f32 $0xffff, v60;
	v21 =	vmul.f32 v60, v53;
	v63 =	vpop (erf)  }
0xf6: {  	v25 =	vand.u32 $0x7F, v25;
	v42 =	vadd.s32 v62, v61;
	(xrf2) =	vadd.scan.msk.f32 $0xffff, v20;
	v43 =	vpop (erf)  }
0xf7: {  	v20 =	vor.u32 v25, v42;
	(xrf2) =	vadd.scan.msk.f32 $0xffff, v21;
	v44 =	vnsel vm0, $0x0, v63;
	v45 =	vpop (erf)  }
0xf8: {  	(xrf2) =	vadd.scan.msk.f32 $0xffff, v44;
	v25 =	vnsel vm0, $0x0, v45  }
0xf9: {  	v26 =	vld.idx.msk [tilespmem:v26+s2+$0x0], $0xffff;
	(xrf2) =	vadd.scan.msk.f32 $0xffff, v25;
	_ =	sdelay $0x2  }
0xfa: {  	v20 =	vld.idx.msk [tilespmem:v20+s2+$0x0], $0xffff;
	_ =	sdelay $0x1  }
0xfb: {  	v21 =	vmul.f32 v44, v26  }
0xfc: {  	v46, _, _ =	vpop (xrf2)  }
0xfd: {  	v11 =	vbroadcast v11, $0xF;
	v9 =	vmul.f32 v10, v9;
	v47, _, _ =	vpop (xrf2);
	(xrf2) =	vadd.scan.msk.f32 $0xffff, v21  }
0xfe: {  	v48 =	vbroadcast v46, $0xF;
	v20 =	vmul.f32 v25, v20;
	v49, _, _ =	vpop (xrf2)  }
0xff: {  	v11 =	vmul.f32 v12, v11;
	v16 =	vbroadcast v16, $0xF;
	v50, _, _ =	vpop (xrf2)  }
0x100: {  	(erf) = vrcp.f32 v48;
	(xrf2) =	vadd.scan.msk.f32 $0xffff, v20;
	v51 =	vbroadcast v50, $0xF;
	v52, _, _ =	vpop (xrf2)  }
0x101: {  	[tilespmem:v7+s7+$0x0] =	vst.idx.msk $0x1, v9;
	v7 =	vmul.f32 v15, v16;
	v53 =	vbroadcast v52, $0xF  }
0x102: {  	v55 =	vbroadcast v32, $0xF;
	(erf) = vrcp.f32 v51  }
0x103: {  	v54 =	vbroadcast v18, $0xF;
	(erf) = vrcp.f32 v53  }
0x104: {  	[tilespmem:v5+s7+$0x0] =	vst.idx.msk $0x1, v7;
	v7 =	vbroadcast v29, $0xF;
	v5 =	vmul.f32 v23, v55  }
0x105: {  	[tilespmem:v6+s7+$0x0] =	vst.idx.msk $0x1, v11;
	v56 =	vbroadcast v37, $0xF;
	v6 =	vmul.f32 v22, v54  }
0x106: {  	[tilespmem:v13+s7+$0x0] =	vst.idx.msk $0x1, v5;
	v5 =	vmul.f32 v30, v7;
	v7 =	vbroadcast v47, $0xF  }
0x107: {  	v57 =	vbroadcast v36, $0xF;
	[tilespmem:v8+s7+$0x0] =	vst.idx.msk $0x1, v6;
	v6 =	vmul.f32 v24, v56;
	v60, _, _ =	vpop (xrf2)  }
0x108: {  	[tilespmem:v17+s7+$0x0] =	vst.idx.msk $0x1, v5;
	v5 =	vmul.f32 v43, v7;
	v7 =	vbroadcast v60, $0xF  }
0x109: {  	[tilespmem:v14+s7+$0x0] =	vst.idx.msk $0x1, v6;
	v6 =	vmul.f32 v59, v57;
	v59 =	vbroadcast v49, $0xF;
	v58 =	vpop (erf)  }
0x10a: {  	v61, _, _ =	vpop (xrf2)  }
0x10b: {  	[tilespmem:v19+s7+$0x0] =	vst.idx.msk $0x1, v6;
	v6 =	vmul.f32 v58, v59;
	v63 =	vbroadcast v61, $0xF;
	v62 =	vpop (erf)  }
0x10c: {  	[tilespmem:v31+s7+$0x0] =	vst.idx.msk $0x1, v5;
	v5 =	vmul.f32 v62, v7;
	v7 =	vpop (erf)  }
0x10d: {  	s8 =	sadd.s32 $0x1, s8;
	[tilespmem:v38+s7+$0x0] =	vst.idx.msk $0x1, v6;
	v6 =	vmul.f32 v7, v63  }
0x10e: {  	p0 =	sne.s32 s8, s5;
	[tilespmem:v28+s7+$0x0] =	vst.idx.msk $0x1, v5  }
.Ltmp1:
0x10f: {  	[tilespmem:v35+s7+$0x0] =	vst.idx.msk $0x1, v6;
	(pc) =	sbr.rel @p0 .LBB2_1-.Ltmp1, $4  }
0x110: {  	[hbm4b:s4+s2] =	stream.linear.scatter [tilespmem:s7], [sflag:$0x1], $0x100, $0x38;
	[tilespmem:$0x8100] =	vst v63  }
0x111: {  	_ =	swait.ge [sflag:s6], $0x100  }
0x112: {  	[sflag:s6] =	ssyncset.done $0x0  }
0x113: {  	[sflag:s6] =	ssyncadd.s32 $0xFFFFFF00  }
0x114: {  	_ =	sfence.sel $0x180000  }
0x115: {  	[bflag:$0x0] =	sbarrier.arrive $0xFFFF  }
0x116: {  	p0 =	sne.s32 s1, $0x0;
	_ =	strace $0x90000050  }
0x117: {  	s0 =	sadd.s32 @!p0 $0x100000, s0;
	[bflag:$0x2] =	sbarrier.arrive $0xFFFF  }
0x118: {  	[sflag:s0] =	ssyncadd.tile.s32 @!p0 $0x1;
	_ =	shalt  }
.Lfunc_end2:
_tile_overlayer_lowered:
.L_overlay_start_2:
0x119: {  	(tag) =	ssettag $0x2  }
0x11a: {  	s0 =	rddreg [dreg:$0x0];
	s2 =	stileid.u32  }
0x11b: {  	s1 =	rddreg [dreg:$0x1];
	p0 =	sne.s32 s2, $0x0  }
0x11c: {  	s3 =	rddreg [dreg:$0x2];
	[bflag:$0x3] =	sbarrier.arrive $0xFFFF;
	s2 =	simm.s32 @!p0 $0x1C01  }
0x11d: {  	[timem:s3], [sflag:s2] =	dma.local @!p0 [hbm:s0], s1  }
0x11e: {  	s0 =	simm.s32 @!p0 $0x1  }
0x11f: {  	_ =	swait.ge @!p0 [sflag:s0], s1  }
0x120: {  	s1 =	ssub.s32 @!p0 $0x0, s1;
	[sflag:s0] =	ssyncset.done @!p0 $0x0  }
0x121: {  	[sflag:s0] =	ssyncadd.s32 @!p0 s1  }
0x122: {  	[bflag:$0x3] =	sbarrier.arrive $0xFFFF  }
0x123: {  	_ =	shalt  }

// kernel: kernel.13.cloned.1.call-start
scs
__scs_entry_jumppad:
0x0: {  	(pc) =	sbr.rel $0x88, $3  }
0x1: {  	(tag) =	ssettag $0x0;
	lr =	simm.s32 $0x1  }
0x2: {  	[smem:$0x3F9D] =	sst lr;
	_ =	strace $0xD0000000  }
0x3: {  	_ = 	snop  }
0x4: {  	_ = 	snop  }
0x5: {  	_ = 	snop  }
0x6: {  	_ = 	snop  }
0x7: {  	_ = 	snop  }
__scs_overlays_trampoline_lowered:
0x8: {  	[smem:$0x3FAC] =	sst s0  }
0x9: {  	[smem:$0x3FAD] =	sst s1  }
0xa: {  	[smem:$0x3FAE] =	sst s2  }
0xb: {  	[smem:$0x3FAF] =	sst s3  }
0xc: {  	[smem:$0x3FB0] =	sst s4  }
0xd: {  	[smem:$0x3FB1] =	sst s5  }
0xe: {  	[smem:$0x3FB2] =	sst s6  }
0xf: {  	[smem:$0x3FB3] =	sst s7  }
0x10: {  	[smem:$0x3FB4] =	sst s8  }
0x11: {  	[smem:$0x3FB5] =	sst s9;
	s0 =	simm.s32 @!p0 $0x0  }
0x12: {  	s1 =	sld [smem:$0x3F9B];
	s0 =	simm.s32 @p0 $0x1  }
0x13: {  	[smem:$0x3FB6] =	sst s0;
	s0 =	simm.s32 @!p1 $0x0  }
0x14: {  	s2 =	sld [smem:$0x3F9A];
	s0 =	simm.s32 @p1 $0x1  }
0x15: {  	[smem:$0x3FB7] =	sst s0;
	s0 =	simm.s32 @!p2 $0x0  }
0x16: {  	s3 =	sld [smem:$0x3FDB];
	s0 =	simm.s32 @p2 $0x1  }
0x17: {  	s4 =	simm.s32 $0x1BF5;
	[smem:$0x3FB9] =	sst s0  }
0x18: {  	s0 =	sld [smem:$0x3F9C];
	_ =	swait.ge [sflag:s4], $0x0  }
0x19: {  	s7 =	sld [smem:$0x3F9D]  }
0x1a: {  	s8 =	sadd.s32 $0xFFFFE003, lr  }
0x1b: {  	s9 =	sadd.s32 $0xFFFFFEF7, lr;
	s5 =	simm.s32 $0xFFFFFFFF;
	p2 =	slt.u32 s8, $0xFFFFF086  }
0x1c: {  	p1 =	slt.u32 s9, $0xF7A;
	s5 =	simm.s32 @!p2 $0x0  }
0x1d: {  	s5 =	simm.s32 @p1 $0x1;
	p0 =	seq.s32 s7, s2  }
0x1e: {  	s7 =	smul.u32 @!p0 $0xF7A, s2;
	p2 =	seq.s32 @!p0 s5, $0x0  }
0x1f: {  	s9 =	smul.u32 $0xF7A, s1;
	s8 =	simm.s32 @!p0 $0x1BF5;
	p2 =	por !p2, p0  }
0x20: {  	[sflag:s8] =	ssyncset.s32 @!p0 $0xFFFFF086;
	s6 =	sadd.s32 @!p0 s3, s7;
	s7 =	simm.s32 @!p0 $0x108  }
0x21: {  	s3 =	sadd.s32 s3, s9;
	s6 =	sadd.s32 @!p0 $0x88, s6;
	s7 =	simm.s32 @p2 $0x1082  }
0x22: {  	[simem:s7], [sflag:s8] =	dma.local @!p0 [hbm:s6], $0xF7A  }
0x23: {  	s9 =	sor.u32 $0xD0000000, s2;
	s6 =	simm.s32 $0x108;
	_ =	swait.ge @!p0 [sflag:s8], $0x0  }
0x24: {  	s3 =	sadd.s32 $0x88, s3;
	s6 =	simm.s32 @!p1 $0x1082;
	[sflag:s4] =	ssyncset.s32 $0xFFFFF086  }
0x25: {  	[simem:s6], [sflag:s4] =	dma.local [hbm:s3], $0xF7A  }
0x26: {  	[smem:$0x3F9D] =	sst s1;
	(tag) =	ssettag s2;
	_ =	strace s9  }
0x27: {  	s1 =	sld [smem:$0x3FAD]  }
0x28: {  	s2 =	sld [smem:$0x3FAE]  }
0x29: {  	s4 =	sld [smem:$0x3FB0]  }
0x2a: {  	p0 =	seq.s32 s5, $0x0;
	s5 =	sld [smem:$0x3FB1]  }
0x2b: {  	s6 =	sld [smem:$0x3FB2]  }
0x2c: {  	s7 =	sld [smem:$0x3FB3]  }
0x2d: {  	s3 =	simm.s32 $0x108;
	s8 =	sld [smem:$0x3FB4]  }
0x2e: {  	s3 =	simm.s32 @!p0 $0x1082;
	s9 =	sld [smem:$0x3FB5]  }
0x2f: {  	lr =	sadd.s32 s0, s3;
	s0 =	sld [smem:$0x3FAC]  }
0x30: {  	s3 =	sld [smem:$0x3FAF]  }
0x31: {  	[smem:$0x3FB8] =	sst s10  }
0x32: {  	s10 =	sld [smem:$0x3FB6];
	_ =	sdelay $0x3  }
0x33: {  	p0 =	seq.s32 s10, $0x1;
	s10 =	sld [smem:$0x3FB8];
	_ =	sdelay $0x3  }
0x34: {  	[smem:$0x3FB8] =	sst s10  }
0x35: {  	s10 =	sld [smem:$0x3FB7];
	_ =	sdelay $0x3  }
0x36: {  	p1 =	seq.s32 s10, $0x1;
	s10 =	sld [smem:$0x3FB8];
	_ =	sdelay $0x3  }
0x37: {  	[smem:$0x3FB8] =	sst s10  }
0x38: {  	s10 =	sld [smem:$0x3FB9]  }
0x39: {  	_ = 	snop;
	(pc) =	sbr.ind lr, $3  }
0x3a: {  	_ = 	snop  }
0x3b: {  	_ = 	snop  }
0x3c: {  	p2 =	seq.s32 s10, $0x1;
	s10 =	sld [smem:$0x3FB8]  }
0x3d: {  	_ =	shalt  }
0x3e: {  	_ =	shalt  }
0x3f: {  	_ =	shalt  }
0x40: {  	_ =	shalt  }
0x41: {  	_ =	shalt  }
0x42: {  	_ =	shalt  }
0x43: {  	_ =	shalt  }
0x44: {  	_ =	shalt  }
0x45: {  	_ =	shalt  }
0x46: {  	_ =	shalt  }
0x47: {  	_ =	shalt  }
0x48: {  	_ =	shalt  }
0x49: {  	_ =	shalt  }
0x4a: {  	_ =	shalt  }
0x4b: {  	_ =	shalt  }
0x4c: {  	_ =	shalt  }
0x4d: {  	_ =	shalt  }
0x4e: {  	_ =	shalt  }
0x4f: {  	_ =	shalt  }
0x50: {  	_ =	shalt  }
0x51: {  	_ =	shalt  }
0x52: {  	_ =	shalt  }
0x53: {  	_ =	shalt  }
0x54: {  	_ =	shalt  }
0x55: {  	_ =	shalt  }
0x56: {  	_ =	shalt  }
0x57: {  	_ =	shalt  }
0x58: {  	_ =	shalt  }
0x59: {  	_ =	shalt  }
0x5a: {  	_ =	shalt  }
0x5b: {  	_ =	shalt  }
0x5c: {  	_ =	shalt  }
0x5d: {  	_ =	shalt  }
0x5e: {  	_ =	shalt  }
0x5f: {  	_ =	shalt  }
0x60: {  	_ =	shalt  }
0x61: {  	_ =	shalt  }
0x62: {  	_ =	shalt  }
0x63: {  	_ =	shalt  }
0x64: {  	_ =	shalt  }
0x65: {  	_ =	shalt  }
0x66: {  	_ =	shalt  }
0x67: {  	_ =	shalt  }
0x68: {  	_ =	shalt  }
0x69: {  	_ =	shalt  }
0x6a: {  	_ =	shalt  }
0x6b: {  	_ =	shalt  }
0x6c: {  	_ =	shalt  }
0x6d: {  	_ =	shalt  }
0x6e: {  	_ =	shalt  }
0x6f: {  	_ =	shalt  }
0x70: {  	_ =	shalt  }
0x71: {  	_ =	shalt  }
0x72: {  	_ =	shalt  }
0x73: {  	_ =	shalt  }
0x74: {  	_ =	shalt  }
0x75: {  	_ =	shalt  }
0x76: {  	_ =	shalt  }
0x77: {  	_ =	shalt  }
0x78: {  	_ =	shalt  }
0x79: {  	_ =	shalt  }
0x7a: {  	_ =	shalt  }
0x7b: {  	_ =	shalt  }
0x7c: {  	_ =	shalt  }
0x7d: {  	_ =	shalt  }
0x7e: {  	_ =	shalt  }
0x7f: {  	_ =	shalt  }
0x80: {  	_ =	shalt  }
0x81: {  	_ =	shalt  }
0x82: {  	_ =	shalt  }
0x83: {  	_ =	shalt  }
0x84: {  	_ =	shalt  }
0x85: {  	_ =	shalt  }
0x86: {  	_ =	shalt  }
0x87: {  	_ =	shalt  }
.Lfunc_end0:
.L_simem_size_0:
called_computation.1_lowered:
.L_overlay_start_0:
0x88: {  	s2 =	sld [smem:$0x3FD9]  }
0x89: {  	s3 =	sld [smem:$0x3FFE];
	_ =	sdelay $0x1  }
0x8a: {  	s1 =	srdreg.scid  }
0x8b: {  	s0 =	sand.u32 $0x1, s1  }
0x8c: {  	s17 =	sshll.u32 s0, $0xA;
	s2 =	sadd.s32 s3, s2  }
0x8d: {  	s2 =	sadd.s32 s2, s17  }
0x8e: {  	[smem:$0x3FC4] =	sst s2  }
0x8f: {  	_ = 	snop  }
0x90: {  	(tm) =	ssettm $0x1  }
0x91: {  	s18 =	sld [smem:$0x3FFB];
	_ =	sdelay $0x3  }
0x92: {  	_ =	strace s18  }
0x93: {  	s2 =	sld [smem:$0x3FFC];
	_ =	sdelay $0x3  }
0x94: {  	_ =	strace s2  }
0x95: {  	s2 =	sld [smem:$0x3FFD];
	_ =	sdelay $0x3  }
0x96: {  	_ =	strace s2  }
0x97: {  	_ =	strace $0x8FFFFFFF  }
0x98: {  	s19 =	sld [smem:$0x3FDB];
	_ =	sdelay $0x1  }
0x99: {  	s20 =	simm.s32 $_scs_section_size  }
0x9a: {  	s4 =	simm.s32 $_size__tile_overlayer_lowered;
	s5 =	simm.s32 $_tile_overlayer_lowered  }
0x9b: {  	s6 =	simm.s32 $0x1BFF;
	s21 =	sshll.u32 s5, $0x1;
	s3 =	sadd.s32 s20, s19  }
0x9c: {  	s22 =	simm.s32 $0x0;
	s4 =	sshll.u32 s4, $0x1;
	s5 =	sadd.s32 s21, s3  }
0x9d: {  	[timem:s22], [sflag:s6] =	dma.local [hbm:s5], s4  }
0x9e: {  	_ =	swait.ge [sflag:s6], s4  }
0x9f: {  	s4 =	ssub.s32 $0x0, s4;
	[sflag:s6] =	ssyncset.done $0x0  }
0xa0: {  	[sflag:s6] =	ssyncadd.s32 s4;
	_ =	sdelay $0x1  }
0xa1: {  	s23 =	simm.s32 $0x1B8B  }
0xa2: {  	_ =	swait.ge [sflag:s23], $0x1  }
0xa3: {  	[sflag:s23] =	ssyncset.done $0x0  }
0xa4: {  	[sflag:s23] =	ssyncadd.s32 $0xFFFFFFFF  }
0xa5: {  	s4 =	sld [smem:$0x0]  }
0xa6: {  	s5 =	sand.u32 $0xFFFFFFFE, s1  }
0xa7: {  	p0 =	sne.s32 s1, s5  }
0xa8: {  	s5 =	sshll.u32 @p0 s5, $0xE  }
0xa9: {  	s5 =	sadd.s32 @p0 $0x11B8D, s5;
	s6 =	sshll.u32 @p0 s4, $0x11  }
0xaa: {  	s5 =	sor.u32 @p0 s6, s5  }
0xab: {  	[sflag:s5] =	ssyncadd.remote.s32 @p0 $0x1;
	_ =	sdelay $0x1  }
0xac: {  	s5 =	simm.s32 @p0 $0x1B8D  }
0xad: {  	_ =	swait.eq @p0 [sflag:s5], $0x1  }
0xae: {  	[sflag:s5] =	ssyncadd.s32 @p0 $0xFFFFFFFF  }
0xaf: {  	s6 =	sshll.u32 @!p0 s1, $0xE  }
0xb0: {  	s6 =	sor.u32 @!p0 $0x4000, s6;
	s5 =	simm.s32 @!p0 $0x1B8D  }
0xb1: {  	s4 =	sshll.u32 @!p0 s4, $0x11;
	s6 =	sadd.s32 @!p0 $0x11B8D, s6;
	_ =	swait.eq @!p0 [sflag:s5], $0x1  }
0xb2: {  	s4 =	sor.u32 @!p0 s4, s6;
	[sflag:s5] =	ssyncadd.s32 @!p0 $0xFFFFFFFF  }
0xb3: {  	s25 =	simm.s32 $0x1B8E;
	s24 =	sld [smem:$0x3FFE];
	[sflag:s4] =	ssyncadd.remote.s32 @!p0 $0x1  }
0xb4: {  	s26 =	simm.s32 $execute0_lowered;
	[smem:$0x3FD2] =	sst s25  }
0xb5: {  	s5 =	sshll.u32 s26, $0x1;
	_ =	strace $0x8000004C;
	[dreg:$0x1] =	wrdreg $0xFFFFFFFF  }
0xb6: {  	s28 =	simm.s32 $_size_execute0_lowered;
	s3 =	sadd.s32 s3, s5;
	[dreg:$0x0] =	wrdreg $0x0  }
0xb7: {  	s5 =	sshll.u32 s28, $0x1;
	[dreg:$0x2] =	wrdreg s3  }
0xb8: {  	[dreg:$0x3] =	wrdreg s5  }
0xb9: {  	[dreg:$0x4] =	wrdreg $0xC0  }
0xba: {  	_ =	task [dreg:s22], $0x5FFFF  }
0xbb: {  	[dreg:$0x1] =	wrdreg $0xFFFFFFFF  }
0xbc: {  	[dreg:$0x0] =	wrdreg $0x60  }
0xbd: {  	[dreg:$0x2] =	wrdreg s24  }
0xbe: {  	[dreg:$0x3] =	wrdreg $0xA  }
0xbf: {  	_ =	task.clear_ibuf [dreg:s22], $0x4FFFF;
	_ =	strace $0x9000004C  }
0xc0: {  	s29 =	simm.s32 $0xA;
	_ =	strace $0x8000004E  }
0xc1: {  	_ =	swait.ge [sflag:s29], $0x1  }
0xc2: {  	[sflag:s29] =	ssyncadd.s32 $0xFFFFFFFF  }
0xc3: {  	_ =	strace $0x9000004E  }
0xc4: {  	_ =	sfence  }
0xc5: {  	s30 =	sld [smem:$0x0];
	_ =	sdelay $0x2  }
0xc6: {  	s31 =	sshll.u32 s1, $0xD;
	s1 =	sshrl.u32 s1, $0x2  }
0xc7: {  	s4 =	sand.u32 $0x4000, s31;
	s1 =	sadd.s32 s1, s30  }
0xc8: {  	s0 =	sor.u32 s4, s0;
	s1 =	sshll.u32 s1, $0x11  }
0xc9: {  	s0 =	sor.u32 s1, s0  }
0xca: {  	s0 =	sadd.s32 $0x8F2B, s0  }
0xcb: {  	[sflag:s0] =	ssyncadd.remote.s32 $0x1  }
0xcc: {  	_ =	sfence.sel $0xFFFF  }
0xcd: {  	[dreg:$0x0] =	wrdreg $0xFFFFFFFF;
	(pc) =	sbr.abs _section_cstart, $3  }
0xce: {  	[dreg:$0x1] =	wrdreg $0xFFFFFFFF  }
0xcf: {  	_ =	task.clear_ibuf [dreg:s22], $0x2FFFF;
	_ =	strace $0x9FFFFFFF  }
0xd0: {  	(tm) =	ssettm $0x7FFFFFFF  }
0xd1: {  	_ =	shalt  }
tec
execute0_lowered:
.L_overlay_start_1:
0x0: {  	(tag) =	ssettag $0x1  }
0x1: {  	s3 =	rddreg [dreg:$0x0]  }
0x2: {  	s0 =	rddreg [dreg:$0x1];
	s4 =	srdreg.scid  }
0x3: {  	s2 =	simm.s32 $0x0;
	s1 =	stileid.u32;
	s4 =	sand.u32 $0x1, s4  }
0x4: {  	[smem:$0x7FF] =	sst s2;
	s5 =	sshll.u32 s1, $0x9;
	s6 =	sshll.u32 s4, $0x8  }
0x5: {  	s8 =	simm.s32 $0x0;
	_ =	strace $0x8000004D;
	s5 =	sor.u32 s6, s5  }
0x6: {  	v0 =	vlaneseq.u32;
	s4 =	ssub.s32 $0x2, s4;
	s6 =	sshll.u32 s5, $0x4;
	s5 =	sshrl.u32 s5, $0x3  }
0x7: {  	v4 =	vmul.u32 $0xFFFFFFFF, v0;
	s7 =	sshrl.u32 s4, $0x1;
	s6 =	sadd.s32 s6, s3;
	s5 =	sadd.s32 s5, s3  }
0x8: {  	vm0 =	vmmov $0xff;
	v1 =	vor.u32 $0x10, v0;
	s7 =	ssub.s32 s4, s7;
	s3 =	sadd.s32 $0x42200, s6;
	s4 =	sadd.s32 $0x62200, s5  }
0x9: {  	v2 =	vor.u32 $0x20, v0;
	v3 =	vor.u32 $0x30, v0;
	v4 =	vadd.s32 $0xF, v4;
	s5 =	smax.u32 s7, $0x1;
	s6 =	simm.s32 $0x1;
	s7 =	simm.s32 $0x8000  }
.LBB2_1:
0xa: {  	[tilespmem:s2], [sflag:$0x1] =	stream.linear.gather [hbm4b:s3+s2], $0x8000, $0x38;
	[tilespmem:$0x8100] =	vst v63  }
0xb: {  	_ =	swait.ge [sflag:s6], $0x8000  }
0xc: {  	[sflag:s6] =	ssyncset.done $0x0  }
0xd: {  	s9 =	simm.s32 $0x80;
	[sflag:s6] =	ssyncadd.s32 $0xFFFF8000  }
0xe: {  	v5 =	vld [tilespmem:s9+$0x10]  }
0xf: {  	v6 =	vld [tilespmem:s9+$0xFFFFFFB0]  }
0x10: {  	v7 =	vld [tilespmem:s9+$0x0]  }
0x11: {  	v8 =	vld [tilespmem:s9+$0x30]  }
0x12: {  	v9 =	vld [tilespmem:s9+$0xFFFFFFA0]  }
0x13: {  	v10 =	vld [tilespmem:s9+$0x20];
	(xrf1) =	vsort.dscd.msk.f32 $0xffff, v5, v1  }
0x14: {  	v5 =	vld [tilespmem:s9+$0xFFFFFF90];
	(xrf1) =	vsort.dscd.msk.f32 $0xffff, v6, v3  }
0x15: {  	(xrf1) =	vsort.dscd.msk.f32 $0xffff, v7, v0  }
0x16: {  	v6 =	vld [tilespmem:s9+$0xFFFFFF80];
	(xrf1) =	vsort.dscd.msk.f32 $0xffff, v8, v3  }
0x17: {  	(xrf1) =	vsort.dscd.msk.f32 $0xffff, v9, v2  }
0x18: {  	(xrf1) =	vsort.dscd.msk.f32 $0xffff, v10, v2  }
0x19: {  	(xrf1) =	vsort.dscd.msk.f32 $0xffff, v5, v1;
	_ =	sdelay $0x1  }
0x1a: {  	(xrf1) =	vsort.dscd.msk.f32 $0xffff, v6, v0;
	_ =	sdelay $0x2  }
0x1b: {  	s25 =	simm.s32 $0x180  }
0x1c: {  	v5 =	vld [tilespmem:s25+$0x10]  }
0x1d: {  	v6 =	vld [tilespmem:s25+$0xFFFFFFB0]  }
0x1e: {  	v9 =	vld [tilespmem:s25+$0x0];
	v7, v8, _ =	vpop (xrf1)  }
0x1f: {  	v12 =	vld [tilespmem:s25+$0x30];
	v10, v11, _ =	vpop (xrf1)  }
0x20: {  	v15 =	vld [tilespmem:s25+$0xFFFFFFA0];
	v13, v14, _ =	vpop (xrf1)  }
0x21: {  	v18 =	vld [tilespmem:s25+$0x20];
	(xrf1) =	vsort.dscd.msk.f32 $0xffff, v5, v1;
	v16, v17, _ =	vpop (xrf1)  }
0x22: {  	(xrf1) =	vsort.dscd.msk.f32 $0xffff, v6, v3;
	v6 =	vperm.xlane v10, v4;
	v5, v19, _ =	vpop (xrf1)  }
0x23: {  	(xrf1) =	vsort.dscd.msk.f32 $0xffff, v9, v0;
	v10, v20, _ =	vpop (xrf1)  }
0x24: {  	v9 =	vperm.xlane v11, v4;
	(xrf1) =	vsort.dscd.msk.f32 $0xffff, v12, v3;
	vm1 =	vge.f32 v5, v6;
	v11, v12, _ =	vpop (xrf1)  }
0x25: {  	(xrf1) =	vsort.dscd.msk.f32 $0xffff, v15, v2;
	v5 =	vsel vm1, v5, v6;
	v6 =	vperm.xlane v11, v4  }
0x26: {  	(xrf1) =	vsort.dscd.msk.f32 $0xffff, v18, v2;
	v9 =	vsel vm1, v19, v9;
	v11 =	vld [tilespmem:s25+$0xFFFFFF90];
	v15, v18, _ =	vpop (xrf1);
	v12 =	vperm.xlane v12, v4  }
0x27: {  	(xrf1) =	vsort.dscd.msk.f32 $0xffff, v5, v9;
	v5 =	vperm.xlane v16, v4;
	vm1 =	vge.f32 v15, v6  }
0x28: {  	v6 =	vsel vm1, v15, v6;
	v9 =	vsel vm1, v18, v12;
	v15 =	vperm.xlane v17, v4  }
0x29: {  	v12 =	vld [tilespmem:s25+$0xFFFFFF80];
	vm1 =	vge.f32 v10, v5;
	(xrf1) =	vsort.dscd.msk.f32 $0xffff, v6, v9;
	v6 =	vperm.xlane v7, v4  }
0x2a: {  	v7 =	vperm.xlane v8, v4;
	v5 =	vsel vm1, v10, v5  }
0x2b: {  	v8 =	vsel vm1, v20, v15;
	(xrf1) =	vsort.dscd.msk.f32 $0xffff, v11, v1;
	vm1 =	vge.f32 v13, v6  }
0x2c: {  	(xrf1) =	vsort.dscd.msk.f32 $0xffff, v5, v8;
	v5 =	vsel vm1, v13, v6;
	v6 =	vsel vm1, v14, v7;
	_ =	sdelay $0x1  }
0x2d: {  	(xrf1) =	vsort.dscd.msk.f32 $0xffff, v12, v0  }
0x2e: {  	s26 =	simm.s32 $0x280;
	(xrf1) =	vsort.dscd.msk.f32 $0xffff, v5, v6  }
0x2f: {  	v7 =	vld [tilespmem:s26+$0x10];
	v5, v6, _ =	vpop (xrf1)  }
0x30: {  	v10 =	vld [tilespmem:s26+$0xFFFFFFB0];
	v8, v9, _ =	vpop (xrf1)  }
0x31: {  	v13 =	vld [tilespmem:s26+$0x0];
	v11, v12, _ =	vpop (xrf1)  }
0x32: {  	v16 =	vld [tilespmem:s26+$0x30];
	v14, v15, _ =	vpop (xrf1)  }
0x33: {  	v17, v18, _ =	vpop (xrf1)  }
0x34: {  	v19 =	vld [tilespmem:s26+$0xFFFFFFA0];
	(xrf1) =	vsort.dscd.msk.f32 $0xffff, v7, v1;
	v8 =	vperm.xlane v8, v4;
	v20, v21, _ =	vpop (xrf1)  }
0x35: {  	v22 =	vld [tilespmem:s26+$0x20];
	v9 =	vperm.xlane v9, v4;
	(xrf1) =	vsort.dscd.msk.f32 $0xffff, v10, v3;
	v7, v23, _ =	vpop (xrf1)  }
0x36: {  	(xrf1) =	vsort.dscd.msk.f32 $0xffff, v13, v0;
	vm1 =	vge.f32 v17, v8;
	v7 =	vperm.xlane v7, v4  }
0x37: {  	(xrf1) =	vsort.dscd.msk.f32 $0xffff, v16, v3;
	v9 =	vsel vm1, v18, v9;
	v10 =	vperm.xlane v23, v4;
	v13, v16, _ =	vpop (xrf1)  }
0x38: {  	v8 =	vsel vm1, v17, v8;
	vm2 =	vge.f32 v13, v7  }
0x39: {  	(xrf1) =	vsort.dscd.msk.f32 $0xffff, v19, v2;
	v19, v23, _ =	vpop (xrf1);
	v10 =	vsel vm2, v16, v10  }
0x3a: {  	(xrf1) =	vsort.dscd.msk.f32 $0xffff, v22, v2;
	v7 =	vsel vm2, v13, v7;
	v13, v16, _ =	vpop (xrf1)  }
0x3b: {  	(xrf1) =	vsort.dscd.msk.f32 $0xffff, v8, v9;
	v8, v9, _ =	vpop (xrf1);
	v13 =	vperm.xlane v13, v4  }
0x3c: {  	(xrf1) =	vsort.dscd.msk.f32 $0xffff, v7, v10;
	v7 =	vperm.xlane v19, v4;
	v16 =	vperm.xlane v16, v4;
	v10, v17, _ =	vpop (xrf1)  }
0x3d: {  	v18 =	vperm.xlane v23, v4;
	vm1 =	vge.f32 v10, v13  }
0x3e: {  	vm2 =	vge.f32 v8, v7;
	v10 =	vsel vm1, v10, v13;
	v13 =	vsel vm1, v17, v16  }
0x3f: {  	v19 =	vld [tilespmem:s26+$0xFFFFFF90];
	v7 =	vsel vm2, v8, v7;
	v8 =	vsel vm2, v9, v18;
	(xrf1) =	vsort.dscd.msk.f32 $0xffff, v10, v13  }
0x40: {  	(xrf1) =	vsort.dscd.msk.f32 $0xffff, v7, v8  }
0x41: {  	v7 =	vperm.xlane v14, v4;
	v8 =	vld [tilespmem:s26+$0xFFFFFF80]  }
0x42: {  	v9 =	vperm.xlane v15, v4  }
0x43: {  	v5 =	vperm.xlane v5, v4;
	vm1 =	vge.f32 v20, v7  }
0x44: {  	s28 =	simm.s32 $0x380;
	(xrf1) =	vsort.dscd.msk.f32 $0xffff, v19, v1;
	v10, v13, _ =	vpop (xrf1);
	v7 =	vsel vm1, v20, v7;
	v9 =	vsel vm1, v21, v9  }
0x45: {  	v6 =	vperm.xlane v6, v4;
	v16 =	vld [tilespmem:s28+$0x10];
	v14, v15, _ =	vpop (xrf1);
	(xrf1) =	vsort.dscd.msk.f32 $0xffff, v7, v9  }
0x46: {  	vm1 =	vge.f32 v11, v5;
	v17, v18, _ =	vpop (xrf1);
	(xrf1) =	vsort.dscd.msk.f32 $0xffff, v8, v0;
	v8 =	vld [tilespmem:s28+$0xFFFFFFB0]  }
0x47: {  	v5 =	vsel vm1, v11, v5;
	v6 =	vsel vm1, v12, v6;
	v19, v20, _ =	vpop (xrf1)  }
0x48: {  	v11 =	vld [tilespmem:s28+$0x0];
	(xrf1) =	vsort.dscd.msk.f32 $0xffff, v5, v6;
	v7, v9, _ =	vpop (xrf1)  }
0x49: {  	v5 =	vld [tilespmem:s28+$0x30];
	v12, v21, _ =	vpop (xrf1)  }
0x4a: {  	v24 =	vld [tilespmem:s28+$0xFFFFFFA0];
	(xrf1) =	vsort.dscd.msk.f32 $0xffff, v16, v1;
	v6, v22, _ =	vpop (xrf1)  }
0x4b: {  	v16, v23, _ =	vpop (xrf1);
	(xrf1) =	vsort.dscd.msk.f32 $0xffff, v8, v3  }
0x4c: {  	v25 =	vld [tilespmem:s28+$0x20];
	(xrf0) =	vmax.scan.msk.f32 $0xffff, v16  }
0x4d: {  	v6 =	vperm.xlane v6, v4;
	v8 =	vperm.xlane v14, v4;
	(xrf1) =	vsort.dscd.msk.f32 $0xffff, v11, v0;
	v11, v14, _ =	vpop (xrf1)  }
0x4e: {  	v22 =	vperm.xlane v22, v4;
	(xrf1) =	vsort.dscd.msk.f32 $0xffff, v5, v3;
	v5 =	vperm.xlane v15, v4;
	v15, v26, _ =	vpop (xrf1)  }
0x4f: {  	vm1 =	vge.f32 v7, v8;
	(xrf1) =	vsort.dscd.msk.f32 $0xffff, v24, v2;
	vm2 =	vge.f32 v15, v6  }
0x50: {  	v7 =	vsel vm1, v7, v8;
	(xrf0) =	vmax.scan.msk.f32 $0xffff, v11;
	v6 =	vsel vm2, v15, v6;
	v15 =	vsel vm2, v26, v22  }
0x51: {  	(xrf1) =	vsort.dscd.msk.f32 $0xffff, v25, v2;
	v5 =	vsel vm1, v9, v5  }
0x52: {  	v8, v9, _ =	vpop (xrf1);
	(xrf1) =	vsort.dscd.msk.f32 $0xffff, v7, v5;
	v5 =	vperm.xlane v10, v4  }
0x53: {  	v7, _, _ =	vpop (xrf0)  }
0x54: {  	(xrf1) =	vsort.dscd.msk.f32 $0xffff, v6, v15;
	v6 =	vperm.xlane v13, v4;
	vm1 =	vge.f32 v17, v5;
	v7 =	vbroadcast v7, $0xF;
	v13, v15, _ =	vpop (xrf1)  }
0x55: {  	v10 =	vperm.xlane v19, v4;
	v5 =	vsel vm1, v17, v5;
	v19, v22, _ =	vpop (xrf1);
	v13 =	vperm.xlane v13, v4  }
0x56: {  	v17 =	vperm.xlane v20, v4;
	v7 =	vsub.f32 v16, v7;
	v15 =	vperm.xlane v15, v4;
	v20, v24, _ =	vpop (xrf1)  }
0x57: {  	v8 =	vperm.xlane v8, v4;
	v9 =	vperm.xlane v9, v4;
	vm2 =	vge.f32 v20, v13  }
0x58: {  	v25, _, _ =	vpop (xrf0);
	v7 =	vmul.f32 $1.442695020e+00, v7;
	v13 =	vsel vm2, v20, v13;
	v15 =	vsel vm2, v24, v15  }
0x59: {  	v18 =	vsel vm1, v18, v6;
	vm2 =	vge.f32 v19, v8;
	(xrf1) =	vsort.dscd.msk.f32 $0xffff, v13, v15;
	v13 =	vbroadcast v25, $0xF  }
0x5a: {  	v16 =	vld [tilespmem:s28+$0xFFFFFF90];
	(erf) = vpow2.f32 v7;
	v7 =	vmov s2;
	v9 =	vsel vm2, v22, v9  }
0x5b: {  	v8 =	vsel vm2, v19, v8;
	vm2 =	vge.f32 v12, v10;
	v11 =	vsub.f32 v11, v13  }
0x5c: {  	v20 =	vld [tilespmem:s28+$0xFFFFFF80];
	v24 =	vshll.u32 v7, $0x7;
	v15, v19, _ =	vpop (xrf1);
	v13 =	vsel vm2, v21, v17;
	v21 =	vadd.s32 $0x40, v23  }
0x5d: {  	s29 =	simm.s32 $0x480;
	s10 =	simm.s32 $0x1;
	v10 =	vsel vm2, v12, v10;
	v12, v22, _ =	vpop (xrf1);
	(xrf1) =	vsort.dscd.msk.f32 $0xffff, v8, v9;
	v23 =	vand.u32 $0xFFFFFF80, v21;
	v11 =	vmul.f32 $1.442695020e+00, v11  }
0x5e: {  	v6 =	vmov s10;
	v17 =	vld [tilespmem:s29+$0x10];
	v21 =	vand.u32 $0x7F, v21;
	v8, v9, _ =	vpop (xrf1);
	v23 =	vadd.s32 v24, v23  }
0x5f: {  	(xrf1) =	vsort.dscd.msk.f32 $0xffff, v16, v1;
	v16, v25, _ =	vpop (xrf1);
	(erf) = vpow2.f32 v11;
	v11 =	vor.u32 v21, v23;
	v23 =	vshll.u32 v6, $0x7  }
0x60: {  	(xrf1) =	vsort.dscd.msk.f32 $0xffff, v10, v13;
	v10 =	vld [tilespmem:s29+$0xFFFFFFB0];
	v13 =	vadd.s32 $0x40, v14;
	v24, v26, _ =	vpop (xrf1)  }
0x61: {  	v14 =	vld [tilespmem:s29+$0x0];
	(xrf1) =	vsort.dscd.msk.f32 $0xffff, v20, v0;
	v21 =	vand.u32 $0xFFFFFF80, v13;
	v20, v27, _ =	vpop (xrf1)  }
0x62: {  	v28 =	vld [tilespmem:s29+$0x30];
	v15 =	vperm.xlane v15, v4;
	v13 =	vand.u32 $0x7F, v13;
	(xrf1) =	vsort.dscd.msk.f32 $0xffff, v5, v18;
	v21 =	vadd.s32 v23, v21;
	v5, v18, _ =	vpop (xrf1)  }
0x63: {  	v19 =	vperm.xlane v19, v4;
	(xrf1) =	vsort.dscd.msk.f32 $0xffff, v17, v1;
	v13 =	vor.u32 v13, v21;
	v21 =	vld [tilespmem:s29+$0xFFFFFFA0];
	v17, v23, _ =	vpop (xrf1)  }
0x64: {  	v12 =	vperm.xlane v12, v4;
	vm1 =	vge.f32 v8, v15;
	v16 =	vperm.xlane v16, v4;
	(xrf0) =	vmax.scan.msk.f32 $0xffff, v17  }
0x65: {  	v29 =	vsel vm1, v8, v15;
	v8 =	vperm.xlane v25, v4;
	(xrf1) =	vsort.dscd.msk.f32 $0xffff, v10, v3  }
0x66: {  	v9 =	vsel vm1, v9, v19;
	v15 =	vpop (erf);
	vm1 =	vge.f32 v20, v16;
	v10 =	vld [tilespmem:s29+$0x20];
	(xrf1) =	vsort.dscd.msk.f32 $0xffff, v14, v0  }
0x67: {  	v16 =	vsel vm1, v20, v16;
	v25 =	vsel vm1, v27, v8;
	v8 =	vld.idx.msk [tilespmem:v11+s2+$0x0], $0xffff;
	(xrf1) =	vsort.dscd.msk.f32 $0xffff, v28, v3  }
0x68: {  	vm1 =	vge.f32 v24, v12;
	v14 =	vnsel vm0, $0x0, v15;
	(xrf1) =	vsort.dscd.msk.f32 $0xffff, v21, v2;
	v21 =	vperm.xlane v22, v4;
	v19, v15, _ =	vpop (xrf1)  }
0x69: {  	s30 =	simm.s32 $0x2;
	v18 =	vperm.xlane v18, v4;
	v12 =	vsel vm1, v24, v12;
	v11 =	vperm.xlane v5, v4;
	(xrf2) =	vadd.scan.msk.f32 $0xffff, v14;
	v22 =	vpop (erf)  }
0x6a: {  	v5 =	vmov s30;
	v20 =	vadd.s32 $0x40, v23;
	(xrf0) =	vmax.scan.msk.f32 $0xffff, v19;
	v21 =	vsel vm1, v26, v21;
	v23, _, _ =	vpop (xrf0)  }
0x6b: {  	v27 =	vand.u32 $0xFFFFFF80, v20;
	(xrf1) =	vsort.dscd.msk.f32 $0xffff, v10, v2;
	v15 =	vadd.s32 $0x40, v15;
	v22 =	vnsel vm0, $0x0, v22;
	v10, v28, _ =	vpop (xrf1)  }
0x6c: {  	v8 =	vmul.f32 v14, v8;
	(xrf2) =	vadd.scan.msk.f32 $0xffff, v22;
	vm1 =	vge.f32 v10, v11;
	v14 =	vbroadcast v23, $0xF  }
0x6d: {  	v30 =	vshll.u32 v5, $0x7;
	v60 =	vand.u32 $0x7F, v15;
	v24, v26, _ =	vpop (xrf1);
	(xrf1) =	vsort.dscd.msk.f32 $0xffff, v12, v21;
	v10 =	vsel vm1, v10, v11  }
0x6e: {  	v12, v21, _ =	vpop (xrf1);
	v11 =	vsel vm1, v28, v18;
	v18 =	vperm.xlane v24, v4;
	v14 =	vsub.f32 v17, v14  }
0x6f: {  	v23 =	vadd.s32 v30, v27;
	v26 =	vperm.xlane v26, v4;
	v24, v27, _ =	vpop (xrf1);
	v12 =	vperm.xlane v12, v4  }
0x70: {  	s31 =	simm.s32 $0x3;
	v13 =	vld.idx.msk [tilespmem:v13+s2+$0x0], $0xffff;
	v15 =	vand.u32 $0xFFFFFF80, v15;
	(xrf2) =	vadd.scan.msk.f32 $0xffff, v8;
	v21 =	vperm.xlane v21, v4;
	v17, v28, _ =	vpop (xrf1);
	v14 =	vmul.f32 $1.442695020e+00, v14  }
0x71: {  	v33 =	vld [tilespmem:s29+$0xFFFFFF90];
	v8 =	vmov s31;
	(xrf1) =	vsort.dscd.msk.f32 $0xffff, v10, v11;
	v34, _, _ =	vpop (xrf0);
	vm2 =	vge.f32 v17, v12  }
0x72: {  	vm1 =	vge.f32 v24, v18;
	v31, v32, _ =	vpop (xrf1);
	(erf) = vpow2.f32 v14;
	v14 =	vsel vm2, v28, v21  }
0x73: {  	v35 =	vshll.u32 v8, $0x7;
	v10, _, _ =	vpop (xrf2);
	v12 =	vsel vm2, v17, v12;
	v21 =	vsel vm1, v27, v26  }
0x74: {  	v11 =	vadd.s32 v35, v15;
	v18 =	vsel vm1, v24, v18;
	v17, v15, _ =	vpop (xrf1);
	(xrf1) =	vsort.dscd.msk.f32 $0xffff, v12, v14  }
0x75: {  	v13 =	vmul.f32 v22, v13;
	v10 =	vbroadcast v10, $0xF;
	v14, v26, _ =	vpop (xrf1);
	(xrf1) =	vsort.dscd.msk.f32 $0xffff, v18, v21  }
0x76: {  	v11 =	vor.u32 v60, v11;
	v24 =	vld [tilespmem:s29+$0xFFFFFF80];
	v12 =	vbroadcast v34, $0xF;
	v21, v27, _ =	vpop (xrf1);
	(xrf1) =	vsort.dscd.msk.f32 $0xffff, v33, v1  }
0x77: {  	s13 =	simm.s32 $0x580;
	v20 =	vand.u32 $0x7F, v20;
	(erf) = vrcp.f32 v10;
	v62, _, _ =	vpop (xrf2);
	(xrf2) =	vadd.scan.msk.f32 $0xffff, v13  }
0x78: {  	v22 =	vperm.xlane v31, v4;
	v28 =	vld [tilespmem:s13+$0x10];
	v12 =	vsub.f32 v19, v12  }
0x79: {  	v61 =	vor.u32 v20, v23;
	v23 =	vld [tilespmem:s13+$0x0];
	v32 =	vperm.xlane v32, v4  }
0x7a: {  	v19 =	vld [tilespmem:s13+$0x30];
	vm1 =	vge.f32 v14, v22;
	v20, v18, _ =	vpop (xrf1);
	v12 =	vmul.f32 $1.442695020e+00, v12;
	(xrf1) =	vsort.dscd.msk.f32 $0xffff, v16, v25;
	v25 =	vperm.xlane v27, v4  }
0x7b: {  	v13 =	vperm.xlane v21, v4;
	v10 =	vsel vm1, v14, v22;
	v14 =	vld.idx.msk [tilespmem:v11+s2+$0x0], $0xffff;
	v16, v21, _ =	vpop (xrf1);
	(xrf1) =	vsort.dscd.msk.f32 $0xffff, v24, v0  }
0x7c: {  	v31 =	vbroadcast v62, $0xF;
	v63, _, _ =	vpop (xrf2);
	v24 =	vld [tilespmem:s13+$0xFFFFFFB0];
	(xrf1) =	vsort.dscd.msk.f32 $0xffff, v29, v9;
	(erf) = vpow2.f32 v12  }
0x7d: {  	s12 =	simm.s32 $0x4;
	s11 =	simm.s32 $0x6;
	s14 =	simm.s32 $0xC;
	v11 =	vsel vm1, v26, v32;
	v22 =	vld [tilespmem:s13+$0x20];
	vm2 =	vge.f32 v16, v13;
	v9 =	vbroadcast v63, $0xF;
	v27, v26, _ =	vpop (xrf1);
	(xrf1) =	vsort.dscd.msk.f32 $0xffff, v28, v1  }
0x7e: {  	s15 =	simm.s32 $0x680;
	s9 =	simm.s32 $0xA;
	s10 =	simm.s32 $0x8;
	v12 =	vsel vm2, v16, v13;
	v13 =	vsel vm2, v21, v25;
	v21 =	vld.idx.msk [tilespmem:v61+s2+$0x0], $0xffff;
	v25 =	vpop (erf);
	(erf) = vrcp.f32 v31  }
.LBB2_2:
0x7f: {  	v16 =	vld [tilespmem:s15+$0x10];
	p0 =	slt.u32 s14, $0xFE;
	v28, v29, _ =	vpop (xrf1);
	s16 =	smov.u32 s14;
	s14 =	sadd.s32 $0x2, s14  }
0x80: {  	v27 =	vperm.xlane v27, v4;
	v31 =	vmov s12;
	v30 =	vld [tilespmem:s13+$0xFFFFFFA0];
	v29 =	vadd.s32 $0x40, v29;
	(xrf0) =	vmax.scan.msk.f32 $0xffff, v28;
	v32 =	vpop (erf)  }
0x81: {  	v33 =	vld [tilespmem:s13+$0xFFFFFF90];
	(xrf1) =	vsort.dscd.msk.f32 $0xffff, v24, v3;
	v24 =	vperm.xlane v26, v4;
	v26 =	vand.u32 $0xFFFFFF80, v29;
	v37 =	vmul.f32 v32, v9;
	v32, _, _ =	vpop (xrf2)  }
0x82: {  	v17 =	vperm.xlane v17, v4;
	(xrf1) =	vsort.dscd.msk.f32 $0xffff, v23, v0;
	v23 =	vshll.u32 v31, $0x7;
	v34, v35, _ =	vpop (xrf1);
	v32 =	vbroadcast v32, $0xF  }
0x83: {  	v15 =	vperm.xlane v15, v4;
	v38 =	vnsel vm0, $0x0, v25;
	(xrf1) =	vsort.dscd.msk.f32 $0xffff, v19, v3;
	v19, v36, _ =	vpop (xrf1);
	[tilespmem:v7+s7+$0x0] =	vst.idx.msk $0x1, v37  }
0x84: {  	vm1 =	vge.f32 v20, v17;
	v21 =	vmul.f32 v38, v21;
	v7, v9, _ =	vpop (xrf1);
	vm2 =	vge.f32 v19, v27;
	(xrf2) =	vadd.scan.msk.f32 $0xffff, v38  }
0x85: {  	v17 =	vsel vm1, v20, v17;
	v20 =	vand.u32 $0x7F, v29;
	(xrf1) =	vsort.dscd.msk.f32 $0xffff, v30, v2;
	v19 =	vsel vm2, v19, v27;
	v25 =	vpop (erf)  }
0x86: {  	v24 =	vsel vm2, v36, v24;
	v30 =	vadd.s32 v23, v26;
	v26, _, _ =	vpop (xrf0);
	(xrf0) =	vmax.scan.msk.f32 $0xffff, v34;
	v25 =	vnsel vm0, $0x0, v25  }
0x87: {  	v15 =	vsel vm1, v18, v15;
	(xrf1) =	vsort.dscd.msk.f32 $0xffff, v22, v2;
	v18 =	vbroadcast v26, $0xF;
	v14 =	vmul.f32 v25, v14;
	v22 =	vpop (erf)  }
0x88: {  	v7 =	vperm.xlane v7, v4;
	v29 =	vor.u32 v20, v30;
	v26, v27, _ =	vpop (xrf1);
	(xrf2) =	vadd.scan.msk.f32 $0xffff, v25;
	v30 =	vmul.f32 v22, v32  }
0x89: {  	v22, v23, _ =	vpop (xrf1);
	(xrf1) =	vsort.dscd.msk.f32 $0xffff, v17, v15;
	v15 =	vperm.xlane v26, v4;
	v17 =	vsub.f32 v28, v18;
	v18 =	vadd.s32 $0x40, v35  }
0x8a: {  	v9 =	vperm.xlane v9, v4;
	vm1 =	vge.f32 v22, v7;
	v25, v26, _ =	vpop (xrf1);
	v28 =	vand.u32 $0x7F, v18;
	[tilespmem:v6+s7+$0x0] =	vst.idx.msk $0x1, v30  }
0x8b: {  	s17 =	sadd.s32 $0x1, s12;
	s12 =	smov.u32 s11;
	s11 =	smov.u32 s10;
	v27 =	vperm.xlane v27, v4;
	v18 =	vand.u32 $0xFFFFFF80, v18;
	v6, v20, _ =	vpop (xrf1);
	v22 =	vsel vm1, v22, v7;
	(xrf1) =	vsort.dscd.msk.f32 $0xffff, v19, v24  }
0x8c: {  	s10 =	smov.u32 s9;
	s9 =	smov.u32 s16;
	vm2 =	vge.f32 v25, v15;
	v19 =	vmov s17;
	v24 =	vperm.xlane v6, v4;
	v6, _, _ =	vpop (xrf0);
	(xrf2) =	vadd.scan.msk.f32 $0xffff, v21  }
0x8d: {  	v7 =	vmovc v5;
	v5 =	vmovc v31;
	v30 =	vsel vm2, v25, v15;
	v21 =	vsel vm2, v26, v27;
	v26 =	vmul.f32 $1.442695020e+00, v17  }
0x8e: {  	v9 =	vsel vm1, v23, v9;
	(xrf1) =	vsort.dscd.msk.f32 $0xffff, v30, v21;
	v30 =	vbroadcast v6, $0xF;
	v21 =	vshll.u32 v19, $0x7;
	v23, _, _ =	vpop (xrf2)  }
0x8f: {  	v17, v15, _ =	vpop (xrf1);
	(xrf1) =	vsort.dscd.msk.f32 $0xffff, v22, v9;
	v9 =	vadd.s32 v21, v18;
	(erf) = vpow2.f32 v26;
	v31 =	vbroadcast v23, $0xF  }
0x90: {  	v6 =	vmov v8;
	v21 =	vld [tilespmem:s13+$0xFFFFFF80];
	(xrf1) =	vsort.dscd.msk.f32 $0xffff, v33, v1;
	v22, v25, _ =	vpop (xrf1);
	v23 =	vsub.f32 v34, v30;
	v9 =	vor.u32 v28, v9;
	s13 =	smov.u32 s15  }
0x91: {  	v26 =	vperm.xlane v20, v4;
	vm1 =	vge.f32 v22, v24;
	v27, v28, _ =	vpop (xrf1);
	(erf) = vrcp.f32 v31;
	(xrf2) =	vadd.scan.msk.f32 $0xffff, v14  }
0x92: {  	v8 =	vmov v19;
	v30 =	vmul.f32 $1.442695020e+00, v23;
	v14, _, _ =	vpop (xrf2)  }
0x93: {  	v19 =	vld [tilespmem:s15+$0x30];
	v20, v18, _ =	vpop (xrf1);
	v31 =	vbroadcast v14, $0xF  }
.Ltmp0:
0x94: {  	v22 =	vsel vm1, v22, v24;
	v32 =	vperm.xlane v27, v4;
	v23 =	vld [tilespmem:s15+$0x0];
	(xrf1) =	vsort.dscd.msk.f32 $0xffff, v12, v13;
	(pc) =	sbr.rel @p0 .LBB2_2-.Ltmp0, $4  }
0x95: {  	v28 =	vperm.xlane v28, v4;
	v13 =	vsel vm1, v25, v26;
	(xrf1) =	vsort.dscd.msk.f32 $0xffff, v21, v0;
	v12, v21, _ =	vpop (xrf1);
	v14 =	vld.idx.msk [tilespmem:v9+s2+$0x0], $0xffff  }
0x96: {  	v24 =	vld [tilespmem:s15+$0xFFFFFFB0];
	vm1 =	vge.f32 v12, v32;
	(xrf1) =	vsort.dscd.msk.f32 $0xffff, v10, v11;
	(erf) = vpow2.f32 v30;
	v9, _, _ =	vpop (xrf2);
	v10 =	vmov v22  }
0x97: {  	v11 =	vmov v13;
	v22 =	vld [tilespmem:s15+$0x20];
	(xrf1) =	vsort.dscd.msk.f32 $0xffff, v16, v1;
	v12 =	vsel vm1, v12, v32;
	v27, v26, _ =	vpop (xrf1);
	v9 =	vbroadcast v9, $0xF  }
0x98: {  	s15 =	sadd.s32 $0x100, s15;
	v13 =	vsel vm1, v21, v28;
	v21 =	vld.idx.msk [tilespmem:v29+s2+$0x0], $0xffff;
	v25 =	vpop (erf);
	(erf) = vrcp.f32 v31  }
0x99: {  	_ =	sdelay $0x1  }
0x9a: {  	v16 =	vld [tilespmem:s13+$0xFFFFFFA0];
	_ =	sdelay $0x1  }
0x9b: {  	v17 =	vperm.xlane v17, v4;
	(xrf1) =	vsort.dscd.msk.f32 $0xffff, v24, v3  }
0x9c: {  	v60, v24, _ =	vpop (xrf1);
	(xrf1) =	vsort.dscd.msk.f32 $0xffff, v23, v0  }
0x9d: {  	v15 =	vperm.xlane v15, v4;
	vm1 =	vge.f32 v20, v17;
	(xrf1) =	vsort.dscd.msk.f32 $0xffff, v19, v3;
	v61, v19, _ =	vpop (xrf1)  }
0x9e: {  	v17 =	vsel vm1, v20, v17;
	(xrf1) =	vsort.dscd.msk.f32 $0xffff, v16, v2;
	v28, v29, _ =	vpop (xrf1)  }
0x9f: {  	v27 =	vperm.xlane v27, v4;
	v15 =	vsel vm1, v18, v15;
	v30, v31, _ =	vpop (xrf1)  }
0xa0: {  	v26 =	vperm.xlane v26, v4;
	(xrf0) =	vmax.scan.msk.f32 $0xffff, v60;
	v35, v63, _ =	vpop (xrf1)  }
0xa1: {  	vm2 =	vge.f32 v28, v27;
	(xrf1) =	vsort.dscd.msk.f32 $0xffff, v22, v2;
	v37, v38, _ =	vpop (xrf1);
	v22 =	vperm.xlane v35, v4  }
0xa2: {  	v25 =	vnsel vm0, $0x0, v25;
	v62 =	vsel vm2, v28, v27;
	(xrf1) =	vsort.dscd.msk.f32 $0xffff, v17, v15;
	v27 =	vperm.xlane v63, v4;
	v15, v17, _ =	vpop (xrf1)  }
0xa3: {  	v36 =	vperm.xlane v30, v4;
	v26 =	vsel vm2, v29, v26;
	vm2 =	vge.f32 v15, v22  }
0xa4: {  	v32 =	vld [tilespmem:s13+$0xFFFFFF90];
	(xrf2) =	vadd.scan.msk.f32 $0xffff, v25;
	v17 =	vsel vm2, v17, v27  }
0xa5: {  	(xrf0) =	vmax.scan.msk.f32 $0xffff, v61;
	v39 =	vperm.xlane v31, v4;
	vm1 =	vge.f32 v37, v36;
	v15 =	vsel vm2, v15, v22  }
0xa6: {  	v40 =	vld [tilespmem:s13+$0xFFFFFF80];
	(xrf1) =	vsort.dscd.msk.f32 $0xffff, v62, v26;
	v18 =	vsel vm1, v37, v36  }
0xa7: {  	v41, _, _ =	vpop (xrf0);
	v42 =	vsel vm1, v38, v39;
	(xrf1) =	vsort.dscd.msk.f32 $0xffff, v15, v17  }
0xa8: {  	v15, v17, _ =	vpop (xrf1);
	(xrf1) =	vsort.dscd.msk.f32 $0xffff, v18, v42  }
0xa9: {  	v18, v26, _ =	vpop (xrf1);
	(xrf1) =	vsort.dscd.msk.f32 $0xffff, v32, v1  }
0xaa: {  	v27, v28, _ =	vpop (xrf1);
	(xrf1) =	vsort.dscd.msk.f32 $0xffff, v12, v13  }
0xab: {  	v12, v13, _ =	vpop (xrf1);
	(xrf1) =	vsort.dscd.msk.f32 $0xffff, v40, v0  }
0xac: {  	v44, v43, _ =	vpop (xrf1);
	(xrf1) =	vsort.dscd.msk.f32 $0xffff, v10, v11  }
0xad: {  	v22 =	vbroadcast v41, $0xF;
	v11, _, _ =	vpop (xrf2)  }
0xae: {  	v47, _, _ =	vpop (xrf2)  }
0xaf: {  	v46, _, _ =	vpop (xrf0);
	v22 =	vsub.f32 v60, v22;
	v31 =	vbroadcast v47, $0xF  }
0xb0: {  	v23 =	vbroadcast v46, $0xF;
	v10 =	vpop (erf)  }
0xb1: {  	v22 =	vmul.f32 $1.442695020e+00, v22;
	v45 =	vpop (erf)  }
0xb2: {  	v21 =	vmul.f32 v25, v21;
	v48, v33, _ =	vpop (xrf1)  }
0xb3: {  	v16 =	vsub.f32 v61, v23;
	(erf) = vpow2.f32 v22;
	v18 =	vperm.xlane v18, v4;
	v51, v50, _ =	vpop (xrf1)  }
0xb4: {  	v52 =	vperm.xlane v26, v4;
	(erf) = vrcp.f32 v31;
	v23, v31, _ =	vpop (xrf1)  }
0xb5: {  	v16 =	vmul.f32 $1.442695020e+00, v16;
	vm1 =	vge.f32 v44, v18;
	v49 =	vnsel vm0, $0x0, v45;
	v34, v35, _ =	vpop (xrf1)  }
0xb6: {  	v55 =	vsel vm1, v44, v18;
	v25 =	vsel vm1, v43, v52;
	v22 =	vperm.xlane v51, v4;
	(xrf2) =	vadd.scan.msk.f32 $0xffff, v49;
	v36, v37, _ =	vpop (xrf1)  }
0xb7: {  	v14 =	vmul.f32 v49, v14;
	v30 =	vperm.xlane v50, v4;
	(xrf1) =	vsort.dscd.msk.f32 $0xffff, v55, v25;
	v53, v38, _ =	vpop (xrf1)  }
0xb8: {  	v54 =	vperm.xlane v12, v4;
	(xrf2) =	vadd.scan.msk.f32 $0xffff, v21;
	(erf) = vpow2.f32 v16;
	vm2 =	vge.f32 v36, v22;
	v57, v58, _ =	vpop (xrf1)  }
0xb9: {  	(xrf2) =	vadd.scan.msk.f32 $0xffff, v14;
	v56 =	vsel vm2, v36, v22;
	v59 =	vsel vm2, v37, v30;
	v61, v60, _ =	vpop (xrf1);
	v20 =	vperm.xlane v57, v4  }
0xba: {  	v26 =	vperm.xlane v53, v4;
	v22 =	vperm.xlane v58, v4;
	v63, v62, _ =	vpop (xrf1);
	(xrf1) =	vsort.dscd.msk.f32 $0xffff, v56, v59  }
0xbb: {  	v13 =	vperm.xlane v13, v4;
	(xrf0) =	vmax.scan.msk.f32 $0xffff, v23;
	v37 =	vperm.xlane v38, v4;
	vm1 =	vge.f32 v63, v20  }
0xbc: {  	v12 =	vpop (erf);
	(xrf0) =	vmax.scan.msk.f32 $0xffff, v34;
	vm2 =	vge.f32 v61, v26;
	v38 =	vsel vm1, v63, v20;
	v39 =	vsel vm1, v62, v22  }
0xbd: {  	v40 =	vpop (erf);
	v41 =	vsel vm2, v61, v26;
	v16 =	vsel vm2, v60, v37;
	(xrf1) =	vsort.dscd.msk.f32 $0xffff, v38, v39  }
0xbe: {  	v42 =	vperm.xlane v15, v4;
	v20 =	vnsel vm0, $0x0, v40;
	vm1 =	vge.f32 v48, v54;
	(xrf1) =	vsort.dscd.msk.f32 $0xffff, v41, v16  }
0xbf: {  	v43 =	vperm.xlane v17, v4;
	(xrf2) =	vadd.scan.msk.f32 $0xffff, v20;
	v44 =	vsel vm1, v48, v54;
	v13 =	vsel vm1, v33, v13  }
0xc0: {  	vm1 =	vge.f32 v27, v42;
	(xrf1) =	vsort.dscd.msk.f32 $0xffff, v44, v13  }
0xc1: {  	v45, _, _ =	vpop (xrf2);
	v14 =	vsel vm1, v27, v42;
	v46 =	vsel vm1, v28, v43  }
0xc2: {  	v19 =	vadd.s32 $0x40, v19;
	v47 =	vadd.s32 $0x40, v24;
	v15 =	vpop (erf);
	(xrf1) =	vsort.dscd.msk.f32 $0xffff, v14, v46  }
0xc3: {  	v17 =	vmov s11;
	v51 =	vand.u32 $0xFFFFFF80, v19;
	v19 =	vand.u32 $0x7F, v19;
	v50 =	vpop (erf)  }
0xc4: {  	v21 =	vand.u32 $0x7F, v47;
	v53, _, _ =	vpop (xrf0);
	v56 =	vbroadcast v45, $0xF;
	v59 =	vadd.s32 $0x40, v31  }
0xc5: {  	v55, _, _ =	vpop (xrf0);
	v24 =	vnsel vm0, $0x0, v50;
	v61 =	vand.u32 $0xFFFFFF80, v59;
	v29 =	vand.u32 $0x7F, v59  }
0xc6: {  	(erf) = vrcp.f32 v56;
	v62 =	vshll.u32 v17, $0x7;
	v26 =	vbroadcast v55, $0xF;
	v57, v58, _ =	vpop (xrf1)  }
0xc7: {  	v48 =	vand.u32 $0xFFFFFF80, v47;
	v54 =	vbroadcast v53, $0xF;
	v16, _, _ =	vpop (xrf2);
	v27 =	vperm.xlane v57, v4  }
0xc8: {  	s28 =	sadd.s32 $0x1, s12;
	(xrf2) =	vadd.scan.msk.f32 $0xffff, v24;
	v28 =	vperm.xlane v58, v4;
	v26 =	vsub.f32 v34, v26;
	v13 =	vmov s12;
	v60, v30, _ =	vpop (xrf1)  }
0xc9: {  	v43 =	vadd.s32 $0x40, v35;
	v18, _, _ =	vpop (xrf2);
	v49 =	vshll.u32 v13, $0x7;
	v14 =	vmov s28;
	(xrf0) =	vmax.scan.msk.f32 $0xffff, v60  }
0xca: {  	v23 =	vsub.f32 v23, v54;
	v22 =	vadd.s32 v49, v48;
	v52 =	vshll.u32 v14, $0x7;
	v63, _, _ =	vpop (xrf2)  }
0xcb: {  	v46 =	vand.u32 $0xFFFFFF80, v43;
	v21 =	vor.u32 v21, v22;
	v22 =	vadd.s32 v52, v51;
	v33, v36, _ =	vpop (xrf1)  }
0xcc: {  	v26 =	vmul.f32 $1.442695020e+00, v26;
	v23 =	vmul.f32 $1.442695020e+00, v23;
	v22 =	vor.u32 v19, v22;
	v41, v40, _ =	vpop (xrf1)  }
0xcd: {  	v19 =	vadd.s32 v62, v61;
	v42 =	vbroadcast v63, $0xF;
	vm1 =	vge.f32 v41, v27  }
0xce: {  	(erf) = vpow2.f32 v23;
	v44, v45, _ =	vpop (xrf1);
	v27 =	vsel vm1, v41, v27;
	v28 =	vsel vm1, v40, v28  }
0xcf: {  	s29 =	sadd.s32 $0x1, s11;
	v29 =	vor.u32 v29, v19;
	(erf) = vrcp.f32 v42;
	v48 =	vperm.xlane v44, v4;
	(xrf1) =	vsort.dscd.msk.f32 $0xffff, v27, v28;
	v47, _, _ =	vpop (xrf0)  }
0xd0: {  	v19 =	vmov s29;
	v49, v50, _ =	vpop (xrf1);
	v23 =	vperm.xlane v45, v4;
	v28 =	vbroadcast v47, $0xF  }
0xd1: {  	v51 =	vshll.u32 v19, $0x7;
	v21 =	vld.idx.msk [tilespmem:v21+s2+$0x0], $0xffff;
	(erf) = vpow2.f32 v26;
	vm1 =	vge.f32 v49, v48  }
0xd2: {  	v22 =	vld.idx.msk [tilespmem:v22+s2+$0x0], $0xffff;
	v52, _, _ =	vpop (xrf2);
	v53 =	vsel vm1, v49, v48;
	v23 =	vsel vm1, v50, v23;
	v25 =	vsub.f32 v60, v28  }
0xd3: {  	v31 =	vand.u32 $0x7F, v43;
	v26 =	vbroadcast v52, $0xF;
	v27 =	vadd.s32 v51, v46;
	(xrf1) =	vsort.dscd.msk.f32 $0xffff, v53, v23  }
0xd4: {  	v54 =	vor.u32 v31, v27;
	v25 =	vmul.f32 $1.442695020e+00, v25  }
0xd5: {  	(erf) = vrcp.f32 v26  }
0xd6: {  	v20 =	vmul.f32 v20, v21;
	(erf) = vpow2.f32 v25  }
0xd7: {  	v55 =	vmul.f32 v24, v22  }
0xd8: {  	v56 =	vld.idx.msk [tilespmem:v29+s2+$0x0], $0xffff;
	v22 =	vpop (erf);
	(xrf2) =	vadd.scan.msk.f32 $0xffff, v20  }
0xd9: {  	v57 =	vpop (erf);
	(xrf2) =	vadd.scan.msk.f32 $0xffff, v55;
	v58 =	vld.idx.msk [tilespmem:v54+s2+$0x0], $0xffff  }
0xda: {  	(xrf0) =	vmax.scan.msk.f32 $0xffff, v33;
	v24 =	vnsel vm0, $0x0, v57;
	v23 =	vpop (erf)  }
0xdb: {  	(xrf2) =	vadd.scan.msk.f32 $0xffff, v24;
	v59 =	vpop (erf)  }
0xdc: {  	v25 =	vnsel vm0, $0x0, v59  }
0xdd: {  	v20 =	vmul.f32 v24, v56;
	(xrf2) =	vadd.scan.msk.f32 $0xffff, v25;
	v61, v60, _ =	vpop (xrf1)  }
0xde: {  	v24 =	vpop (erf);
	v21 =	vmul.f32 v25, v58;
	(xrf0) =	vmax.scan.msk.f32 $0xffff, v61  }
0xdf: {  	(xrf2) =	vadd.scan.msk.f32 $0xffff, v20;
	v62 =	vpop (erf)  }
0xe0: {  	v43, _, _ =	vpop (xrf0);
	(xrf2) =	vadd.scan.msk.f32 $0xffff, v21;
	v20 =	vnsel vm0, $0x0, v62  }
0xe1: {  	v63, v25, _ =	vpop (xrf1);
	(xrf2) =	vadd.scan.msk.f32 $0xffff, v20  }
0xe2: {  	s30 =	sadd.s32 $0x1, s10;
	v32, _, _ =	vpop (xrf2);
	(xrf0) =	vmax.scan.msk.f32 $0xffff, v63  }
0xe3: {  	v38 =	vmov s30;
	v30 =	vadd.s32 $0x40, v30;
	v37, _, _ =	vpop (xrf2)  }
0xe4: {  	v39 =	vshll.u32 v38, $0x7;
	v45 =	vand.u32 $0xFFFFFF80, v30;
	v44, _, _ =	vpop (xrf0)  }
0xe5: {  	v30 =	vand.u32 $0x7F, v30;
	v28 =	vbroadcast v43, $0xF;
	v49, _, _ =	vpop (xrf2);
	v29 =	vbroadcast v44, $0xF  }
0xe6: {  	v31 =	vmov s10;
	v47 =	vadd.s32 $0x40, v36;
	v36 =	vbroadcast v49, $0xF  }
0xe7: {  	v46 =	vshll.u32 v31, $0x7;
	v35 =	vand.u32 $0xFFFFFF80, v47;
	v28 =	vsub.f32 v33, v28;
	v50, _, _ =	vpop (xrf2)  }
0xe8: {  	v48 =	vand.u32 $0x7F, v47;
	v34 =	vadd.s32 v46, v45;
	v35 =	vadd.s32 v39, v35;
	v40, _, _ =	vpop (xrf0)  }
0xe9: {  	v28 =	vmul.f32 $1.442695020e+00, v28;
	v26 =	vsub.f32 v61, v29;
	v40 =	vbroadcast v40, $0xF;
	v29, _, _ =	vpop (xrf2)  }
0xea: {  	v30 =	vor.u32 v30, v34;
	(erf) = vrcp.f32 v36;
	v33 =	vbroadcast v50, $0xF;
	v36, _, _ =	vpop (xrf2)  }
0xeb: {  	(erf) = vpow2.f32 v28;
	v26 =	vmul.f32 $1.442695020e+00, v26;
	v21 =	vsub.f32 v63, v40;
	v51, _, _ =	vpop (xrf2)  }
0xec: {  	v34 =	vor.u32 v48, v35;
	(erf) = vrcp.f32 v33;
	v28 =	vbroadcast v51, $0xF  }
0xed: {  	(erf) = vpow2.f32 v26;
	v21 =	vmul.f32 $1.442695020e+00, v21  }
0xee: {  	(erf) = vrcp.f32 v28  }
0xef: {  	v52 =	vld.idx.msk [tilespmem:v30+s2+$0x0], $0xffff;
	(erf) = vpow2.f32 v21;
	_ =	sdelay $0x1  }
0xf0: {  	v53 =	vld.idx.msk [tilespmem:v34+s2+$0x0], $0xffff  }
0xf1: {  	s31 =	sadd.s32 $0x1, s9;
	v27 =	vadd.s32 $0x40, v60;
	v28 =	vmov s9  }
0xf2: {  	v35 =	vmov s31;
	v54 =	vand.u32 $0xFFFFFF80, v27;
	v30 =	vpop (erf);
	v55 =	vshll.u32 v28, $0x7  }
0xf3: {  	v57 =	vand.u32 $0x7F, v27;
	v20 =	vmul.f32 v20, v52;
	v56 =	vpop (erf);
	v58 =	vadd.s32 v55, v54  }
0xf4: {  	v25 =	vadd.s32 $0x40, v25;
	v60 =	vnsel vm0, $0x0, v56;
	v59 =	vpop (erf);
	v26 =	vor.u32 v57, v58  }
0xf5: {  	v62 =	vshll.u32 v35, $0x7;
	v61 =	vand.u32 $0xFFFFFF80, v25;
	(xrf2) =	vadd.scan.msk.f32 $0xffff, v60;
	v21 =	vmul.f32 v60, v53;
	v63 =	vpop (erf)  }
0xf6: {  	v25 =	vand.u32 $0x7F, v25;
	v42 =	vadd.s32 v62, v61;
	(xrf2) =	vadd.scan.msk.f32 $0xffff, v20;
	v43 =	vpop (erf)  }
0xf7: {  	v20 =	vor.u32 v25, v42;
	(xrf2) =	vadd.scan.msk.f32 $0xffff, v21;
	v44 =	vnsel vm0, $0x0, v63;
	v45 =	vpop (erf)  }
0xf8: {  	(xrf2) =	vadd.scan.msk.f32 $0xffff, v44;
	v25 =	vnsel vm0, $0x0, v45  }
0xf9: {  	v26 =	vld.idx.msk [tilespmem:v26+s2+$0x0], $0xffff;
	(xrf2) =	vadd.scan.msk.f32 $0xffff, v25;
	_ =	sdelay $0x2  }
0xfa: {  	v20 =	vld.idx.msk [tilespmem:v20+s2+$0x0], $0xffff;
	_ =	sdelay $0x1  }
0xfb: {  	v21 =	vmul.f32 v44, v26  }
0xfc: {  	v46, _, _ =	vpop (xrf2)  }
0xfd: {  	v11 =	vbroadcast v11, $0xF;
	v9 =	vmul.f32 v10, v9;
	v47, _, _ =	vpop (xrf2);
	(xrf2) =	vadd.scan.msk.f32 $0xffff, v21  }
0xfe: {  	v48 =	vbroadcast v46, $0xF;
	v20 =	vmul.f32 v25, v20;
	v49, _, _ =	vpop (xrf2)  }
0xff: {  	v11 =	vmul.f32 v12, v11;
	v16 =	vbroadcast v16, $0xF;
	v50, _, _ =	vpop (xrf2)  }
0x100: {  	(erf) = vrcp.f32 v48;
	(xrf2) =	vadd.scan.msk.f32 $0xffff, v20;
	v51 =	vbroadcast v50, $0xF;
	v52, _, _ =	vpop (xrf2)  }
0x101: {  	[tilespmem:v7+s7+$0x0] =	vst.idx.msk $0x1, v9;
	v7 =	vmul.f32 v15, v16;
	v53 =	vbroadcast v52, $0xF  }
0x102: {  	v55 =	vbroadcast v32, $0xF;
	(erf) = vrcp.f32 v51  }
0x103: {  	v54 =	vbroadcast v18, $0xF;
	(erf) = vrcp.f32 v53  }
0x104: {  	[tilespmem:v5+s7+$0x0] =	vst.idx.msk $0x1, v7;
	v7 =	vbroadcast v29, $0xF;
	v5 =	vmul.f32 v23, v55  }
0x105: {  	[tilespmem:v6+s7+$0x0] =	vst.idx.msk $0x1, v11;
	v56 =	vbroadcast v37, $0xF;
	v6 =	vmul.f32 v22, v54  }
0x106: {  	[tilespmem:v13+s7+$0x0] =	vst.idx.msk $0x1, v5;
	v5 =	vmul.f32 v30, v7;
	v7 =	vbroadcast v47, $0xF  }
0x107: {  	v57 =	vbroadcast v36, $0xF;
	[tilespmem:v8+s7+$0x0] =	vst.idx.msk $0x1, v6;
	v6 =	vmul.f32 v24, v56;
	v60, _, _ =	vpop (xrf2)  }
0x108: {  	[tilespmem:v17+s7+$0x0] =	vst.idx.msk $0x1, v5;
	v5 =	vmul.f32 v43, v7;
	v7 =	vbroadcast v60, $0xF  }
0x109: {  	[tilespmem:v14+s7+$0x0] =	vst.idx.msk $0x1, v6;
	v6 =	vmul.f32 v59, v57;
	v59 =	vbroadcast v49, $0xF;
	v58 =	vpop (erf)  }
0x10a: {  	v61, _, _ =	vpop (xrf2)  }
0x10b: {  	[tilespmem:v19+s7+$0x0] =	vst.idx.msk $0x1, v6;
	v6 =	vmul.f32 v58, v59;
	v63 =	vbroadcast v61, $0xF;
	v62 =	vpop (erf)  }
0x10c: {  	[tilespmem:v31+s7+$0x0] =	vst.idx.msk $0x1, v5;
	v5 =	vmul.f32 v62, v7;
	v7 =	vpop (erf)  }
0x10d: {  	s8 =	sadd.s32 $0x1, s8;
	[tilespmem:v38+s7+$0x0] =	vst.idx.msk $0x1, v6;
	v6 =	vmul.f32 v7, v63  }
0x10e: {  	p0 =	sne.s32 s8, s5;
	[tilespmem:v28+s7+$0x0] =	vst.idx.msk $0x1, v5  }
.Ltmp1:
0x10f: {  	[tilespmem:v35+s7+$0x0] =	vst.idx.msk $0x1, v6;
	(pc) =	sbr.rel @p0 .LBB2_1-.Ltmp1, $4  }
0x110: {  	[hbm4b:s4+s2] =	stream.linear.scatter [tilespmem:s7], [sflag:$0x1], $0x100, $0x38;
	[tilespmem:$0x8100] =	vst v63  }
0x111: {  	_ =	swait.ge [sflag:s6], $0x100  }
0x112: {  	[sflag:s6] =	ssyncset.done $0x0  }
0x113: {  	[sflag:s6] =	ssyncadd.s32 $0xFFFFFF00  }
0x114: {  	_ =	sfence.sel $0x180000  }
0x115: {  	[bflag:$0x0] =	sbarrier.arrive $0xFFFF  }
0x116: {  	p0 =	sne.s32 s1, $0x0;
	_ =	strace $0x9000004D  }
0x117: {  	s0 =	sadd.s32 @!p0 $0x100000, s0;
	[bflag:$0x2] =	sbarrier.arrive $0xFFFF  }
0x118: {  	[sflag:s0] =	ssyncadd.tile.s32 @!p0 $0x1;
	_ =	shalt  }
.Lfunc_end2:
_tile_overlayer_lowered:
.L_overlay_start_2:
0x119: {  	(tag) =	ssettag $0x2  }
0x11a: {  	s0 =	rddreg [dreg:$0x0];
	s2 =	stileid.u32  }
0x11b: {  	s1 =	rddreg [dreg:$0x1];
	p0 =	sne.s32 s2, $0x0  }
0x11c: {  	s3 =	rddreg [dreg:$0x2];
	[bflag:$0x3] =	sbarrier.arrive $0xFFFF;
	s2 =	simm.s32 @!p0 $0x1C01  }
0x11d: {  	[timem:s3], [sflag:s2] =	dma.local @!p0 [hbm:s0], s1  }
0x11e: {  	s0 =	simm.s32 @!p0 $0x1  }
0x11f: {  	_ =	swait.ge @!p0 [sflag:s0], s1  }
0x120: {  	s1 =	ssub.s32 @!p0 $0x0, s1;
	[sflag:s0] =	ssyncset.done @!p0 $0x0  }
0x121: {  	[sflag:s0] =	ssyncadd.s32 @!p0 s1  }
0x122: {  	[bflag:$0x3] =	sbarrier.arrive $0xFFFF  }
0x123: {  	_ =	shalt  }

// kernel: kernel.16.cloned.1.call-start
scs
__scs_entry_jumppad:
0x0: {  	(pc) =	sbr.rel $0x88, $3  }
0x1: {  	(tag) =	ssettag $0x0;
	lr =	simm.s32 $0x1  }
0x2: {  	[smem:$0x3F9D] =	sst lr;
	_ =	strace $0xD0000000  }
0x3: {  	_ = 	snop  }
0x4: {  	_ = 	snop  }
0x5: {  	_ = 	snop  }
0x6: {  	_ = 	snop  }
0x7: {  	_ = 	snop  }
__scs_overlays_trampoline_lowered:
0x8: {  	[smem:$0x3FAC] =	sst s0  }
0x9: {  	[smem:$0x3FAD] =	sst s1  }
0xa: {  	[smem:$0x3FAE] =	sst s2  }
0xb: {  	[smem:$0x3FAF] =	sst s3  }
0xc: {  	[smem:$0x3FB0] =	sst s4  }
0xd: {  	[smem:$0x3FB1] =	sst s5  }
0xe: {  	[smem:$0x3FB2] =	sst s6  }
0xf: {  	[smem:$0x3FB3] =	sst s7  }
0x10: {  	[smem:$0x3FB4] =	sst s8  }
0x11: {  	[smem:$0x3FB5] =	sst s9;
	s0 =	simm.s32 @!p0 $0x0  }
0x12: {  	s1 =	sld [smem:$0x3F9B];
	s0 =	simm.s32 @p0 $0x1  }
0x13: {  	[smem:$0x3FB6] =	sst s0;
	s0 =	simm.s32 @!p1 $0x0  }
0x14: {  	s2 =	sld [smem:$0x3F9A];
	s0 =	simm.s32 @p1 $0x1  }
0x15: {  	[smem:$0x3FB7] =	sst s0;
	s0 =	simm.s32 @!p2 $0x0  }
0x16: {  	s3 =	sld [smem:$0x3FDB];
	s0 =	simm.s32 @p2 $0x1  }
0x17: {  	s4 =	simm.s32 $0x1BF5;
	[smem:$0x3FB9] =	sst s0  }
0x18: {  	s0 =	sld [smem:$0x3F9C];
	_ =	swait.ge [sflag:s4], $0x0  }
0x19: {  	s7 =	sld [smem:$0x3F9D]  }
0x1a: {  	s8 =	sadd.s32 $0xFFFFE003, lr  }
0x1b: {  	s9 =	sadd.s32 $0xFFFFFEF7, lr;
	s5 =	simm.s32 $0xFFFFFFFF;
	p2 =	slt.u32 s8, $0xFFFFF086  }
0x1c: {  	p1 =	slt.u32 s9, $0xF7A;
	s5 =	simm.s32 @!p2 $0x0  }
0x1d: {  	s5 =	simm.s32 @p1 $0x1;
	p0 =	seq.s32 s7, s2  }
0x1e: {  	s7 =	smul.u32 @!p0 $0xF7A, s2;
	p2 =	seq.s32 @!p0 s5, $0x0  }
0x1f: {  	s9 =	smul.u32 $0xF7A, s1;
	s8 =	simm.s32 @!p0 $0x1BF5;
	p2 =	por !p2, p0  }
0x20: {  	[sflag:s8] =	ssyncset.s32 @!p0 $0xFFFFF086;
	s6 =	sadd.s32 @!p0 s3, s7;
	s7 =	simm.s32 @!p0 $0x108  }
0x21: {  	s3 =	sadd.s32 s3, s9;
	s6 =	sadd.s32 @!p0 $0x88, s6;
	s7 =	simm.s32 @p2 $0x1082  }
0x22: {  	[simem:s7], [sflag:s8] =	dma.local @!p0 [hbm:s6], $0xF7A  }
0x23: {  	s9 =	sor.u32 $0xD0000000, s2;
	s6 =	simm.s32 $0x108;
	_ =	swait.ge @!p0 [sflag:s8], $0x0  }
0x24: {  	s3 =	sadd.s32 $0x88, s3;
	s6 =	simm.s32 @!p1 $0x1082;
	[sflag:s4] =	ssyncset.s32 $0xFFFFF086  }
0x25: {  	[simem:s6], [sflag:s4] =	dma.local [hbm:s3], $0xF7A  }
0x26: {  	[smem:$0x3F9D] =	sst s1;
	(tag) =	ssettag s2;
	_ =	strace s9  }
0x27: {  	s1 =	sld [smem:$0x3FAD]  }
0x28: {  	s2 =	sld [smem:$0x3FAE]  }
0x29: {  	s4 =	sld [smem:$0x3FB0]  }
0x2a: {  	p0 =	seq.s32 s5, $0x0;
	s5 =	sld [smem:$0x3FB1]  }
0x2b: {  	s6 =	sld [smem:$0x3FB2]  }
0x2c: {  	s7 =	sld [smem:$0x3FB3]  }
0x2d: {  	s3 =	simm.s32 $0x108;
	s8 =	sld [smem:$0x3FB4]  }
0x2e: {  	s3 =	simm.s32 @!p0 $0x1082;
	s9 =	sld [smem:$0x3FB5]  }
0x2f: {  	lr =	sadd.s32 s0, s3;
	s0 =	sld [smem:$0x3FAC]  }
0x30: {  	s3 =	sld [smem:$0x3FAF]  }
0x31: {  	[smem:$0x3FB8] =	sst s10  }
0x32: {  	s10 =	sld [smem:$0x3FB6];
	_ =	sdelay $0x3  }
0x33: {  	p0 =	seq.s32 s10, $0x1;
	s10 =	sld [smem:$0x3FB8];
	_ =	sdelay $0x3  }
0x34: {  	[smem:$0x3FB8] =	sst s10  }
0x35: {  	s10 =	sld [smem:$0x3FB7];
	_ =	sdelay $0x3  }
0x36: {  	p1 =	seq.s32 s10, $0x1;
	s10 =	sld [smem:$0x3FB8];
	_ =	sdelay $0x3  }
0x37: {  	[smem:$0x3FB8] =	sst s10  }
0x38: {  	s10 =	sld [smem:$0x3FB9]  }
0x39: {  	_ = 	snop;
	(pc) =	sbr.ind lr, $3  }
0x3a: {  	_ = 	snop  }
0x3b: {  	_ = 	snop  }
0x3c: {  	p2 =	seq.s32 s10, $0x1;
	s10 =	sld [smem:$0x3FB8]  }
0x3d: {  	_ =	shalt  }
0x3e: {  	_ =	shalt  }
0x3f: {  	_ =	shalt  }
0x40: {  	_ =	shalt  }
0x41: {  	_ =	shalt  }
0x42: {  	_ =	shalt  }
0x43: {  	_ =	shalt  }
0x44: {  	_ =	shalt  }
0x45: {  	_ =	shalt  }
0x46: {  	_ =	shalt  }
0x47: {  	_ =	shalt  }
0x48: {  	_ =	shalt  }
0x49: {  	_ =	shalt  }
0x4a: {  	_ =	shalt  }
0x4b: {  	_ =	shalt  }
0x4c: {  	_ =	shalt  }
0x4d: {  	_ =	shalt  }
0x4e: {  	_ =	shalt  }
0x4f: {  	_ =	shalt  }
0x50: {  	_ =	shalt  }
0x51: {  	_ =	shalt  }
0x52: {  	_ =	shalt  }
0x53: {  	_ =	shalt  }
0x54: {  	_ =	shalt  }
0x55: {  	_ =	shalt  }
0x56: {  	_ =	shalt  }
0x57: {  	_ =	shalt  }
0x58: {  	_ =	shalt  }
0x59: {  	_ =	shalt  }
0x5a: {  	_ =	shalt  }
0x5b: {  	_ =	shalt  }
0x5c: {  	_ =	shalt  }
0x5d: {  	_ =	shalt  }
0x5e: {  	_ =	shalt  }
0x5f: {  	_ =	shalt  }
0x60: {  	_ =	shalt  }
0x61: {  	_ =	shalt  }
0x62: {  	_ =	shalt  }
0x63: {  	_ =	shalt  }
0x64: {  	_ =	shalt  }
0x65: {  	_ =	shalt  }
0x66: {  	_ =	shalt  }
0x67: {  	_ =	shalt  }
0x68: {  	_ =	shalt  }
0x69: {  	_ =	shalt  }
0x6a: {  	_ =	shalt  }
0x6b: {  	_ =	shalt  }
0x6c: {  	_ =	shalt  }
0x6d: {  	_ =	shalt  }
0x6e: {  	_ =	shalt  }
0x6f: {  	_ =	shalt  }
0x70: {  	_ =	shalt  }
0x71: {  	_ =	shalt  }
0x72: {  	_ =	shalt  }
0x73: {  	_ =	shalt  }
0x74: {  	_ =	shalt  }
0x75: {  	_ =	shalt  }
0x76: {  	_ =	shalt  }
0x77: {  	_ =	shalt  }
0x78: {  	_ =	shalt  }
0x79: {  	_ =	shalt  }
0x7a: {  	_ =	shalt  }
0x7b: {  	_ =	shalt  }
0x7c: {  	_ =	shalt  }
0x7d: {  	_ =	shalt  }
0x7e: {  	_ =	shalt  }
0x7f: {  	_ =	shalt  }
0x80: {  	_ =	shalt  }
0x81: {  	_ =	shalt  }
0x82: {  	_ =	shalt  }
0x83: {  	_ =	shalt  }
0x84: {  	_ =	shalt  }
0x85: {  	_ =	shalt  }
0x86: {  	_ =	shalt  }
0x87: {  	_ =	shalt  }
.Lfunc_end0:
.L_simem_size_0:
called_computation.2_lowered:
.L_overlay_start_0:
0x88: {  	s2 =	sld [smem:$0x3FD9]  }
0x89: {  	s3 =	sld [smem:$0x3FFE];
	_ =	sdelay $0x1  }
0x8a: {  	s1 =	srdreg.scid  }
0x8b: {  	s0 =	sand.u32 $0x1, s1  }
0x8c: {  	s17 =	sshll.u32 s0, $0xA;
	s2 =	sadd.s32 s3, s2  }
0x8d: {  	s2 =	sadd.s32 s2, s17  }
0x8e: {  	[smem:$0x3FC4] =	sst s2  }
0x8f: {  	_ = 	snop  }
0x90: {  	(tm) =	ssettm $0x1  }
0x91: {  	s18 =	sld [smem:$0x3FFB];
	_ =	sdelay $0x3  }
0x92: {  	_ =	strace s18  }
0x93: {  	s2 =	sld [smem:$0x3FFC];
	_ =	sdelay $0x3  }
0x94: {  	_ =	strace s2  }
0x95: {  	s2 =	sld [smem:$0x3FFD];
	_ =	sdelay $0x3  }
0x96: {  	_ =	strace s2  }
0x97: {  	_ =	strace $0x8FFFFFFF  }
0x98: {  	s19 =	sld [smem:$0x3FDB];
	_ =	sdelay $0x1  }
0x99: {  	s20 =	simm.s32 $_scs_section_size  }
0x9a: {  	s4 =	simm.s32 $_size__tile_overlayer_lowered;
	s5 =	simm.s32 $_tile_overlayer_lowered  }
0x9b: {  	s6 =	simm.s32 $0x1BFF;
	s21 =	sshll.u32 s5, $0x1;
	s3 =	sadd.s32 s20, s19  }
0x9c: {  	s22 =	simm.s32 $0x0;
	s4 =	sshll.u32 s4, $0x1;
	s5 =	sadd.s32 s21, s3  }
0x9d: {  	[timem:s22], [sflag:s6] =	dma.local [hbm:s5], s4  }
0x9e: {  	_ =	swait.ge [sflag:s6], s4  }
0x9f: {  	s4 =	ssub.s32 $0x0, s4;
	[sflag:s6] =	ssyncset.done $0x0  }
0xa0: {  	[sflag:s6] =	ssyncadd.s32 s4;
	_ =	sdelay $0x1  }
0xa1: {  	s23 =	simm.s32 $0x1B8B  }
0xa2: {  	_ =	swait.ge [sflag:s23], $0x1  }
0xa3: {  	[sflag:s23] =	ssyncset.done $0x0  }
0xa4: {  	[sflag:s23] =	ssyncadd.s32 $0xFFFFFFFF  }
0xa5: {  	s4 =	sld [smem:$0x0]  }
0xa6: {  	s5 =	sand.u32 $0xFFFFFFFE, s1  }
0xa7: {  	p0 =	sne.s32 s1, s5  }
0xa8: {  	s5 =	sshll.u32 @p0 s5, $0xE  }
0xa9: {  	s5 =	sadd.s32 @p0 $0x11B8D, s5;
	s6 =	sshll.u32 @p0 s4, $0x11  }
0xaa: {  	s5 =	sor.u32 @p0 s6, s5  }
0xab: {  	[sflag:s5] =	ssyncadd.remote.s32 @p0 $0x1;
	_ =	sdelay $0x1  }
0xac: {  	s5 =	simm.s32 @p0 $0x1B8D  }
0xad: {  	_ =	swait.eq @p0 [sflag:s5], $0x1  }
0xae: {  	[sflag:s5] =	ssyncadd.s32 @p0 $0xFFFFFFFF  }
0xaf: {  	s6 =	sshll.u32 @!p0 s1, $0xE  }
0xb0: {  	s6 =	sor.u32 @!p0 $0x4000, s6;
	s5 =	simm.s32 @!p0 $0x1B8D  }
0xb1: {  	s4 =	sshll.u32 @!p0 s4, $0x11;
	s6 =	sadd.s32 @!p0 $0x11B8D, s6;
	_ =	swait.eq @!p0 [sflag:s5], $0x1  }
0xb2: {  	s4 =	sor.u32 @!p0 s4, s6;
	[sflag:s5] =	ssyncadd.s32 @!p0 $0xFFFFFFFF  }
0xb3: {  	s25 =	simm.s32 $0x1B8E;
	s24 =	sld [smem:$0x3FFE];
	[sflag:s4] =	ssyncadd.remote.s32 @!p0 $0x1  }
0xb4: {  	s26 =	simm.s32 $execute0_lowered;
	[smem:$0x3FD2] =	sst s25  }
0xb5: {  	s5 =	sshll.u32 s26, $0x1;
	_ =	strace $0x80000049;
	[dreg:$0x1] =	wrdreg $0xFFFFFFFF  }
0xb6: {  	s28 =	simm.s32 $_size_execute0_lowered;
	s3 =	sadd.s32 s3, s5;
	[dreg:$0x0] =	wrdreg $0x0  }
0xb7: {  	s5 =	sshll.u32 s28, $0x1;
	[dreg:$0x2] =	wrdreg s3  }
0xb8: {  	[dreg:$0x3] =	wrdreg s5  }
0xb9: {  	[dreg:$0x4] =	wrdreg $0xC0  }
0xba: {  	_ =	task [dreg:s22], $0x5FFFF  }
0xbb: {  	[dreg:$0x1] =	wrdreg $0xFFFFFFFF  }
0xbc: {  	[dreg:$0x0] =	wrdreg $0x60  }
0xbd: {  	[dreg:$0x2] =	wrdreg s24  }
0xbe: {  	[dreg:$0x3] =	wrdreg $0xB  }
0xbf: {  	_ =	task.clear_ibuf [dreg:s22], $0x4FFFF;
	_ =	strace $0x90000049  }
0xc0: {  	s29 =	simm.s32 $0xB;
	_ =	strace $0x8000004B  }
0xc1: {  	_ =	swait.ge [sflag:s29], $0x1  }
0xc2: {  	[sflag:s29] =	ssyncadd.s32 $0xFFFFFFFF  }
0xc3: {  	_ =	strace $0x9000004B  }
0xc4: {  	_ =	sfence  }
0xc5: {  	s30 =	sld [smem:$0x0];
	_ =	sdelay $0x2  }
0xc6: {  	s31 =	sshll.u32 s1, $0xD;
	s1 =	sshrl.u32 s1, $0x2  }
0xc7: {  	s4 =	sand.u32 $0x4000, s31;
	s1 =	sadd.s32 s1, s30  }
0xc8: {  	s0 =	sor.u32 s4, s0;
	s1 =	sshll.u32 s1, $0x11  }
0xc9: {  	s0 =	sor.u32 s1, s0  }
0xca: {  	s0 =	sadd.s32 $0x8F2B, s0  }
0xcb: {  	[sflag:s0] =	ssyncadd.remote.s32 $0x1  }
0xcc: {  	_ =	sfence.sel $0xFFFF  }
0xcd: {  	[dreg:$0x0] =	wrdreg $0xFFFFFFFF;
	(pc) =	sbr.abs _section_cstart, $3  }
0xce: {  	[dreg:$0x1] =	wrdreg $0xFFFFFFFF  }
0xcf: {  	_ =	task.clear_ibuf [dreg:s22], $0x2FFFF;
	_ =	strace $0x9FFFFFFF  }
0xd0: {  	(tm) =	ssettm $0x7FFFFFFF  }
0xd1: {  	_ =	shalt  }
tec
execute0_lowered:
.L_overlay_start_1:
0x0: {  	(tag) =	ssettag $0x1  }
0x1: {  	s3 =	rddreg [dreg:$0x0]  }
0x2: {  	s0 =	rddreg [dreg:$0x1];
	s4 =	srdreg.scid  }
0x3: {  	s2 =	simm.s32 $0x0;
	s1 =	stileid.u32;
	s4 =	sand.u32 $0x1, s4  }
0x4: {  	[smem:$0x7FF] =	sst s2;
	s5 =	sshll.u32 s1, $0x9;
	s6 =	sshll.u32 s4, $0x8  }
0x5: {  	s8 =	simm.s32 $0x0;
	_ =	strace $0x8000004A;
	s5 =	sor.u32 s6, s5  }
0x6: {  	v0 =	vlaneseq.u32;
	s4 =	ssub.s32 $0x2, s4;
	s6 =	sshll.u32 s5, $0x4;
	s5 =	sshrl.u32 s5, $0x3  }
0x7: {  	v4 =	vmul.u32 $0xFFFFFFFF, v0;
	s7 =	sshrl.u32 s4, $0x1;
	s6 =	sadd.s32 s6, s3;
	s5 =	sadd.s32 s5, s3  }
0x8: {  	vm0 =	vmmov $0xff;
	v1 =	vor.u32 $0x10, v0;
	s7 =	ssub.s32 s4, s7;
	s3 =	sadd.s32 $0x21E00, s6;
	s4 =	sadd.s32 $0x41E00, s5  }
0x9: {  	v2 =	vor.u32 $0x20, v0;
	v3 =	vor.u32 $0x30, v0;
	v4 =	vadd.s32 $0xF, v4;
	s5 =	smax.u32 s7, $0x1;
	s6 =	simm.s32 $0x1;
	s7 =	simm.s32 $0x8000  }
.LBB2_1:
0xa: {  	[tilespmem:s2], [sflag:$0x1] =	stream.linear.gather [hbm4b:s3+s2], $0x8000, $0x38;
	[tilespmem:$0x8100] =	vst v63  }
0xb: {  	_ =	swait.ge [sflag:s6], $0x8000  }
0xc: {  	[sflag:s6] =	ssyncset.done $0x0  }
0xd: {  	s9 =	simm.s32 $0x80;
	[sflag:s6] =	ssyncadd.s32 $0xFFFF8000  }
0xe: {  	v5 =	vld [tilespmem:s9+$0x10]  }
0xf: {  	v6 =	vld [tilespmem:s9+$0xFFFFFFB0]  }
0x10: {  	v7 =	vld [tilespmem:s9+$0x0]  }
0x11: {  	v8 =	vld [tilespmem:s9+$0x30]  }
0x12: {  	v9 =	vld [tilespmem:s9+$0xFFFFFFA0]  }
0x13: {  	v10 =	vld [tilespmem:s9+$0x20];
	(xrf1) =	vsort.dscd.msk.f32 $0xffff, v5, v1  }
0x14: {  	v5 =	vld [tilespmem:s9+$0xFFFFFF90];
	(xrf1) =	vsort.dscd.msk.f32 $0xffff, v6, v3  }
0x15: {  	(xrf1) =	vsort.dscd.msk.f32 $0xffff, v7, v0  }
0x16: {  	v6 =	vld [tilespmem:s9+$0xFFFFFF80];
	(xrf1) =	vsort.dscd.msk.f32 $0xffff, v8, v3  }
0x17: {  	(xrf1) =	vsort.dscd.msk.f32 $0xffff, v9, v2  }
0x18: {  	(xrf1) =	vsort.dscd.msk.f32 $0xffff, v10, v2  }
0x19: {  	(xrf1) =	vsort.dscd.msk.f32 $0xffff, v5, v1;
	_ =	sdelay $0x1  }
0x1a: {  	(xrf1) =	vsort.dscd.msk.f32 $0xffff, v6, v0;
	_ =	sdelay $0x2  }
0x1b: {  	s25 =	simm.s32 $0x180  }
0x1c: {  	v5 =	vld [tilespmem:s25+$0x10]  }
0x1d: {  	v6 =	vld [tilespmem:s25+$0xFFFFFFB0]  }
0x1e: {  	v9 =	vld [tilespmem:s25+$0x0];
	v7, v8, _ =	vpop (xrf1)  }
0x1f: {  	v12 =	vld [tilespmem:s25+$0x30];
	v10, v11, _ =	vpop (xrf1)  }
0x20: {  	v15 =	vld [tilespmem:s25+$0xFFFFFFA0];
	v13, v14, _ =	vpop (xrf1)  }
0x21: {  	v18 =	vld [tilespmem:s25+$0x20];
	(xrf1) =	vsort.dscd.msk.f32 $0xffff, v5, v1;
	v16, v17, _ =	vpop (xrf1)  }
0x22: {  	(xrf1) =	vsort.dscd.msk.f32 $0xffff, v6, v3;
	v6 =	vperm.xlane v10, v4;
	v5, v19, _ =	vpop (xrf1)  }
0x23: {  	(xrf1) =	vsort.dscd.msk.f32 $0xffff, v9, v0;
	v10, v20, _ =	vpop (xrf1)  }
0x24: {  	v9 =	vperm.xlane v11, v4;
	(xrf1) =	vsort.dscd.msk.f32 $0xffff, v12, v3;
	vm1 =	vge.f32 v5, v6;
	v11, v12, _ =	vpop (xrf1)  }
0x25: {  	(xrf1) =	vsort.dscd.msk.f32 $0xffff, v15, v2;
	v5 =	vsel vm1, v5, v6;
	v6 =	vperm.xlane v11, v4  }
0x26: {  	(xrf1) =	vsort.dscd.msk.f32 $0xffff, v18, v2;
	v9 =	vsel vm1, v19, v9;
	v11 =	vld [tilespmem:s25+$0xFFFFFF90];
	v15, v18, _ =	vpop (xrf1);
	v12 =	vperm.xlane v12, v4  }
0x27: {  	(xrf1) =	vsort.dscd.msk.f32 $0xffff, v5, v9;
	v5 =	vperm.xlane v16, v4;
	vm1 =	vge.f32 v15, v6  }
0x28: {  	v6 =	vsel vm1, v15, v6;
	v9 =	vsel vm1, v18, v12;
	v15 =	vperm.xlane v17, v4  }
0x29: {  	v12 =	vld [tilespmem:s25+$0xFFFFFF80];
	vm1 =	vge.f32 v10, v5;
	(xrf1) =	vsort.dscd.msk.f32 $0xffff, v6, v9;
	v6 =	vperm.xlane v7, v4  }
0x2a: {  	v7 =	vperm.xlane v8, v4;
	v5 =	vsel vm1, v10, v5  }
0x2b: {  	v8 =	vsel vm1, v20, v15;
	(xrf1) =	vsort.dscd.msk.f32 $0xffff, v11, v1;
	vm1 =	vge.f32 v13, v6  }
0x2c: {  	(xrf1) =	vsort.dscd.msk.f32 $0xffff, v5, v8;
	v5 =	vsel vm1, v13, v6;
	v6 =	vsel vm1, v14, v7;
	_ =	sdelay $0x1  }
0x2d: {  	(xrf1) =	vsort.dscd.msk.f32 $0xffff, v12, v0  }
0x2e: {  	s26 =	simm.s32 $0x280;
	(xrf1) =	vsort.dscd.msk.f32 $0xffff, v5, v6  }
0x2f: {  	v7 =	vld [tilespmem:s26+$0x10];
	v5, v6, _ =	vpop (xrf1)  }
0x30: {  	v10 =	vld [tilespmem:s26+$0xFFFFFFB0];
	v8, v9, _ =	vpop (xrf1)  }
0x31: {  	v13 =	vld [tilespmem:s26+$0x0];
	v11, v12, _ =	vpop (xrf1)  }
0x32: {  	v16 =	vld [tilespmem:s26+$0x30];
	v14, v15, _ =	vpop (xrf1)  }
0x33: {  	v17, v18, _ =	vpop (xrf1)  }
0x34: {  	v19 =	vld [tilespmem:s26+$0xFFFFFFA0];
	(xrf1) =	vsort.dscd.msk.f32 $0xffff, v7, v1;
	v8 =	vperm.xlane v8, v4;
	v20, v21, _ =	vpop (xrf1)  }
0x35: {  	v22 =	vld [tilespmem:s26+$0x20];
	v9 =	vperm.xlane v9, v4;
	(xrf1) =	vsort.dscd.msk.f32 $0xffff, v10, v3;
	v7, v23, _ =	vpop (xrf1)  }
0x36: {  	(xrf1) =	vsort.dscd.msk.f32 $0xffff, v13, v0;
	vm1 =	vge.f32 v17, v8;
	v7 =	vperm.xlane v7, v4  }
0x37: {  	(xrf1) =	vsort.dscd.msk.f32 $0xffff, v16, v3;
	v9 =	vsel vm1, v18, v9;
	v10 =	vperm.xlane v23, v4;
	v13, v16, _ =	vpop (xrf1)  }
0x38: {  	v8 =	vsel vm1, v17, v8;
	vm2 =	vge.f32 v13, v7  }
0x39: {  	(xrf1) =	vsort.dscd.msk.f32 $0xffff, v19, v2;
	v19, v23, _ =	vpop (xrf1);
	v10 =	vsel vm2, v16, v10  }
0x3a: {  	(xrf1) =	vsort.dscd.msk.f32 $0xffff, v22, v2;
	v7 =	vsel vm2, v13, v7;
	v13, v16, _ =	vpop (xrf1)  }
0x3b: {  	(xrf1) =	vsort.dscd.msk.f32 $0xffff, v8, v9;
	v8, v9, _ =	vpop (xrf1);
	v13 =	vperm.xlane v13, v4  }
0x3c: {  	(xrf1) =	vsort.dscd.msk.f32 $0xffff, v7, v10;
	v7 =	vperm.xlane v19, v4;
	v16 =	vperm.xlane v16, v4;
	v10, v17, _ =	vpop (xrf1)  }
0x3d: {  	v18 =	vperm.xlane v23, v4;
	vm1 =	vge.f32 v10, v13  }
0x3e: {  	vm2 =	vge.f32 v8, v7;
	v10 =	vsel vm1, v10, v13;
	v13 =	vsel vm1, v17, v16  }
0x3f: {  	v19 =	vld [tilespmem:s26+$0xFFFFFF90];
	v7 =	vsel vm2, v8, v7;
	v8 =	vsel vm2, v9, v18;
	(xrf1) =	vsort.dscd.msk.f32 $0xffff, v10, v13  }
0x40: {  	(xrf1) =	vsort.dscd.msk.f32 $0xffff, v7, v8  }
0x41: {  	v7 =	vperm.xlane v14, v4;
	v8 =	vld [tilespmem:s26+$0xFFFFFF80]  }
0x42: {  	v9 =	vperm.xlane v15, v4  }
0x43: {  	v5 =	vperm.xlane v5, v4;
	vm1 =	vge.f32 v20, v7  }
0x44: {  	s28 =	simm.s32 $0x380;
	(xrf1) =	vsort.dscd.msk.f32 $0xffff, v19, v1;
	v10, v13, _ =	vpop (xrf1);
	v7 =	vsel vm1, v20, v7;
	v9 =	vsel vm1, v21, v9  }
0x45: {  	v6 =	vperm.xlane v6, v4;
	v16 =	vld [tilespmem:s28+$0x10];
	v14, v15, _ =	vpop (xrf1);
	(xrf1) =	vsort.dscd.msk.f32 $0xffff, v7, v9  }
0x46: {  	vm1 =	vge.f32 v11, v5;
	v17, v18, _ =	vpop (xrf1);
	(xrf1) =	vsort.dscd.msk.f32 $0xffff, v8, v0;
	v8 =	vld [tilespmem:s28+$0xFFFFFFB0]  }
0x47: {  	v5 =	vsel vm1, v11, v5;
	v6 =	vsel vm1, v12, v6;
	v19, v20, _ =	vpop (xrf1)  }
0x48: {  	v11 =	vld [tilespmem:s28+$0x0];
	(xrf1) =	vsort.dscd.msk.f32 $0xffff, v5, v6;
	v7, v9, _ =	vpop (xrf1)  }
0x49: {  	v5 =	vld [tilespmem:s28+$0x30];
	v12, v21, _ =	vpop (xrf1)  }
0x4a: {  	v24 =	vld [tilespmem:s28+$0xFFFFFFA0];
	(xrf1) =	vsort.dscd.msk.f32 $0xffff, v16, v1;
	v6, v22, _ =	vpop (xrf1)  }
0x4b: {  	v16, v23, _ =	vpop (xrf1);
	(xrf1) =	vsort.dscd.msk.f32 $0xffff, v8, v3  }
0x4c: {  	v25 =	vld [tilespmem:s28+$0x20];
	(xrf0) =	vmax.scan.msk.f32 $0xffff, v16  }
0x4d: {  	v6 =	vperm.xlane v6, v4;
	v8 =	vperm.xlane v14, v4;
	(xrf1) =	vsort.dscd.msk.f32 $0xffff, v11, v0;
	v11, v14, _ =	vpop (xrf1)  }
0x4e: {  	v22 =	vperm.xlane v22, v4;
	(xrf1) =	vsort.dscd.msk.f32 $0xffff, v5, v3;
	v5 =	vperm.xlane v15, v4;
	v15, v26, _ =	vpop (xrf1)  }
0x4f: {  	vm1 =	vge.f32 v7, v8;
	(xrf1) =	vsort.dscd.msk.f32 $0xffff, v24, v2;
	vm2 =	vge.f32 v15, v6  }
0x50: {  	v7 =	vsel vm1, v7, v8;
	(xrf0) =	vmax.scan.msk.f32 $0xffff, v11;
	v6 =	vsel vm2, v15, v6;
	v15 =	vsel vm2, v26, v22  }
0x51: {  	(xrf1) =	vsort.dscd.msk.f32 $0xffff, v25, v2;
	v5 =	vsel vm1, v9, v5  }
0x52: {  	v8, v9, _ =	vpop (xrf1);
	(xrf1) =	vsort.dscd.msk.f32 $0xffff, v7, v5;
	v5 =	vperm.xlane v10, v4  }
0x53: {  	v7, _, _ =	vpop (xrf0)  }
0x54: {  	(xrf1) =	vsort.dscd.msk.f32 $0xffff, v6, v15;
	v6 =	vperm.xlane v13, v4;
	vm1 =	vge.f32 v17, v5;
	v7 =	vbroadcast v7, $0xF;
	v13, v15, _ =	vpop (xrf1)  }
0x55: {  	v10 =	vperm.xlane v19, v4;
	v5 =	vsel vm1, v17, v5;
	v19, v22, _ =	vpop (xrf1);
	v13 =	vperm.xlane v13, v4  }
0x56: {  	v17 =	vperm.xlane v20, v4;
	v7 =	vsub.f32 v16, v7;
	v15 =	vperm.xlane v15, v4;
	v20, v24, _ =	vpop (xrf1)  }
0x57: {  	v8 =	vperm.xlane v8, v4;
	v9 =	vperm.xlane v9, v4;
	vm2 =	vge.f32 v20, v13  }
0x58: {  	v25, _, _ =	vpop (xrf0);
	v7 =	vmul.f32 $1.442695020e+00, v7;
	v13 =	vsel vm2, v20, v13;
	v15 =	vsel vm2, v24, v15  }
0x59: {  	v18 =	vsel vm1, v18, v6;
	vm2 =	vge.f32 v19, v8;
	(xrf1) =	vsort.dscd.msk.f32 $0xffff, v13, v15;
	v13 =	vbroadcast v25, $0xF  }
0x5a: {  	v16 =	vld [tilespmem:s28+$0xFFFFFF90];
	(erf) = vpow2.f32 v7;
	v7 =	vmov s2;
	v9 =	vsel vm2, v22, v9  }
0x5b: {  	v8 =	vsel vm2, v19, v8;
	vm2 =	vge.f32 v12, v10;
	v11 =	vsub.f32 v11, v13  }
0x5c: {  	v20 =	vld [tilespmem:s28+$0xFFFFFF80];
	v24 =	vshll.u32 v7, $0x7;
	v15, v19, _ =	vpop (xrf1);
	v13 =	vsel vm2, v21, v17;
	v21 =	vadd.s32 $0x40, v23  }
0x5d: {  	s29 =	simm.s32 $0x480;
	s10 =	simm.s32 $0x1;
	v10 =	vsel vm2, v12, v10;
	v12, v22, _ =	vpop (xrf1);
	(xrf1) =	vsort.dscd.msk.f32 $0xffff, v8, v9;
	v23 =	vand.u32 $0xFFFFFF80, v21;
	v11 =	vmul.f32 $1.442695020e+00, v11  }
0x5e: {  	v6 =	vmov s10;
	v17 =	vld [tilespmem:s29+$0x10];
	v21 =	vand.u32 $0x7F, v21;
	v8, v9, _ =	vpop (xrf1);
	v23 =	vadd.s32 v24, v23  }
0x5f: {  	(xrf1) =	vsort.dscd.msk.f32 $0xffff, v16, v1;
	v16, v25, _ =	vpop (xrf1);
	(erf) = vpow2.f32 v11;
	v11 =	vor.u32 v21, v23;
	v23 =	vshll.u32 v6, $0x7  }
0x60: {  	(xrf1) =	vsort.dscd.msk.f32 $0xffff, v10, v13;
	v10 =	vld [tilespmem:s29+$0xFFFFFFB0];
	v13 =	vadd.s32 $0x40, v14;
	v24, v26, _ =	vpop (xrf1)  }
0x61: {  	v14 =	vld [tilespmem:s29+$0x0];
	(xrf1) =	vsort.dscd.msk.f32 $0xffff, v20, v0;
	v21 =	vand.u32 $0xFFFFFF80, v13;
	v20, v27, _ =	vpop (xrf1)  }
0x62: {  	v28 =	vld [tilespmem:s29+$0x30];
	v15 =	vperm.xlane v15, v4;
	v13 =	vand.u32 $0x7F, v13;
	(xrf1) =	vsort.dscd.msk.f32 $0xffff, v5, v18;
	v21 =	vadd.s32 v23, v21;
	v5, v18, _ =	vpop (xrf1)  }
0x63: {  	v19 =	vperm.xlane v19, v4;
	(xrf1) =	vsort.dscd.msk.f32 $0xffff, v17, v1;
	v13 =	vor.u32 v13, v21;
	v21 =	vld [tilespmem:s29+$0xFFFFFFA0];
	v17, v23, _ =	vpop (xrf1)  }
0x64: {  	v12 =	vperm.xlane v12, v4;
	vm1 =	vge.f32 v8, v15;
	v16 =	vperm.xlane v16, v4;
	(xrf0) =	vmax.scan.msk.f32 $0xffff, v17  }
0x65: {  	v29 =	vsel vm1, v8, v15;
	v8 =	vperm.xlane v25, v4;
	(xrf1) =	vsort.dscd.msk.f32 $0xffff, v10, v3  }
0x66: {  	v9 =	vsel vm1, v9, v19;
	v15 =	vpop (erf);
	vm1 =	vge.f32 v20, v16;
	v10 =	vld [tilespmem:s29+$0x20];
	(xrf1) =	vsort.dscd.msk.f32 $0xffff, v14, v0  }
0x67: {  	v16 =	vsel vm1, v20, v16;
	v25 =	vsel vm1, v27, v8;
	v8 =	vld.idx.msk [tilespmem:v11+s2+$0x0], $0xffff;
	(xrf1) =	vsort.dscd.msk.f32 $0xffff, v28, v3  }
0x68: {  	vm1 =	vge.f32 v24, v12;
	v14 =	vnsel vm0, $0x0, v15;
	(xrf1) =	vsort.dscd.msk.f32 $0xffff, v21, v2;
	v21 =	vperm.xlane v22, v4;
	v19, v15, _ =	vpop (xrf1)  }
0x69: {  	s30 =	simm.s32 $0x2;
	v18 =	vperm.xlane v18, v4;
	v12 =	vsel vm1, v24, v12;
	v11 =	vperm.xlane v5, v4;
	(xrf2) =	vadd.scan.msk.f32 $0xffff, v14;
	v22 =	vpop (erf)  }
0x6a: {  	v5 =	vmov s30;
	v20 =	vadd.s32 $0x40, v23;
	(xrf0) =	vmax.scan.msk.f32 $0xffff, v19;
	v21 =	vsel vm1, v26, v21;
	v23, _, _ =	vpop (xrf0)  }
0x6b: {  	v27 =	vand.u32 $0xFFFFFF80, v20;
	(xrf1) =	vsort.dscd.msk.f32 $0xffff, v10, v2;
	v15 =	vadd.s32 $0x40, v15;
	v22 =	vnsel vm0, $0x0, v22;
	v10, v28, _ =	vpop (xrf1)  }
0x6c: {  	v8 =	vmul.f32 v14, v8;
	(xrf2) =	vadd.scan.msk.f32 $0xffff, v22;
	vm1 =	vge.f32 v10, v11;
	v14 =	vbroadcast v23, $0xF  }
0x6d: {  	v30 =	vshll.u32 v5, $0x7;
	v60 =	vand.u32 $0x7F, v15;
	v24, v26, _ =	vpop (xrf1);
	(xrf1) =	vsort.dscd.msk.f32 $0xffff, v12, v21;
	v10 =	vsel vm1, v10, v11  }
0x6e: {  	v12, v21, _ =	vpop (xrf1);
	v11 =	vsel vm1, v28, v18;
	v18 =	vperm.xlane v24, v4;
	v14 =	vsub.f32 v17, v14  }
0x6f: {  	v23 =	vadd.s32 v30, v27;
	v26 =	vperm.xlane v26, v4;
	v24, v27, _ =	vpop (xrf1);
	v12 =	vperm.xlane v12, v4  }
0x70: {  	s31 =	simm.s32 $0x3;
	v13 =	vld.idx.msk [tilespmem:v13+s2+$0x0], $0xffff;
	v15 =	vand.u32 $0xFFFFFF80, v15;
	(xrf2) =	vadd.scan.msk.f32 $0xffff, v8;
	v21 =	vperm.xlane v21, v4;
	v17, v28, _ =	vpop (xrf1);
	v14 =	vmul.f32 $1.442695020e+00, v14  }
0x71: {  	v33 =	vld [tilespmem:s29+$0xFFFFFF90];
	v8 =	vmov s31;
	(xrf1) =	vsort.dscd.msk.f32 $0xffff, v10, v11;
	v34, _, _ =	vpop (xrf0);
	vm2 =	vge.f32 v17, v12  }
0x72: {  	vm1 =	vge.f32 v24, v18;
	v31, v32, _ =	vpop (xrf1);
	(erf) = vpow2.f32 v14;
	v14 =	vsel vm2, v28, v21  }
0x73: {  	v35 =	vshll.u32 v8, $0x7;
	v10, _, _ =	vpop (xrf2);
	v12 =	vsel vm2, v17, v12;
	v21 =	vsel vm1, v27, v26  }
0x74: {  	v11 =	vadd.s32 v35, v15;
	v18 =	vsel vm1, v24, v18;
	v17, v15, _ =	vpop (xrf1);
	(xrf1) =	vsort.dscd.msk.f32 $0xffff, v12, v14  }
0x75: {  	v13 =	vmul.f32 v22, v13;
	v10 =	vbroadcast v10, $0xF;
	v14, v26, _ =	vpop (xrf1);
	(xrf1) =	vsort.dscd.msk.f32 $0xffff, v18, v21  }
0x76: {  	v11 =	vor.u32 v60, v11;
	v24 =	vld [tilespmem:s29+$0xFFFFFF80];
	v12 =	vbroadcast v34, $0xF;
	v21, v27, _ =	vpop (xrf1);
	(xrf1) =	vsort.dscd.msk.f32 $0xffff, v33, v1  }
0x77: {  	s13 =	simm.s32 $0x580;
	v20 =	vand.u32 $0x7F, v20;
	(erf) = vrcp.f32 v10;
	v62, _, _ =	vpop (xrf2);
	(xrf2) =	vadd.scan.msk.f32 $0xffff, v13  }
0x78: {  	v22 =	vperm.xlane v31, v4;
	v28 =	vld [tilespmem:s13+$0x10];
	v12 =	vsub.f32 v19, v12  }
0x79: {  	v61 =	vor.u32 v20, v23;
	v23 =	vld [tilespmem:s13+$0x0];
	v32 =	vperm.xlane v32, v4  }
0x7a: {  	v19 =	vld [tilespmem:s13+$0x30];
	vm1 =	vge.f32 v14, v22;
	v20, v18, _ =	vpop (xrf1);
	v12 =	vmul.f32 $1.442695020e+00, v12;
	(xrf1) =	vsort.dscd.msk.f32 $0xffff, v16, v25;
	v25 =	vperm.xlane v27, v4  }
0x7b: {  	v13 =	vperm.xlane v21, v4;
	v10 =	vsel vm1, v14, v22;
	v14 =	vld.idx.msk [tilespmem:v11+s2+$0x0], $0xffff;
	v16, v21, _ =	vpop (xrf1);
	(xrf1) =	vsort.dscd.msk.f32 $0xffff, v24, v0  }
0x7c: {  	v31 =	vbroadcast v62, $0xF;
	v63, _, _ =	vpop (xrf2);
	v24 =	vld [tilespmem:s13+$0xFFFFFFB0];
	(xrf1) =	vsort.dscd.msk.f32 $0xffff, v29, v9;
	(erf) = vpow2.f32 v12  }
0x7d: {  	s12 =	simm.s32 $0x4;
	s11 =	simm.s32 $0x6;
	s14 =	simm.s32 $0xC;
	v11 =	vsel vm1, v26, v32;
	v22 =	vld [tilespmem:s13+$0x20];
	vm2 =	vge.f32 v16, v13;
	v9 =	vbroadcast v63, $0xF;
	v27, v26, _ =	vpop (xrf1);
	(xrf1) =	vsort.dscd.msk.f32 $0xffff, v28, v1  }
0x7e: {  	s15 =	simm.s32 $0x680;
	s9 =	simm.s32 $0xA;
	s10 =	simm.s32 $0x8;
	v12 =	vsel vm2, v16, v13;
	v13 =	vsel vm2, v21, v25;
	v21 =	vld.idx.msk [tilespmem:v61+s2+$0x0], $0xffff;
	v25 =	vpop (erf);
	(erf) = vrcp.f32 v31  }
.LBB2_2:
0x7f: {  	v16 =	vld [tilespmem:s15+$0x10];
	p0 =	slt.u32 s14, $0xFE;
	v28, v29, _ =	vpop (xrf1);
	s16 =	smov.u32 s14;
	s14 =	sadd.s32 $0x2, s14  }
0x80: {  	v27 =	vperm.xlane v27, v4;
	v31 =	vmov s12;
	v30 =	vld [tilespmem:s13+$0xFFFFFFA0];
	v29 =	vadd.s32 $0x40, v29;
	(xrf0) =	vmax.scan.msk.f32 $0xffff, v28;
	v32 =	vpop (erf)  }
0x81: {  	v33 =	vld [tilespmem:s13+$0xFFFFFF90];
	(xrf1) =	vsort.dscd.msk.f32 $0xffff, v24, v3;
	v24 =	vperm.xlane v26, v4;
	v26 =	vand.u32 $0xFFFFFF80, v29;
	v37 =	vmul.f32 v32, v9;
	v32, _, _ =	vpop (xrf2)  }
0x82: {  	v17 =	vperm.xlane v17, v4;
	(xrf1) =	vsort.dscd.msk.f32 $0xffff, v23, v0;
	v23 =	vshll.u32 v31, $0x7;
	v34, v35, _ =	vpop (xrf1);
	v32 =	vbroadcast v32, $0xF  }
0x83: {  	v15 =	vperm.xlane v15, v4;
	v38 =	vnsel vm0, $0x0, v25;
	(xrf1) =	vsort.dscd.msk.f32 $0xffff, v19, v3;
	v19, v36, _ =	vpop (xrf1);
	[tilespmem:v7+s7+$0x0] =	vst.idx.msk $0x1, v37  }
0x84: {  	vm1 =	vge.f32 v20, v17;
	v21 =	vmul.f32 v38, v21;
	v7, v9, _ =	vpop (xrf1);
	vm2 =	vge.f32 v19, v27;
	(xrf2) =	vadd.scan.msk.f32 $0xffff, v38  }
0x85: {  	v17 =	vsel vm1, v20, v17;
	v20 =	vand.u32 $0x7F, v29;
	(xrf1) =	vsort.dscd.msk.f32 $0xffff, v30, v2;
	v19 =	vsel vm2, v19, v27;
	v25 =	vpop (erf)  }
0x86: {  	v24 =	vsel vm2, v36, v24;
	v30 =	vadd.s32 v23, v26;
	v26, _, _ =	vpop (xrf0);
	(xrf0) =	vmax.scan.msk.f32 $0xffff, v34;
	v25 =	vnsel vm0, $0x0, v25  }
0x87: {  	v15 =	vsel vm1, v18, v15;
	(xrf1) =	vsort.dscd.msk.f32 $0xffff, v22, v2;
	v18 =	vbroadcast v26, $0xF;
	v14 =	vmul.f32 v25, v14;
	v22 =	vpop (erf)  }
0x88: {  	v7 =	vperm.xlane v7, v4;
	v29 =	vor.u32 v20, v30;
	v26, v27, _ =	vpop (xrf1);
	(xrf2) =	vadd.scan.msk.f32 $0xffff, v25;
	v30 =	vmul.f32 v22, v32  }
0x89: {  	v22, v23, _ =	vpop (xrf1);
	(xrf1) =	vsort.dscd.msk.f32 $0xffff, v17, v15;
	v15 =	vperm.xlane v26, v4;
	v17 =	vsub.f32 v28, v18;
	v18 =	vadd.s32 $0x40, v35  }
0x8a: {  	v9 =	vperm.xlane v9, v4;
	vm1 =	vge.f32 v22, v7;
	v25, v26, _ =	vpop (xrf1);
	v28 =	vand.u32 $0x7F, v18;
	[tilespmem:v6+s7+$0x0] =	vst.idx.msk $0x1, v30  }
0x8b: {  	s17 =	sadd.s32 $0x1, s12;
	s12 =	smov.u32 s11;
	s11 =	smov.u32 s10;
	v27 =	vperm.xlane v27, v4;
	v18 =	vand.u32 $0xFFFFFF80, v18;
	v6, v20, _ =	vpop (xrf1);
	v22 =	vsel vm1, v22, v7;
	(xrf1) =	vsort.dscd.msk.f32 $0xffff, v19, v24  }
0x8c: {  	s10 =	smov.u32 s9;
	s9 =	smov.u32 s16;
	vm2 =	vge.f32 v25, v15;
	v19 =	vmov s17;
	v24 =	vperm.xlane v6, v4;
	v6, _, _ =	vpop (xrf0);
	(xrf2) =	vadd.scan.msk.f32 $0xffff, v21  }
0x8d: {  	v7 =	vmovc v5;
	v5 =	vmovc v31;
	v30 =	vsel vm2, v25, v15;
	v21 =	vsel vm2, v26, v27;
	v26 =	vmul.f32 $1.442695020e+00, v17  }
0x8e: {  	v9 =	vsel vm1, v23, v9;
	(xrf1) =	vsort.dscd.msk.f32 $0xffff, v30, v21;
	v30 =	vbroadcast v6, $0xF;
	v21 =	vshll.u32 v19, $0x7;
	v23, _, _ =	vpop (xrf2)  }
0x8f: {  	v17, v15, _ =	vpop (xrf1);
	(xrf1) =	vsort.dscd.msk.f32 $0xffff, v22, v9;
	v9 =	vadd.s32 v21, v18;
	(erf) = vpow2.f32 v26;
	v31 =	vbroadcast v23, $0xF  }
0x90: {  	v6 =	vmov v8;
	v21 =	vld [tilespmem:s13+$0xFFFFFF80];
	(xrf1) =	vsort.dscd.msk.f32 $0xffff, v33, v1;
	v22, v25, _ =	vpop (xrf1);
	v23 =	vsub.f32 v34, v30;
	v9 =	vor.u32 v28, v9;
	s13 =	smov.u32 s15  }
0x91: {  	v26 =	vperm.xlane v20, v4;
	vm1 =	vge.f32 v22, v24;
	v27, v28, _ =	vpop (xrf1);
	(erf) = vrcp.f32 v31;
	(xrf2) =	vadd.scan.msk.f32 $0xffff, v14  }
0x92: {  	v8 =	vmov v19;
	v30 =	vmul.f32 $1.442695020e+00, v23;
	v14, _, _ =	vpop (xrf2)  }
0x93: {  	v19 =	vld [tilespmem:s15+$0x30];
	v20, v18, _ =	vpop (xrf1);
	v31 =	vbroadcast v14, $0xF  }
.Ltmp0:
0x94: {  	v22 =	vsel vm1, v22, v24;
	v32 =	vperm.xlane v27, v4;
	v23 =	vld [tilespmem:s15+$0x0];
	(xrf1) =	vsort.dscd.msk.f32 $0xffff, v12, v13;
	(pc) =	sbr.rel @p0 .LBB2_2-.Ltmp0, $4  }
0x95: {  	v28 =	vperm.xlane v28, v4;
	v13 =	vsel vm1, v25, v26;
	(xrf1) =	vsort.dscd.msk.f32 $0xffff, v21, v0;
	v12, v21, _ =	vpop (xrf1);
	v14 =	vld.idx.msk [tilespmem:v9+s2+$0x0], $0xffff  }
0x96: {  	v24 =	vld [tilespmem:s15+$0xFFFFFFB0];
	vm1 =	vge.f32 v12, v32;
	(xrf1) =	vsort.dscd.msk.f32 $0xffff, v10, v11;
	(erf) = vpow2.f32 v30;
	v9, _, _ =	vpop (xrf2);
	v10 =	vmov v22  }
0x97: {  	v11 =	vmov v13;
	v22 =	vld [tilespmem:s15+$0x20];
	(xrf1) =	vsort.dscd.msk.f32 $0xffff, v16, v1;
	v12 =	vsel vm1, v12, v32;
	v27, v26, _ =	vpop (xrf1);
	v9 =	vbroadcast v9, $0xF  }
0x98: {  	s15 =	sadd.s32 $0x100, s15;
	v13 =	vsel vm1, v21, v28;
	v21 =	vld.idx.msk [tilespmem:v29+s2+$0x0], $0xffff;
	v25 =	vpop (erf);
	(erf) = vrcp.f32 v31  }
0x99: {  	_ =	sdelay $0x1  }
0x9a: {  	v16 =	vld [tilespmem:s13+$0xFFFFFFA0];
	_ =	sdelay $0x1  }
0x9b: {  	v17 =	vperm.xlane v17, v4;
	(xrf1) =	vsort.dscd.msk.f32 $0xffff, v24, v3  }
0x9c: {  	v60, v24, _ =	vpop (xrf1);
	(xrf1) =	vsort.dscd.msk.f32 $0xffff, v23, v0  }
0x9d: {  	v15 =	vperm.xlane v15, v4;
	vm1 =	vge.f32 v20, v17;
	(xrf1) =	vsort.dscd.msk.f32 $0xffff, v19, v3;
	v61, v19, _ =	vpop (xrf1)  }
0x9e: {  	v17 =	vsel vm1, v20, v17;
	(xrf1) =	vsort.dscd.msk.f32 $0xffff, v16, v2;
	v28, v29, _ =	vpop (xrf1)  }
0x9f: {  	v27 =	vperm.xlane v27, v4;
	v15 =	vsel vm1, v18, v15;
	v30, v31, _ =	vpop (xrf1)  }
0xa0: {  	v26 =	vperm.xlane v26, v4;
	(xrf0) =	vmax.scan.msk.f32 $0xffff, v60;
	v35, v63, _ =	vpop (xrf1)  }
0xa1: {  	vm2 =	vge.f32 v28, v27;
	(xrf1) =	vsort.dscd.msk.f32 $0xffff, v22, v2;
	v37, v38, _ =	vpop (xrf1);
	v22 =	vperm.xlane v35, v4  }
0xa2: {  	v25 =	vnsel vm0, $0x0, v25;
	v62 =	vsel vm2, v28, v27;
	(xrf1) =	vsort.dscd.msk.f32 $0xffff, v17, v15;
	v27 =	vperm.xlane v63, v4;
	v15, v17, _ =	vpop (xrf1)  }
0xa3: {  	v36 =	vperm.xlane v30, v4;
	v26 =	vsel vm2, v29, v26;
	vm2 =	vge.f32 v15, v22  }
0xa4: {  	v32 =	vld [tilespmem:s13+$0xFFFFFF90];
	(xrf2) =	vadd.scan.msk.f32 $0xffff, v25;
	v17 =	vsel vm2, v17, v27  }
0xa5: {  	(xrf0) =	vmax.scan.msk.f32 $0xffff, v61;
	v39 =	vperm.xlane v31, v4;
	vm1 =	vge.f32 v37, v36;
	v15 =	vsel vm2, v15, v22  }
0xa6: {  	v40 =	vld [tilespmem:s13+$0xFFFFFF80];
	(xrf1) =	vsort.dscd.msk.f32 $0xffff, v62, v26;
	v18 =	vsel vm1, v37, v36  }
0xa7: {  	v41, _, _ =	vpop (xrf0);
	v42 =	vsel vm1, v38, v39;
	(xrf1) =	vsort.dscd.msk.f32 $0xffff, v15, v17  }
0xa8: {  	v15, v17, _ =	vpop (xrf1);
	(xrf1) =	vsort.dscd.msk.f32 $0xffff, v18, v42  }
0xa9: {  	v18, v26, _ =	vpop (xrf1);
	(xrf1) =	vsort.dscd.msk.f32 $0xffff, v32, v1  }
0xaa: {  	v27, v28, _ =	vpop (xrf1);
	(xrf1) =	vsort.dscd.msk.f32 $0xffff, v12, v13  }
0xab: {  	v12, v13, _ =	vpop (xrf1);
	(xrf1) =	vsort.dscd.msk.f32 $0xffff, v40, v0  }
0xac: {  	v44, v43, _ =	vpop (xrf1);
	(xrf1) =	vsort.dscd.msk.f32 $0xffff, v10, v11  }
0xad: {  	v22 =	vbroadcast v41, $0xF;
	v11, _, _ =	vpop (xrf2)  }
0xae: {  	v47, _, _ =	vpop (xrf2)  }
0xaf: {  	v46, _, _ =	vpop (xrf0);
	v22 =	vsub.f32 v60, v22;
	v31 =	vbroadcast v47, $0xF  }
0xb0: {  	v23 =	vbroadcast v46, $0xF;
	v10 =	vpop (erf)  }
0xb1: {  	v22 =	vmul.f32 $1.442695020e+00, v22;
	v45 =	vpop (erf)  }
0xb2: {  	v21 =	vmul.f32 v25, v21;
	v48, v33, _ =	vpop (xrf1)  }
0xb3: {  	v16 =	vsub.f32 v61, v23;
	(erf) = vpow2.f32 v22;
	v18 =	vperm.xlane v18, v4;
	v51, v50, _ =	vpop (xrf1)  }
0xb4: {  	v52 =	vperm.xlane v26, v4;
	(erf) = vrcp.f32 v31;
	v23, v31, _ =	vpop (xrf1)  }
0xb5: {  	v16 =	vmul.f32 $1.442695020e+00, v16;
	vm1 =	vge.f32 v44, v18;
	v49 =	vnsel vm0, $0x0, v45;
	v34, v35, _ =	vpop (xrf1)  }
0xb6: {  	v55 =	vsel vm1, v44, v18;
	v25 =	vsel vm1, v43, v52;
	v22 =	vperm.xlane v51, v4;
	(xrf2) =	vadd.scan.msk.f32 $0xffff, v49;
	v36, v37, _ =	vpop (xrf1)  }
0xb7: {  	v14 =	vmul.f32 v49, v14;
	v30 =	vperm.xlane v50, v4;
	(xrf1) =	vsort.dscd.msk.f32 $0xffff, v55, v25;
	v53, v38, _ =	vpop (xrf1)  }
0xb8: {  	v54 =	vperm.xlane v12, v4;
	(xrf2) =	vadd.scan.msk.f32 $0xffff, v21;
	(erf) = vpow2.f32 v16;
	vm2 =	vge.f32 v36, v22;
	v57, v58, _ =	vpop (xrf1)  }
0xb9: {  	(xrf2) =	vadd.scan.msk.f32 $0xffff, v14;
	v56 =	vsel vm2, v36, v22;
	v59 =	vsel vm2, v37, v30;
	v61, v60, _ =	vpop (xrf1);
	v20 =	vperm.xlane v57, v4  }
0xba: {  	v26 =	vperm.xlane v53, v4;
	v22 =	vperm.xlane v58, v4;
	v63, v62, _ =	vpop (xrf1);
	(xrf1) =	vsort.dscd.msk.f32 $0xffff, v56, v59  }
0xbb: {  	v13 =	vperm.xlane v13, v4;
	(xrf0) =	vmax.scan.msk.f32 $0xffff, v23;
	v37 =	vperm.xlane v38, v4;
	vm1 =	vge.f32 v63, v20  }
0xbc: {  	v12 =	vpop (erf);
	(xrf0) =	vmax.scan.msk.f32 $0xffff, v34;
	vm2 =	vge.f32 v61, v26;
	v38 =	vsel vm1, v63, v20;
	v39 =	vsel vm1, v62, v22  }
0xbd: {  	v40 =	vpop (erf);
	v41 =	vsel vm2, v61, v26;
	v16 =	vsel vm2, v60, v37;
	(xrf1) =	vsort.dscd.msk.f32 $0xffff, v38, v39  }
0xbe: {  	v42 =	vperm.xlane v15, v4;
	v20 =	vnsel vm0, $0x0, v40;
	vm1 =	vge.f32 v48, v54;
	(xrf1) =	vsort.dscd.msk.f32 $0xffff, v41, v16  }
0xbf: {  	v43 =	vperm.xlane v17, v4;
	(xrf2) =	vadd.scan.msk.f32 $0xffff, v20;
	v44 =	vsel vm1, v48, v54;
	v13 =	vsel vm1, v33, v13  }
0xc0: {  	vm1 =	vge.f32 v27, v42;
	(xrf1) =	vsort.dscd.msk.f32 $0xffff, v44, v13  }
0xc1: {  	v45, _, _ =	vpop (xrf2);
	v14 =	vsel vm1, v27, v42;
	v46 =	vsel vm1, v28, v43  }
0xc2: {  	v19 =	vadd.s32 $0x40, v19;
	v47 =	vadd.s32 $0x40, v24;
	v15 =	vpop (erf);
	(xrf1) =	vsort.dscd.msk.f32 $0xffff, v14, v46  }
0xc3: {  	v17 =	vmov s11;
	v51 =	vand.u32 $0xFFFFFF80, v19;
	v19 =	vand.u32 $0x7F, v19;
	v50 =	vpop (erf)  }
0xc4: {  	v21 =	vand.u32 $0x7F, v47;
	v53, _, _ =	vpop (xrf0);
	v56 =	vbroadcast v45, $0xF;
	v59 =	vadd.s32 $0x40, v31  }
0xc5: {  	v55, _, _ =	vpop (xrf0);
	v24 =	vnsel vm0, $0x0, v50;
	v61 =	vand.u32 $0xFFFFFF80, v59;
	v29 =	vand.u32 $0x7F, v59  }
0xc6: {  	(erf) = vrcp.f32 v56;
	v62 =	vshll.u32 v17, $0x7;
	v26 =	vbroadcast v55, $0xF;
	v57, v58, _ =	vpop (xrf1)  }
0xc7: {  	v48 =	vand.u32 $0xFFFFFF80, v47;
	v54 =	vbroadcast v53, $0xF;
	v16, _, _ =	vpop (xrf2);
	v27 =	vperm.xlane v57, v4  }
0xc8: {  	s28 =	sadd.s32 $0x1, s12;
	(xrf2) =	vadd.scan.msk.f32 $0xffff, v24;
	v28 =	vperm.xlane v58, v4;
	v26 =	vsub.f32 v34, v26;
	v13 =	vmov s12;
	v60, v30, _ =	vpop (xrf1)  }
0xc9: {  	v43 =	vadd.s32 $0x40, v35;
	v18, _, _ =	vpop (xrf2);
	v49 =	vshll.u32 v13, $0x7;
	v14 =	vmov s28;
	(xrf0) =	vmax.scan.msk.f32 $0xffff, v60  }
0xca: {  	v23 =	vsub.f32 v23, v54;
	v22 =	vadd.s32 v49, v48;
	v52 =	vshll.u32 v14, $0x7;
	v63, _, _ =	vpop (xrf2)  }
0xcb: {  	v46 =	vand.u32 $0xFFFFFF80, v43;
	v21 =	vor.u32 v21, v22;
	v22 =	vadd.s32 v52, v51;
	v33, v36, _ =	vpop (xrf1)  }
0xcc: {  	v26 =	vmul.f32 $1.442695020e+00, v26;
	v23 =	vmul.f32 $1.442695020e+00, v23;
	v22 =	vor.u32 v19, v22;
	v41, v40, _ =	vpop (xrf1)  }
0xcd: {  	v19 =	vadd.s32 v62, v61;
	v42 =	vbroadcast v63, $0xF;
	vm1 =	vge.f32 v41, v27  }
0xce: {  	(erf) = vpow2.f32 v23;
	v44, v45, _ =	vpop (xrf1);
	v27 =	vsel vm1, v41, v27;
	v28 =	vsel vm1, v40, v28  }
0xcf: {  	s29 =	sadd.s32 $0x1, s11;
	v29 =	vor.u32 v29, v19;
	(erf) = vrcp.f32 v42;
	v48 =	vperm.xlane v44, v4;
	(xrf1) =	vsort.dscd.msk.f32 $0xffff, v27, v28;
	v47, _, _ =	vpop (xrf0)  }
0xd0: {  	v19 =	vmov s29;
	v49, v50, _ =	vpop (xrf1);
	v23 =	vperm.xlane v45, v4;
	v28 =	vbroadcast v47, $0xF  }
0xd1: {  	v51 =	vshll.u32 v19, $0x7;
	v21 =	vld.idx.msk [tilespmem:v21+s2+$0x0], $0xffff;
	(erf) = vpow2.f32 v26;
	vm1 =	vge.f32 v49, v48  }
0xd2: {  	v22 =	vld.idx.msk [tilespmem:v22+s2+$0x0], $0xffff;
	v52, _, _ =	vpop (xrf2);
	v53 =	vsel vm1, v49, v48;
	v23 =	vsel vm1, v50, v23;
	v25 =	vsub.f32 v60, v28  }
0xd3: {  	v31 =	vand.u32 $0x7F, v43;
	v26 =	vbroadcast v52, $0xF;
	v27 =	vadd.s32 v51, v46;
	(xrf1) =	vsort.dscd.msk.f32 $0xffff, v53, v23  }
0xd4: {  	v54 =	vor.u32 v31, v27;
	v25 =	vmul.f32 $1.442695020e+00, v25  }
0xd5: {  	(erf) = vrcp.f32 v26  }
0xd6: {  	v20 =	vmul.f32 v20, v21;
	(erf) = vpow2.f32 v25  }
0xd7: {  	v55 =	vmul.f32 v24, v22  }
0xd8: {  	v56 =	vld.idx.msk [tilespmem:v29+s2+$0x0], $0xffff;
	v22 =	vpop (erf);
	(xrf2) =	vadd.scan.msk.f32 $0xffff, v20  }
0xd9: {  	v57 =	vpop (erf);
	(xrf2) =	vadd.scan.msk.f32 $0xffff, v55;
	v58 =	vld.idx.msk [tilespmem:v54+s2+$0x0], $0xffff  }
0xda: {  	(xrf0) =	vmax.scan.msk.f32 $0xffff, v33;
	v24 =	vnsel vm0, $0x0, v57;
	v23 =	vpop (erf)  }
0xdb: {  	(xrf2) =	vadd.scan.msk.f32 $0xffff, v24;
	v59 =	vpop (erf)  }
0xdc: {  	v25 =	vnsel vm0, $0x0, v59  }
0xdd: {  	v20 =	vmul.f32 v24, v56;
	(xrf2) =	vadd.scan.msk.f32 $0xffff, v25;
	v61, v60, _ =	vpop (xrf1)  }
0xde: {  	v24 =	vpop (erf);
	v21 =	vmul.f32 v25, v58;
	(xrf0) =	vmax.scan.msk.f32 $0xffff, v61  }
0xdf: {  	(xrf2) =	vadd.scan.msk.f32 $0xffff, v20;
	v62 =	vpop (erf)  }
0xe0: {  	v43, _, _ =	vpop (xrf0);
	(xrf2) =	vadd.scan.msk.f32 $0xffff, v21;
	v20 =	vnsel vm0, $0x0, v62  }
0xe1: {  	v63, v25, _ =	vpop (xrf1);
	(xrf2) =	vadd.scan.msk.f32 $0xffff, v20  }
0xe2: {  	s30 =	sadd.s32 $0x1, s10;
	v32, _, _ =	vpop (xrf2);
	(xrf0) =	vmax.scan.msk.f32 $0xffff, v63  }
0xe3: {  	v38 =	vmov s30;
	v30 =	vadd.s32 $0x40, v30;
	v37, _, _ =	vpop (xrf2)  }
0xe4: {  	v39 =	vshll.u32 v38, $0x7;
	v45 =	vand.u32 $0xFFFFFF80, v30;
	v44, _, _ =	vpop (xrf0)  }
0xe5: {  	v30 =	vand.u32 $0x7F, v30;
	v28 =	vbroadcast v43, $0xF;
	v49, _, _ =	vpop (xrf2);
	v29 =	vbroadcast v44, $0xF  }
0xe6: {  	v31 =	vmov s10;
	v47 =	vadd.s32 $0x40, v36;
	v36 =	vbroadcast v49, $0xF  }
0xe7: {  	v46 =	vshll.u32 v31, $0x7;
	v35 =	vand.u32 $0xFFFFFF80, v47;
	v28 =	vsub.f32 v33, v28;
	v50, _, _ =	vpop (xrf2)  }
0xe8: {  	v48 =	vand.u32 $0x7F, v47;
	v34 =	vadd.s32 v46, v45;
	v35 =	vadd.s32 v39, v35;
	v40, _, _ =	vpop (xrf0)  }
0xe9: {  	v28 =	vmul.f32 $1.442695020e+00, v28;
	v26 =	vsub.f32 v61, v29;
	v40 =	vbroadcast v40, $0xF;
	v29, _, _ =	vpop (xrf2)  }
0xea: {  	v30 =	vor.u32 v30, v34;
	(erf) = vrcp.f32 v36;
	v33 =	vbroadcast v50, $0xF;
	v36, _, _ =	vpop (xrf2)  }
0xeb: {  	(erf) = vpow2.f32 v28;
	v26 =	vmul.f32 $1.442695020e+00, v26;
	v21 =	vsub.f32 v63, v40;
	v51, _, _ =	vpop (xrf2)  }
0xec: {  	v34 =	vor.u32 v48, v35;
	(erf) = vrcp.f32 v33;
	v28 =	vbroadcast v51, $0xF  }
0xed: {  	(erf) = vpow2.f32 v26;
	v21 =	vmul.f32 $1.442695020e+00, v21  }
0xee: {  	(erf) = vrcp.f32 v28  }
0xef: {  	v52 =	vld.idx.msk [tilespmem:v30+s2+$0x0], $0xffff;
	(erf) = vpow2.f32 v21;
	_ =	sdelay $0x1  }
0xf0: {  	v53 =	vld.idx.msk [tilespmem:v34+s2+$0x0], $0xffff  }
0xf1: {  	s31 =	sadd.s32 $0x1, s9;
	v27 =	vadd.s32 $0x40, v60;
	v28 =	vmov s9  }
0xf2: {  	v35 =	vmov s31;
	v54 =	vand.u32 $0xFFFFFF80, v27;
	v30 =	vpop (erf);
	v55 =	vshll.u32 v28, $0x7  }
0xf3: {  	v57 =	vand.u32 $0x7F, v27;
	v20 =	vmul.f32 v20, v52;
	v56 =	vpop (erf);
	v58 =	vadd.s32 v55, v54  }
0xf4: {  	v25 =	vadd.s32 $0x40, v25;
	v60 =	vnsel vm0, $0x0, v56;
	v59 =	vpop (erf);
	v26 =	vor.u32 v57, v58  }
0xf5: {  	v62 =	vshll.u32 v35, $0x7;
	v61 =	vand.u32 $0xFFFFFF80, v25;
	(xrf2) =	vadd.scan.msk.f32 $0xffff, v60;
	v21 =	vmul.f32 v60, v53;
	v63 =	vpop (erf)  }
0xf6: {  	v25 =	vand.u32 $0x7F, v25;
	v42 =	vadd.s32 v62, v61;
	(xrf2) =	vadd.scan.msk.f32 $0xffff, v20;
	v43 =	vpop (erf)  }
0xf7: {  	v20 =	vor.u32 v25, v42;
	(xrf2) =	vadd.scan.msk.f32 $0xffff, v21;
	v44 =	vnsel vm0, $0x0, v63;
	v45 =	vpop (erf)  }
0xf8: {  	(xrf2) =	vadd.scan.msk.f32 $0xffff, v44;
	v25 =	vnsel vm0, $0x0, v45  }
0xf9: {  	v26 =	vld.idx.msk [tilespmem:v26+s2+$0x0], $0xffff;
	(xrf2) =	vadd.scan.msk.f32 $0xffff, v25;
	_ =	sdelay $0x2  }
0xfa: {  	v20 =	vld.idx.msk [tilespmem:v20+s2+$0x0], $0xffff;
	_ =	sdelay $0x1  }
0xfb: {  	v21 =	vmul.f32 v44, v26  }
0xfc: {  	v46, _, _ =	vpop (xrf2)  }
0xfd: {  	v11 =	vbroadcast v11, $0xF;
	v9 =	vmul.f32 v10, v9;
	v47, _, _ =	vpop (xrf2);
	(xrf2) =	vadd.scan.msk.f32 $0xffff, v21  }
0xfe: {  	v48 =	vbroadcast v46, $0xF;
	v20 =	vmul.f32 v25, v20;
	v49, _, _ =	vpop (xrf2)  }
0xff: {  	v11 =	vmul.f32 v12, v11;
	v16 =	vbroadcast v16, $0xF;
	v50, _, _ =	vpop (xrf2)  }
0x100: {  	(erf) = vrcp.f32 v48;
	(xrf2) =	vadd.scan.msk.f32 $0xffff, v20;
	v51 =	vbroadcast v50, $0xF;
	v52, _, _ =	vpop (xrf2)  }
0x101: {  	[tilespmem:v7+s7+$0x0] =	vst.idx.msk $0x1, v9;
	v7 =	vmul.f32 v15, v16;
	v53 =	vbroadcast v52, $0xF  }
0x102: {  	v55 =	vbroadcast v32, $0xF;
	(erf) = vrcp.f32 v51  }
0x103: {  	v54 =	vbroadcast v18, $0xF;
	(erf) = vrcp.f32 v53  }
0x104: {  	[tilespmem:v5+s7+$0x0] =	vst.idx.msk $0x1, v7;
	v7 =	vbroadcast v29, $0xF;
	v5 =	vmul.f32 v23, v55  }
0x105: {  	[tilespmem:v6+s7+$0x0] =	vst.idx.msk $0x1, v11;
	v56 =	vbroadcast v37, $0xF;
	v6 =	vmul.f32 v22, v54  }
0x106: {  	[tilespmem:v13+s7+$0x0] =	vst.idx.msk $0x1, v5;
	v5 =	vmul.f32 v30, v7;
	v7 =	vbroadcast v47, $0xF  }
0x107: {  	v57 =	vbroadcast v36, $0xF;
	[tilespmem:v8+s7+$0x0] =	vst.idx.msk $0x1, v6;
	v6 =	vmul.f32 v24, v56;
	v60, _, _ =	vpop (xrf2)  }
0x108: {  	[tilespmem:v17+s7+$0x0] =	vst.idx.msk $0x1, v5;
	v5 =	vmul.f32 v43, v7;
	v7 =	vbroadcast v60, $0xF  }
0x109: {  	[tilespmem:v14+s7+$0x0] =	vst.idx.msk $0x1, v6;
	v6 =	vmul.f32 v59, v57;
	v59 =	vbroadcast v49, $0xF;
	v58 =	vpop (erf)  }
0x10a: {  	v61, _, _ =	vpop (xrf2)  }
0x10b: {  	[tilespmem:v19+s7+$0x0] =	vst.idx.msk $0x1, v6;
	v6 =	vmul.f32 v58, v59;
	v63 =	vbroadcast v61, $0xF;
	v62 =	vpop (erf)  }
0x10c: {  	[tilespmem:v31+s7+$0x0] =	vst.idx.msk $0x1, v5;
	v5 =	vmul.f32 v62, v7;
	v7 =	vpop (erf)  }
0x10d: {  	s8 =	sadd.s32 $0x1, s8;
	[tilespmem:v38+s7+$0x0] =	vst.idx.msk $0x1, v6;
	v6 =	vmul.f32 v7, v63  }
0x10e: {  	p0 =	sne.s32 s8, s5;
	[tilespmem:v28+s7+$0x0] =	vst.idx.msk $0x1, v5  }
.Ltmp1:
0x10f: {  	[tilespmem:v35+s7+$0x0] =	vst.idx.msk $0x1, v6;
	(pc) =	sbr.rel @p0 .LBB2_1-.Ltmp1, $4  }
0x110: {  	[hbm4b:s4+s2] =	stream.linear.scatter [tilespmem:s7], [sflag:$0x1], $0x100, $0x38;
	[tilespmem:$0x8100] =	vst v63  }
0x111: {  	_ =	swait.ge [sflag:s6], $0x100  }
0x112: {  	[sflag:s6] =	ssyncset.done $0x0  }
0x113: {  	[sflag:s6] =	ssyncadd.s32 $0xFFFFFF00  }
0x114: {  	_ =	sfence.sel $0x180000  }
0x115: {  	[bflag:$0x0] =	sbarrier.arrive $0xFFFF  }
0x116: {  	p0 =	sne.s32 s1, $0x0;
	_ =	strace $0x9000004A  }
0x117: {  	s0 =	sadd.s32 @!p0 $0x100000, s0;
	[bflag:$0x2] =	sbarrier.arrive $0xFFFF  }
0x118: {  	[sflag:s0] =	ssyncadd.tile.s32 @!p0 $0x1;
	_ =	shalt  }
.Lfunc_end2:
_tile_overlayer_lowered:
.L_overlay_start_2:
0x119: {  	(tag) =	ssettag $0x2  }
0x11a: {  	s0 =	rddreg [dreg:$0x0];
	s2 =	stileid.u32  }
0x11b: {  	s1 =	rddreg [dreg:$0x1];
	p0 =	sne.s32 s2, $0x0  }
0x11c: {  	s3 =	rddreg [dreg:$0x2];
	[bflag:$0x3] =	sbarrier.arrive $0xFFFF;
	s2 =	simm.s32 @!p0 $0x1C01  }
0x11d: {  	[timem:s3], [sflag:s2] =	dma.local @!p0 [hbm:s0], s1  }
0x11e: {  	s0 =	simm.s32 @!p0 $0x1  }
0x11f: {  	_ =	swait.ge @!p0 [sflag:s0], s1  }
0x120: {  	s1 =	ssub.s32 @!p0 $0x0, s1;
	[sflag:s0] =	ssyncset.done @!p0 $0x0  }
0x121: {  	[sflag:s0] =	ssyncadd.s32 @!p0 s1  }
0x122: {  	[bflag:$0x3] =	sbarrier.arrive $0xFFFF  }
0x123: {  	_ =	shalt  }

// kernel: kernel.19.cloned.1.call-start
scs
__scs_entry_jumppad:
0x0: {  	(pc) =	sbr.rel $0x88, $3  }
0x1: {  	(tag) =	ssettag $0x0;
	lr =	simm.s32 $0x1  }
0x2: {  	[smem:$0x3F9D] =	sst lr;
	_ =	strace $0xD0000000  }
0x3: {  	_ = 	snop  }
0x4: {  	_ = 	snop  }
0x5: {  	_ = 	snop  }
0x6: {  	_ = 	snop  }
0x7: {  	_ = 	snop  }
__scs_overlays_trampoline_lowered:
0x8: {  	[smem:$0x3FAC] =	sst s0  }
0x9: {  	[smem:$0x3FAD] =	sst s1  }
0xa: {  	[smem:$0x3FAE] =	sst s2  }
0xb: {  	[smem:$0x3FAF] =	sst s3  }
0xc: {  	[smem:$0x3FB0] =	sst s4  }
0xd: {  	[smem:$0x3FB1] =	sst s5  }
0xe: {  	[smem:$0x3FB2] =	sst s6  }
0xf: {  	[smem:$0x3FB3] =	sst s7  }
0x10: {  	[smem:$0x3FB4] =	sst s8  }
0x11: {  	[smem:$0x3FB5] =	sst s9;
	s0 =	simm.s32 @!p0 $0x0  }
0x12: {  	s1 =	sld [smem:$0x3F9B];
	s0 =	simm.s32 @p0 $0x1  }
0x13: {  	[smem:$0x3FB6] =	sst s0;
	s0 =	simm.s32 @!p1 $0x0  }
0x14: {  	s2 =	sld [smem:$0x3F9A];
	s0 =	simm.s32 @p1 $0x1  }
0x15: {  	[smem:$0x3FB7] =	sst s0;
	s0 =	simm.s32 @!p2 $0x0  }
0x16: {  	s3 =	sld [smem:$0x3FDB];
	s0 =	simm.s32 @p2 $0x1  }
0x17: {  	s4 =	simm.s32 $0x1BF5;
	[smem:$0x3FB9] =	sst s0  }
0x18: {  	s0 =	sld [smem:$0x3F9C];
	_ =	swait.ge [sflag:s4], $0x0  }
0x19: {  	s7 =	sld [smem:$0x3F9D]  }
0x1a: {  	s8 =	sadd.s32 $0xFFFFE003, lr  }
0x1b: {  	s9 =	sadd.s32 $0xFFFFFEF7, lr;
	s5 =	simm.s32 $0xFFFFFFFF;
	p2 =	slt.u32 s8, $0xFFFFF086  }
0x1c: {  	p1 =	slt.u32 s9, $0xF7A;
	s5 =	simm.s32 @!p2 $0x0  }
0x1d: {  	s5 =	simm.s32 @p1 $0x1;
	p0 =	seq.s32 s7, s2  }
0x1e: {  	s7 =	smul.u32 @!p0 $0xF7A, s2;
	p2 =	seq.s32 @!p0 s5, $0x0  }
0x1f: {  	s9 =	smul.u32 $0xF7A, s1;
	s8 =	simm.s32 @!p0 $0x1BF5;
	p2 =	por !p2, p0  }
0x20: {  	[sflag:s8] =	ssyncset.s32 @!p0 $0xFFFFF086;
	s6 =	sadd.s32 @!p0 s3, s7;
	s7 =	simm.s32 @!p0 $0x108  }
0x21: {  	s3 =	sadd.s32 s3, s9;
	s6 =	sadd.s32 @!p0 $0x88, s6;
	s7 =	simm.s32 @p2 $0x1082  }
0x22: {  	[simem:s7], [sflag:s8] =	dma.local @!p0 [hbm:s6], $0xF7A  }
0x23: {  	s9 =	sor.u32 $0xD0000000, s2;
	s6 =	simm.s32 $0x108;
	_ =	swait.ge @!p0 [sflag:s8], $0x0  }
0x24: {  	s3 =	sadd.s32 $0x88, s3;
	s6 =	simm.s32 @!p1 $0x1082;
	[sflag:s4] =	ssyncset.s32 $0xFFFFF086  }
0x25: {  	[simem:s6], [sflag:s4] =	dma.local [hbm:s3], $0xF7A  }
0x26: {  	[smem:$0x3F9D] =	sst s1;
	(tag) =	ssettag s2;
	_ =	strace s9  }
0x27: {  	s1 =	sld [smem:$0x3FAD]  }
0x28: {  	s2 =	sld [smem:$0x3FAE]  }
0x29: {  	s4 =	sld [smem:$0x3FB0]  }
0x2a: {  	p0 =	seq.s32 s5, $0x0;
	s5 =	sld [smem:$0x3FB1]  }
0x2b: {  	s6 =	sld [smem:$0x3FB2]  }
0x2c: {  	s7 =	sld [smem:$0x3FB3]  }
0x2d: {  	s3 =	simm.s32 $0x108;
	s8 =	sld [smem:$0x3FB4]  }
0x2e: {  	s3 =	simm.s32 @!p0 $0x1082;
	s9 =	sld [smem:$0x3FB5]  }
0x2f: {  	lr =	sadd.s32 s0, s3;
	s0 =	sld [smem:$0x3FAC]  }
0x30: {  	s3 =	sld [smem:$0x3FAF]  }
0x31: {  	[smem:$0x3FB8] =	sst s10  }
0x32: {  	s10 =	sld [smem:$0x3FB6];
	_ =	sdelay $0x3  }
0x33: {  	p0 =	seq.s32 s10, $0x1;
	s10 =	sld [smem:$0x3FB8];
	_ =	sdelay $0x3  }
0x34: {  	[smem:$0x3FB8] =	sst s10  }
0x35: {  	s10 =	sld [smem:$0x3FB7];
	_ =	sdelay $0x3  }
0x36: {  	p1 =	seq.s32 s10, $0x1;
	s10 =	sld [smem:$0x3FB8];
	_ =	sdelay $0x3  }
0x37: {  	[smem:$0x3FB8] =	sst s10  }
0x38: {  	s10 =	sld [smem:$0x3FB9]  }
0x39: {  	_ = 	snop;
	(pc) =	sbr.ind lr, $3  }
0x3a: {  	_ = 	snop  }
0x3b: {  	_ = 	snop  }
0x3c: {  	p2 =	seq.s32 s10, $0x1;
	s10 =	sld [smem:$0x3FB8]  }
0x3d: {  	_ =	shalt  }
0x3e: {  	_ =	shalt  }
0x3f: {  	_ =	shalt  }
0x40: {  	_ =	shalt  }
0x41: {  	_ =	shalt  }
0x42: {  	_ =	shalt  }
0x43: {  	_ =	shalt  }
0x44: {  	_ =	shalt  }
0x45: {  	_ =	shalt  }
0x46: {  	_ =	shalt  }
0x47: {  	_ =	shalt  }
0x48: {  	_ =	shalt  }
0x49: {  	_ =	shalt  }
0x4a: {  	_ =	shalt  }
0x4b: {  	_ =	shalt  }
0x4c: {  	_ =	shalt  }
0x4d: {  	_ =	shalt  }
0x4e: {  	_ =	shalt  }
0x4f: {  	_ =	shalt  }
0x50: {  	_ =	shalt  }
0x51: {  	_ =	shalt  }
0x52: {  	_ =	shalt  }
0x53: {  	_ =	shalt  }
0x54: {  	_ =	shalt  }
0x55: {  	_ =	shalt  }
0x56: {  	_ =	shalt  }
0x57: {  	_ =	shalt  }
0x58: {  	_ =	shalt  }
0x59: {  	_ =	shalt  }
0x5a: {  	_ =	shalt  }
0x5b: {  	_ =	shalt  }
0x5c: {  	_ =	shalt  }
0x5d: {  	_ =	shalt  }
0x5e: {  	_ =	shalt  }
0x5f: {  	_ =	shalt  }
0x60: {  	_ =	shalt  }
0x61: {  	_ =	shalt  }
0x62: {  	_ =	shalt  }
0x63: {  	_ =	shalt  }
0x64: {  	_ =	shalt  }
0x65: {  	_ =	shalt  }
0x66: {  	_ =	shalt  }
0x67: {  	_ =	shalt  }
0x68: {  	_ =	shalt  }
0x69: {  	_ =	shalt  }
0x6a: {  	_ =	shalt  }
0x6b: {  	_ =	shalt  }
0x6c: {  	_ =	shalt  }
0x6d: {  	_ =	shalt  }
0x6e: {  	_ =	shalt  }
0x6f: {  	_ =	shalt  }
0x70: {  	_ =	shalt  }
0x71: {  	_ =	shalt  }
0x72: {  	_ =	shalt  }
0x73: {  	_ =	shalt  }
0x74: {  	_ =	shalt  }
0x75: {  	_ =	shalt  }
0x76: {  	_ =	shalt  }
0x77: {  	_ =	shalt  }
0x78: {  	_ =	shalt  }
0x79: {  	_ =	shalt  }
0x7a: {  	_ =	shalt  }
0x7b: {  	_ =	shalt  }
0x7c: {  	_ =	shalt  }
0x7d: {  	_ =	shalt  }
0x7e: {  	_ =	shalt  }
0x7f: {  	_ =	shalt  }
0x80: {  	_ =	shalt  }
0x81: {  	_ =	shalt  }
0x82: {  	_ =	shalt  }
0x83: {  	_ =	shalt  }
0x84: {  	_ =	shalt  }
0x85: {  	_ =	shalt  }
0x86: {  	_ =	shalt  }
0x87: {  	_ =	shalt  }
.Lfunc_end0:
.L_simem_size_0:
called_computation.3_lowered:
.L_overlay_start_0:
0x88: {  	s2 =	sld [smem:$0x3FD9]  }
0x89: {  	s3 =	sld [smem:$0x3FFE];
	_ =	sdelay $0x1  }
0x8a: {  	s1 =	srdreg.scid  }
0x8b: {  	s0 =	sand.u32 $0x1, s1  }
0x8c: {  	s16 =	sshll.u32 s0, $0xA;
	s2 =	sadd.s32 s3, s2  }
0x8d: {  	s2 =	sadd.s32 s2, s16  }
0x8e: {  	[smem:$0x3FC4] =	sst s2  }
0x8f: {  	_ = 	snop  }
0x90: {  	(tm) =	ssettm $0x1  }
0x91: {  	s17 =	sld [smem:$0x3FFB];
	_ =	sdelay $0x3  }
0x92: {  	_ =	strace s17  }
0x93: {  	s2 =	sld [smem:$0x3FFC];
	_ =	sdelay $0x3  }
0x94: {  	_ =	strace s2  }
0x95: {  	s2 =	sld [smem:$0x3FFD];
	_ =	sdelay $0x3  }
0x96: {  	_ =	strace s2  }
0x97: {  	_ =	strace $0x8FFFFFFF  }
0x98: {  	s18 =	sld [smem:$0x3FDB];
	_ =	sdelay $0x1  }
0x99: {  	s19 =	simm.s32 $_scs_section_size  }
0x9a: {  	s4 =	simm.s32 $_size__tile_overlayer_lowered;
	s5 =	simm.s32 $_tile_overlayer_lowered  }
0x9b: {  	s22 =	simm.s32 $0x1BFF;
	s21 =	sshll.u32 s5, $0x1;
	s2 =	sadd.s32 s19, s18  }
0x9c: {  	s6 =	simm.s32 $0x0;
	s20 =	sshll.u32 s4, $0x1;
	s4 =	sadd.s32 s21, s2  }
0x9d: {  	[timem:s6], [sflag:s22] =	dma.local [hbm:s4], s20  }
0x9e: {  	_ =	swait.ge [sflag:s22], s20  }
0x9f: {  	s3 =	ssub.s32 $0x0, s20;
	[sflag:s22] =	ssyncset.done $0x0  }
0xa0: {  	[sflag:s22] =	ssyncadd.s32 s3;
	_ =	sdelay $0x1  }
0xa1: {  	s23 =	simm.s32 $0x1B8B  }
0xa2: {  	_ =	swait.ge [sflag:s23], $0x1  }
0xa3: {  	[sflag:s23] =	ssyncset.done $0x0  }
0xa4: {  	s25 =	simm.s32 $0x1B8E;
	s24 =	sld [smem:$0x3FFE];
	[sflag:s23] =	ssyncadd.s32 $0xFFFFFFFF  }
0xa5: {  	s26 =	simm.s32 $execute0_lowered;
	[smem:$0x3FD2] =	sst s25  }
0xa6: {  	s4 =	sshll.u32 s26, $0x1;
	_ =	strace $0x80000046;
	[dreg:$0x1] =	wrdreg $0xFFFFFFFF  }
0xa7: {  	s28 =	simm.s32 $_size_execute0_lowered;
	s2 =	sadd.s32 s2, s4;
	[dreg:$0x0] =	wrdreg $0x0  }
0xa8: {  	s4 =	sshll.u32 s28, $0x1;
	[dreg:$0x2] =	wrdreg s2  }
0xa9: {  	[dreg:$0x3] =	wrdreg s4  }
0xaa: {  	[dreg:$0x4] =	wrdreg $0xC0  }
0xab: {  	_ =	task [dreg:s6], $0x5FFFF  }
0xac: {  	[dreg:$0x1] =	wrdreg $0xFFFFFFFF  }
0xad: {  	[dreg:$0x0] =	wrdreg $0x60  }
0xae: {  	[dreg:$0x2] =	wrdreg s24  }
0xaf: {  	[dreg:$0x3] =	wrdreg $0xC  }
0xb0: {  	_ =	task.clear_ibuf [dreg:s6], $0x4FFFF;
	_ =	strace $0x90000046  }
0xb1: {  	s29 =	simm.s32 $0xC;
	_ =	strace $0x80000048  }
0xb2: {  	_ =	swait.ge [sflag:s29], $0x1  }
0xb3: {  	[sflag:s29] =	ssyncadd.s32 $0xFFFFFFFF  }
0xb4: {  	_ =	strace $0x90000048  }
0xb5: {  	_ =	sfence  }
0xb6: {  	s30 =	sld [smem:$0x0];
	_ =	sdelay $0x2  }
0xb7: {  	s31 =	sshll.u32 s1, $0xD;
	s1 =	sshrl.u32 s1, $0x2  }
0xb8: {  	s3 =	sand.u32 $0x4000, s31;
	s1 =	sadd.s32 s1, s30  }
0xb9: {  	s0 =	sor.u32 s3, s0;
	s1 =	sshll.u32 s1, $0x11  }
0xba: {  	s0 =	sor.u32 s1, s0  }
0xbb: {  	s0 =	sadd.s32 $0x8F2B, s0  }
0xbc: {  	[sflag:s0] =	ssyncadd.remote.s32 $0x1  }
0xbd: {  	_ =	sfence.sel $0xFFFF  }
0xbe: {  	[dreg:$0x0] =	wrdreg $0xFFFFFFFF;
	(pc) =	sbr.abs _section_cstart, $3  }
0xbf: {  	[dreg:$0x1] =	wrdreg $0xFFFFFFFF  }
0xc0: {  	_ =	task.clear_ibuf [dreg:s6], $0x2FFFF;
	_ =	strace $0x9FFFFFFF  }
0xc1: {  	(tm) =	ssettm $0x7FFFFFFF  }
tec
execute0_lowered:
.L_overlay_start_1:
0x0: {  	(tag) =	ssettag $0x1  }
0x1: {  	s3 =	rddreg [dreg:$0x0]  }
0x2: {  	s0 =	rddreg [dreg:$0x1];
	s4 =	srdreg.scid  }
0x3: {  	s2 =	simm.s32 $0x0;
	s1 =	stileid.u32;
	s4 =	sand.u32 $0x1, s4  }
0x4: {  	[smem:$0x7FF] =	sst s2;
	s5 =	sshll.u32 s1, $0x9;
	s6 =	sshll.u32 s4, $0x8  }
0x5: {  	s8 =	simm.s32 $0x0;
	_ =	strace $0x80000047;
	s5 =	sor.u32 s6, s5  }
0x6: {  	v0 =	vlaneseq.u32;
	s4 =	ssub.s32 $0x2, s4;
	s6 =	sshll.u32 s5, $0x4;
	s5 =	sshrl.u32 s5, $0x3  }
0x7: {  	v4 =	vmul.u32 $0xFFFFFFFF, v0;
	s7 =	sshrl.u32 s4, $0x1;
	s6 =	sadd.s32 s6, s3;
	s5 =	sadd.s32 s5, s3  }
0x8: {  	vm0 =	vmmov $0xff;
	v1 =	vor.u32 $0x10, v0;
	s7 =	ssub.s32 s4, s7;
	s3 =	sadd.s32 $0x1A00, s6;
	s4 =	sadd.s32 $0x21A00, s5  }
0x9: {  	v2 =	vor.u32 $0x20, v0;
	v3 =	vor.u32 $0x30, v0;
	v4 =	vadd.s32 $0xF, v4;
	s5 =	smax.u32 s7, $0x1;
	s6 =	simm.s32 $0x1;
	s7 =	simm.s32 $0x8000  }
.LBB2_1:
0xa: {  	[tilespmem:s2], [sflag:$0x1] =	stream.linear.gather [hbm4b:s3+s2], $0x8000, $0x38;
	[tilespmem:$0x8100] =	vst v63  }
0xb: {  	_ =	swait.ge [sflag:s6], $0x8000  }
0xc: {  	[sflag:s6] =	ssyncset.done $0x0  }
0xd: {  	s9 =	simm.s32 $0x80;
	[sflag:s6] =	ssyncadd.s32 $0xFFFF8000  }
0xe: {  	v5 =	vld [tilespmem:s9+$0x10]  }
0xf: {  	v6 =	vld [tilespmem:s9+$0xFFFFFFB0]  }
0x10: {  	v7 =	vld [tilespmem:s9+$0x0]  }
0x11: {  	v8 =	vld [tilespmem:s9+$0x30]  }
0x12: {  	v9 =	vld [tilespmem:s9+$0xFFFFFFA0]  }
0x13: {  	v10 =	vld [tilespmem:s9+$0x20];
	(xrf1) =	vsort.dscd.msk.f32 $0xffff, v5, v1  }
0x14: {  	v5 =	vld [tilespmem:s9+$0xFFFFFF90];
	(xrf1) =	vsort.dscd.msk.f32 $0xffff, v6, v3  }
0x15: {  	(xrf1) =	vsort.dscd.msk.f32 $0xffff, v7, v0  }
0x16: {  	v6 =	vld [tilespmem:s9+$0xFFFFFF80];
	(xrf1) =	vsort.dscd.msk.f32 $0xffff, v8, v3  }
0x17: {  	(xrf1) =	vsort.dscd.msk.f32 $0xffff, v9, v2  }
0x18: {  	(xrf1) =	vsort.dscd.msk.f32 $0xffff, v10, v2  }
0x19: {  	(xrf1) =	vsort.dscd.msk.f32 $0xffff, v5, v1;
	_ =	sdelay $0x1  }
0x1a: {  	(xrf1) =	vsort.dscd.msk.f32 $0xffff, v6, v0;
	_ =	sdelay $0x2  }
0x1b: {  	s25 =	simm.s32 $0x180  }
0x1c: {  	v5 =	vld [tilespmem:s25+$0x10]  }
0x1d: {  	v6 =	vld [tilespmem:s25+$0xFFFFFFB0]  }
0x1e: {  	v9 =	vld [tilespmem:s25+$0x0];
	v7, v8, _ =	vpop (xrf1)  }
0x1f: {  	v12 =	vld [tilespmem:s25+$0x30];
	v10, v11, _ =	vpop (xrf1)  }
0x20: {  	v15 =	vld [tilespmem:s25+$0xFFFFFFA0];
	v13, v14, _ =	vpop (xrf1)  }
0x21: {  	v18 =	vld [tilespmem:s25+$0x20];
	(xrf1) =	vsort.dscd.msk.f32 $0xffff, v5, v1;
	v16, v17, _ =	vpop (xrf1)  }
0x22: {  	(xrf1) =	vsort.dscd.msk.f32 $0xffff, v6, v3;
	v6 =	vperm.xlane v10, v4;
	v5, v19, _ =	vpop (xrf1)  }
0x23: {  	(xrf1) =	vsort.dscd.msk.f32 $0xffff, v9, v0;
	v10, v20, _ =	vpop (xrf1)  }
0x24: {  	v9 =	vperm.xlane v11, v4;
	(xrf1) =	vsort.dscd.msk.f32 $0xffff, v12, v3;
	vm1 =	vge.f32 v5, v6;
	v11, v12, _ =	vpop (xrf1)  }
0x25: {  	(xrf1) =	vsort.dscd.msk.f32 $0xffff, v15, v2;
	v5 =	vsel vm1, v5, v6;
	v6 =	vperm.xlane v11, v4  }
0x26: {  	(xrf1) =	vsort.dscd.msk.f32 $0xffff, v18, v2;
	v9 =	vsel vm1, v19, v9;
	v11 =	vld [tilespmem:s25+$0xFFFFFF90];
	v15, v18, _ =	vpop (xrf1);
	v12 =	vperm.xlane v12, v4  }
0x27: {  	(xrf1) =	vsort.dscd.msk.f32 $0xffff, v5, v9;
	v5 =	vperm.xlane v16, v4;
	vm1 =	vge.f32 v15, v6  }
0x28: {  	v6 =	vsel vm1, v15, v6;
	v9 =	vsel vm1, v18, v12;
	v15 =	vperm.xlane v17, v4  }
0x29: {  	v12 =	vld [tilespmem:s25+$0xFFFFFF80];
	vm1 =	vge.f32 v10, v5;
	(xrf1) =	vsort.dscd.msk.f32 $0xffff, v6, v9;
	v6 =	vperm.xlane v7, v4  }
0x2a: {  	v7 =	vperm.xlane v8, v4;
	v5 =	vsel vm1, v10, v5  }
0x2b: {  	v8 =	vsel vm1, v20, v15;
	(xrf1) =	vsort.dscd.msk.f32 $0xffff, v11, v1;
	vm1 =	vge.f32 v13, v6  }
0x2c: {  	(xrf1) =	vsort.dscd.msk.f32 $0xffff, v5, v8;
	v5 =	vsel vm1, v13, v6;
	v6 =	vsel vm1, v14, v7;
	_ =	sdelay $0x1  }
0x2d: {  	(xrf1) =	vsort.dscd.msk.f32 $0xffff, v12, v0  }
0x2e: {  	s26 =	simm.s32 $0x280;
	(xrf1) =	vsort.dscd.msk.f32 $0xffff, v5, v6  }
0x2f: {  	v7 =	vld [tilespmem:s26+$0x10];
	v5, v6, _ =	vpop (xrf1)  }
0x30: {  	v10 =	vld [tilespmem:s26+$0xFFFFFFB0];
	v8, v9, _ =	vpop (xrf1)  }
0x31: {  	v13 =	vld [tilespmem:s26+$0x0];
	v11, v12, _ =	vpop (xrf1)  }
0x32: {  	v16 =	vld [tilespmem:s26+$0x30];
	v14, v15, _ =	vpop (xrf1)  }
0x33: {  	v17, v18, _ =	vpop (xrf1)  }
0x34: {  	v19 =	vld [tilespmem:s26+$0xFFFFFFA0];
	(xrf1) =	vsort.dscd.msk.f32 $0xffff, v7, v1;
	v8 =	vperm.xlane v8, v4;
	v20, v21, _ =	vpop (xrf1)  }
0x35: {  	v22 =	vld [tilespmem:s26+$0x20];
	v9 =	vperm.xlane v9, v4;
	(xrf1) =	vsort.dscd.msk.f32 $0xffff, v10, v3;
	v7, v23, _ =	vpop (xrf1)  }
0x36: {  	(xrf1) =	vsort.dscd.msk.f32 $0xffff, v13, v0;
	vm1 =	vge.f32 v17, v8;
	v7 =	vperm.xlane v7, v4  }
0x37: {  	(xrf1) =	vsort.dscd.msk.f32 $0xffff, v16, v3;
	v9 =	vsel vm1, v18, v9;
	v10 =	vperm.xlane v23, v4;
	v13, v16, _ =	vpop (xrf1)  }
0x38: {  	v8 =	vsel vm1, v17, v8;
	vm2 =	vge.f32 v13, v7  }
0x39: {  	(xrf1) =	vsort.dscd.msk.f32 $0xffff, v19, v2;
	v19, v23, _ =	vpop (xrf1);
	v10 =	vsel vm2, v16, v10  }
0x3a: {  	(xrf1) =	vsort.dscd.msk.f32 $0xffff, v22, v2;
	v7 =	vsel vm2, v13, v7;
	v13, v16, _ =	vpop (xrf1)  }
0x3b: {  	(xrf1) =	vsort.dscd.msk.f32 $0xffff, v8, v9;
	v8, v9, _ =	vpop (xrf1);
	v13 =	vperm.xlane v13, v4  }
0x3c: {  	(xrf1) =	vsort.dscd.msk.f32 $0xffff, v7, v10;
	v7 =	vperm.xlane v19, v4;
	v16 =	vperm.xlane v16, v4;
	v10, v17, _ =	vpop (xrf1)  }
0x3d: {  	v18 =	vperm.xlane v23, v4;
	vm1 =	vge.f32 v10, v13  }
0x3e: {  	vm2 =	vge.f32 v8, v7;
	v10 =	vsel vm1, v10, v13;
	v13 =	vsel vm1, v17, v16  }
0x3f: {  	v19 =	vld [tilespmem:s26+$0xFFFFFF90];
	v7 =	vsel vm2, v8, v7;
	v8 =	vsel vm2, v9, v18;
	(xrf1) =	vsort.dscd.msk.f32 $0xffff, v10, v13  }
0x40: {  	(xrf1) =	vsort.dscd.msk.f32 $0xffff, v7, v8  }
0x41: {  	v7 =	vperm.xlane v14, v4;
	v8 =	vld [tilespmem:s26+$0xFFFFFF80]  }
0x42: {  	v9 =	vperm.xlane v15, v4  }
0x43: {  	v5 =	vperm.xlane v5, v4;
	vm1 =	vge.f32 v20, v7  }
0x44: {  	s28 =	simm.s32 $0x380;
	(xrf1) =	vsort.dscd.msk.f32 $0xffff, v19, v1;
	v10, v13, _ =	vpop (xrf1);
	v7 =	vsel vm1, v20, v7;
	v9 =	vsel vm1, v21, v9  }
0x45: {  	v6 =	vperm.xlane v6, v4;
	v16 =	vld [tilespmem:s28+$0x10];
	v14, v15, _ =	vpop (xrf1);
	(xrf1) =	vsort.dscd.msk.f32 $0xffff, v7, v9  }
0x46: {  	vm1 =	vge.f32 v11, v5;
	v17, v18, _ =	vpop (xrf1);
	(xrf1) =	vsort.dscd.msk.f32 $0xffff, v8, v0;
	v8 =	vld [tilespmem:s28+$0xFFFFFFB0]  }
0x47: {  	v5 =	vsel vm1, v11, v5;
	v6 =	vsel vm1, v12, v6;
	v19, v20, _ =	vpop (xrf1)  }
0x48: {  	v11 =	vld [tilespmem:s28+$0x0];
	(xrf1) =	vsort.dscd.msk.f32 $0xffff, v5, v6;
	v7, v9, _ =	vpop (xrf1)  }
0x49: {  	v5 =	vld [tilespmem:s28+$0x30];
	v12, v21, _ =	vpop (xrf1)  }
0x4a: {  	v24 =	vld [tilespmem:s28+$0xFFFFFFA0];
	(xrf1) =	vsort.dscd.msk.f32 $0xffff, v16, v1;
	v6, v22, _ =	vpop (xrf1)  }
0x4b: {  	v16, v23, _ =	vpop (xrf1);
	(xrf1) =	vsort.dscd.msk.f32 $0xffff, v8, v3  }
0x4c: {  	v25 =	vld [tilespmem:s28+$0x20];
	(xrf0) =	vmax.scan.msk.f32 $0xffff, v16  }
0x4d: {  	v6 =	vperm.xlane v6, v4;
	v8 =	vperm.xlane v14, v4;
	(xrf1) =	vsort.dscd.msk.f32 $0xffff, v11, v0;
	v11, v14, _ =	vpop (xrf1)  }
0x4e: {  	v22 =	vperm.xlane v22, v4;
	(xrf1) =	vsort.dscd.msk.f32 $0xffff, v5, v3;
	v5 =	vperm.xlane v15, v4;
	v15, v26, _ =	vpop (xrf1)  }
0x4f: {  	vm1 =	vge.f32 v7, v8;
	(xrf1) =	vsort.dscd.msk.f32 $0xffff, v24, v2;
	vm2 =	vge.f32 v15, v6  }
0x50: {  	v7 =	vsel vm1, v7, v8;
	(xrf0) =	vmax.scan.msk.f32 $0xffff, v11;
	v6 =	vsel vm2, v15, v6;
	v15 =	vsel vm2, v26, v22  }
0x51: {  	(xrf1) =	vsort.dscd.msk.f32 $0xffff, v25, v2;
	v5 =	vsel vm1, v9, v5  }
0x52: {  	v8, v9, _ =	vpop (xrf1);
	(xrf1) =	vsort.dscd.msk.f32 $0xffff, v7, v5;
	v5 =	vperm.xlane v10, v4  }
0x53: {  	v7, _, _ =	vpop (xrf0)  }
0x54: {  	(xrf1) =	vsort.dscd.msk.f32 $0xffff, v6, v15;
	v6 =	vperm.xlane v13, v4;
	vm1 =	vge.f32 v17, v5;
	v7 =	vbroadcast v7, $0xF;
	v13, v15, _ =	vpop (xrf1)  }
0x55: {  	v10 =	vperm.xlane v19, v4;
	v5 =	vsel vm1, v17, v5;
	v19, v22, _ =	vpop (xrf1);
	v13 =	vperm.xlane v13, v4  }
0x56: {  	v17 =	vperm.xlane v20, v4;
	v7 =	vsub.f32 v16, v7;
	v15 =	vperm.xlane v15, v4;
	v20, v24, _ =	vpop (xrf1)  }
0x57: {  	v8 =	vperm.xlane v8, v4;
	v9 =	vperm.xlane v9, v4;
	vm2 =	vge.f32 v20, v13  }
0x58: {  	v25, _, _ =	vpop (xrf0);
	v7 =	vmul.f32 $1.442695020e+00, v7;
	v13 =	vsel vm2, v20, v13;
	v15 =	vsel vm2, v24, v15  }
0x59: {  	v18 =	vsel vm1, v18, v6;
	vm2 =	vge.f32 v19, v8;
	(xrf1) =	vsort.dscd.msk.f32 $0xffff, v13, v15;
	v13 =	vbroadcast v25, $0xF  }
0x5a: {  	v16 =	vld [tilespmem:s28+$0xFFFFFF90];
	(erf) = vpow2.f32 v7;
	v7 =	vmov s2;
	v9 =	vsel vm2, v22, v9  }
0x5b: {  	v8 =	vsel vm2, v19, v8;
	vm2 =	vge.f32 v12, v10;
	v11 =	vsub.f32 v11, v13  }
0x5c: {  	v20 =	vld [tilespmem:s28+$0xFFFFFF80];
	v24 =	vshll.u32 v7, $0x7;
	v15, v19, _ =	vpop (xrf1);
	v13 =	vsel vm2, v21, v17;
	v21 =	vadd.s32 $0x40, v23  }
0x5d: {  	s29 =	simm.s32 $0x480;
	s10 =	simm.s32 $0x1;
	v10 =	vsel vm2, v12, v10;
	v12, v22, _ =	vpop (xrf1);
	(xrf1) =	vsort.dscd.msk.f32 $0xffff, v8, v9;
	v23 =	vand.u32 $0xFFFFFF80, v21;
	v11 =	vmul.f32 $1.442695020e+00, v11  }
0x5e: {  	v6 =	vmov s10;
	v17 =	vld [tilespmem:s29+$0x10];
	v21 =	vand.u32 $0x7F, v21;
	v8, v9, _ =	vpop (xrf1);
	v23 =	vadd.s32 v24, v23  }
0x5f: {  	(xrf1) =	vsort.dscd.msk.f32 $0xffff, v16, v1;
	v16, v25, _ =	vpop (xrf1);
	(erf) = vpow2.f32 v11;
	v11 =	vor.u32 v21, v23;
	v23 =	vshll.u32 v6, $0x7  }
0x60: {  	(xrf1) =	vsort.dscd.msk.f32 $0xffff, v10, v13;
	v10 =	vld [tilespmem:s29+$0xFFFFFFB0];
	v13 =	vadd.s32 $0x40, v14;
	v24, v26, _ =	vpop (xrf1)  }
0x61: {  	v14 =	vld [tilespmem:s29+$0x0];
	(xrf1) =	vsort.dscd.msk.f32 $0xffff, v20, v0;
	v21 =	vand.u32 $0xFFFFFF80, v13;
	v20, v27, _ =	vpop (xrf1)  }
0x62: {  	v28 =	vld [tilespmem:s29+$0x30];
	v15 =	vperm.xlane v15, v4;
	v13 =	vand.u32 $0x7F, v13;
	(xrf1) =	vsort.dscd.msk.f32 $0xffff, v5, v18;
	v21 =	vadd.s32 v23, v21;
	v5, v18, _ =	vpop (xrf1)  }
0x63: {  	v19 =	vperm.xlane v19, v4;
	(xrf1) =	vsort.dscd.msk.f32 $0xffff, v17, v1;
	v13 =	vor.u32 v13, v21;
	v21 =	vld [tilespmem:s29+$0xFFFFFFA0];
	v17, v23, _ =	vpop (xrf1)  }
0x64: {  	v12 =	vperm.xlane v12, v4;
	vm1 =	vge.f32 v8, v15;
	v16 =	vperm.xlane v16, v4;
	(xrf0) =	vmax.scan.msk.f32 $0xffff, v17  }
0x65: {  	v29 =	vsel vm1, v8, v15;
	v8 =	vperm.xlane v25, v4;
	(xrf1) =	vsort.dscd.msk.f32 $0xffff, v10, v3  }
0x66: {  	v9 =	vsel vm1, v9, v19;
	v15 =	vpop (erf);
	vm1 =	vge.f32 v20, v16;
	v10 =	vld [tilespmem:s29+$0x20];
	(xrf1) =	vsort.dscd.msk.f32 $0xffff, v14, v0  }
0x67: {  	v16 =	vsel vm1, v20, v16;
	v25 =	vsel vm1, v27, v8;
	v8 =	vld.idx.msk [tilespmem:v11+s2+$0x0], $0xffff;
	(xrf1) =	vsort.dscd.msk.f32 $0xffff, v28, v3  }
0x68: {  	vm1 =	vge.f32 v24, v12;
	v14 =	vnsel vm0, $0x0, v15;
	(xrf1) =	vsort.dscd.msk.f32 $0xffff, v21, v2;
	v21 =	vperm.xlane v22, v4;
	v19, v15, _ =	vpop (xrf1)  }
0x69: {  	s30 =	simm.s32 $0x2;
	v18 =	vperm.xlane v18, v4;
	v12 =	vsel vm1, v24, v12;
	v11 =	vperm.xlane v5, v4;
	(xrf2) =	vadd.scan.msk.f32 $0xffff, v14;
	v22 =	vpop (erf)  }
0x6a: {  	v5 =	vmov s30;
	v20 =	vadd.s32 $0x40, v23;
	(xrf0) =	vmax.scan.msk.f32 $0xffff, v19;
	v21 =	vsel vm1, v26, v21;
	v23, _, _ =	vpop (xrf0)  }
0x6b: {  	v27 =	vand.u32 $0xFFFFFF80, v20;
	(xrf1) =	vsort.dscd.msk.f32 $0xffff, v10, v2;
	v15 =	vadd.s32 $0x40, v15;
	v22 =	vnsel vm0, $0x0, v22;
	v10, v28, _ =	vpop (xrf1)  }
0x6c: {  	v8 =	vmul.f32 v14, v8;
	(xrf2) =	vadd.scan.msk.f32 $0xffff, v22;
	vm1 =	vge.f32 v10, v11;
	v14 =	vbroadcast v23, $0xF  }
0x6d: {  	v30 =	vshll.u32 v5, $0x7;
	v60 =	vand.u32 $0x7F, v15;
	v24, v26, _ =	vpop (xrf1);
	(xrf1) =	vsort.dscd.msk.f32 $0xffff, v12, v21;
	v10 =	vsel vm1, v10, v11  }
0x6e: {  	v12, v21, _ =	vpop (xrf1);
	v11 =	vsel vm1, v28, v18;
	v18 =	vperm.xlane v24, v4;
	v14 =	vsub.f32 v17, v14  }
0x6f: {  	v23 =	vadd.s32 v30, v27;
	v26 =	vperm.xlane v26, v4;
	v24, v27, _ =	vpop (xrf1);
	v12 =	vperm.xlane v12, v4  }
0x70: {  	s31 =	simm.s32 $0x3;
	v13 =	vld.idx.msk [tilespmem:v13+s2+$0x0], $0xffff;
	v15 =	vand.u32 $0xFFFFFF80, v15;
	(xrf2) =	vadd.scan.msk.f32 $0xffff, v8;
	v21 =	vperm.xlane v21, v4;
	v17, v28, _ =	vpop (xrf1);
	v14 =	vmul.f32 $1.442695020e+00, v14  }
0x71: {  	v33 =	vld [tilespmem:s29+$0xFFFFFF90];
	v8 =	vmov s31;
	(xrf1) =	vsort.dscd.msk.f32 $0xffff, v10, v11;
	v34, _, _ =	vpop (xrf0);
	vm2 =	vge.f32 v17, v12  }
0x72: {  	vm1 =	vge.f32 v24, v18;
	v31, v32, _ =	vpop (xrf1);
	(erf) = vpow2.f32 v14;
	v14 =	vsel vm2, v28, v21  }
0x73: {  	v35 =	vshll.u32 v8, $0x7;
	v10, _, _ =	vpop (xrf2);
	v12 =	vsel vm2, v17, v12;
	v21 =	vsel vm1, v27, v26  }
0x74: {  	v11 =	vadd.s32 v35, v15;
	v18 =	vsel vm1, v24, v18;
	v17, v15, _ =	vpop (xrf1);
	(xrf1) =	vsort.dscd.msk.f32 $0xffff, v12, v14  }
0x75: {  	v13 =	vmul.f32 v22, v13;
	v10 =	vbroadcast v10, $0xF;
	v14, v26, _ =	vpop (xrf1);
	(xrf1) =	vsort.dscd.msk.f32 $0xffff, v18, v21  }
0x76: {  	v11 =	vor.u32 v60, v11;
	v24 =	vld [tilespmem:s29+$0xFFFFFF80];
	v12 =	vbroadcast v34, $0xF;
	v21, v27, _ =	vpop (xrf1);
	(xrf1) =	vsort.dscd.msk.f32 $0xffff, v33, v1  }
0x77: {  	s13 =	simm.s32 $0x580;
	v20 =	vand.u32 $0x7F, v20;
	(erf) = vrcp.f32 v10;
	v62, _, _ =	vpop (xrf2);
	(xrf2) =	vadd.scan.msk.f32 $0xffff, v13  }
0x78: {  	v22 =	vperm.xlane v31, v4;
	v28 =	vld [tilespmem:s13+$0x10];
	v12 =	vsub.f32 v19, v12  }
0x79: {  	v61 =	vor.u32 v20, v23;
	v23 =	vld [tilespmem:s13+$0x0];
	v32 =	vperm.xlane v32, v4  }
0x7a: {  	v19 =	vld [tilespmem:s13+$0x30];
	vm1 =	vge.f32 v14, v22;
	v20, v18, _ =	vpop (xrf1);
	v12 =	vmul.f32 $1.442695020e+00, v12;
	(xrf1) =	vsort.dscd.msk.f32 $0xffff, v16, v25;
	v25 =	vperm.xlane v27, v4  }
0x7b: {  	v13 =	vperm.xlane v21, v4;
	v10 =	vsel vm1, v14, v22;
	v14 =	vld.idx.msk [tilespmem:v11+s2+$0x0], $0xffff;
	v16, v21, _ =	vpop (xrf1);
	(xrf1) =	vsort.dscd.msk.f32 $0xffff, v24, v0  }
0x7c: {  	v31 =	vbroadcast v62, $0xF;
	v63, _, _ =	vpop (xrf2);
	v24 =	vld [tilespmem:s13+$0xFFFFFFB0];
	(xrf1) =	vsort.dscd.msk.f32 $0xffff, v29, v9;
	(erf) = vpow2.f32 v12  }
0x7d: {  	s12 =	simm.s32 $0x4;
	s11 =	simm.s32 $0x6;
	s14 =	simm.s32 $0xC;
	v11 =	vsel vm1, v26, v32;
	v22 =	vld [tilespmem:s13+$0x20];
	vm2 =	vge.f32 v16, v13;
	v9 =	vbroadcast v63, $0xF;
	v27, v26, _ =	vpop (xrf1);
	(xrf1) =	vsort.dscd.msk.f32 $0xffff, v28, v1  }
0x7e: {  	s15 =	simm.s32 $0x680;
	s9 =	simm.s32 $0xA;
	s10 =	simm.s32 $0x8;
	v12 =	vsel vm2, v16, v13;
	v13 =	vsel vm2, v21, v25;
	v21 =	vld.idx.msk [tilespmem:v61+s2+$0x0], $0xffff;
	v25 =	vpop (erf);
	(erf) = vrcp.f32 v31  }
.LBB2_2:
0x7f: {  	v16 =	vld [tilespmem:s15+$0x10];
	p0 =	slt.u32 s14, $0xFE;
	v28, v29, _ =	vpop (xrf1);
	s16 =	smov.u32 s14;
	s14 =	sadd.s32 $0x2, s14  }
0x80: {  	v27 =	vperm.xlane v27, v4;
	v31 =	vmov s12;
	v30 =	vld [tilespmem:s13+$0xFFFFFFA0];
	v29 =	vadd.s32 $0x40, v29;
	(xrf0) =	vmax.scan.msk.f32 $0xffff, v28;
	v32 =	vpop (erf)  }
0x81: {  	v33 =	vld [tilespmem:s13+$0xFFFFFF90];
	(xrf1) =	vsort.dscd.msk.f32 $0xffff, v24, v3;
	v24 =	vperm.xlane v26, v4;
	v26 =	vand.u32 $0xFFFFFF80, v29;
	v37 =	vmul.f32 v32, v9;
	v32, _, _ =	vpop (xrf2)  }
0x82: {  	v17 =	vperm.xlane v17, v4;
	(xrf1) =	vsort.dscd.msk.f32 $0xffff, v23, v0;
	v23 =	vshll.u32 v31, $0x7;
	v34, v35, _ =	vpop (xrf1);
	v32 =	vbroadcast v32, $0xF  }
0x83: {  	v15 =	vperm.xlane v15, v4;
	v38 =	vnsel vm0, $0x0, v25;
	(xrf1) =	vsort.dscd.msk.f32 $0xffff, v19, v3;
	v19, v36, _ =	vpop (xrf1);
	[tilespmem:v7+s7+$0x0] =	vst.idx.msk $0x1, v37  }
0x84: {  	vm1 =	vge.f32 v20, v17;
	v21 =	vmul.f32 v38, v21;
	v7, v9, _ =	vpop (xrf1);
	vm2 =	vge.f32 v19, v27;
	(xrf2) =	vadd.scan.msk.f32 $0xffff, v38  }
0x85: {  	v17 =	vsel vm1, v20, v17;
	v20 =	vand.u32 $0x7F, v29;
	(xrf1) =	vsort.dscd.msk.f32 $0xffff, v30, v2;
	v19 =	vsel vm2, v19, v27;
	v25 =	vpop (erf)  }
0x86: {  	v24 =	vsel vm2, v36, v24;
	v30 =	vadd.s32 v23, v26;
	v26, _, _ =	vpop (xrf0);
	(xrf0) =	vmax.scan.msk.f32 $0xffff, v34;
	v25 =	vnsel vm0, $0x0, v25  }
0x87: {  	v15 =	vsel vm1, v18, v15;
	(xrf1) =	vsort.dscd.msk.f32 $0xffff, v22, v2;
	v18 =	vbroadcast v26, $0xF;
	v14 =	vmul.f32 v25, v14;
	v22 =	vpop (erf)  }
0x88: {  	v7 =	vperm.xlane v7, v4;
	v29 =	vor.u32 v20, v30;
	v26, v27, _ =	vpop (xrf1);
	(xrf2) =	vadd.scan.msk.f32 $0xffff, v25;
	v30 =	vmul.f32 v22, v32  }
0x89: {  	v22, v23, _ =	vpop (xrf1);
	(xrf1) =	vsort.dscd.msk.f32 $0xffff, v17, v15;
	v15 =	vperm.xlane v26, v4;
	v17 =	vsub.f32 v28, v18;
	v18 =	vadd.s32 $0x40, v35  }
0x8a: {  	v9 =	vperm.xlane v9, v4;
	vm1 =	vge.f32 v22, v7;
	v25, v26, _ =	vpop (xrf1);
	v28 =	vand.u32 $0x7F, v18;
	[tilespmem:v6+s7+$0x0] =	vst.idx.msk $0x1, v30  }
0x8b: {  	s17 =	sadd.s32 $0x1, s12;
	s12 =	smov.u32 s11;
	s11 =	smov.u32 s10;
	v27 =	vperm.xlane v27, v4;
	v18 =	vand.u32 $0xFFFFFF80, v18;
	v6, v20, _ =	vpop (xrf1);
	v22 =	vsel vm1, v22, v7;
	(xrf1) =	vsort.dscd.msk.f32 $0xffff, v19, v24  }
0x8c: {  	s10 =	smov.u32 s9;
	s9 =	smov.u32 s16;
	vm2 =	vge.f32 v25, v15;
	v19 =	vmov s17;
	v24 =	vperm.xlane v6, v4;
	v6, _, _ =	vpop (xrf0);
	(xrf2) =	vadd.scan.msk.f32 $0xffff, v21  }
0x8d: {  	v7 =	vmovc v5;
	v5 =	vmovc v31;
	v30 =	vsel vm2, v25, v15;
	v21 =	vsel vm2, v26, v27;
	v26 =	vmul.f32 $1.442695020e+00, v17  }
0x8e: {  	v9 =	vsel vm1, v23, v9;
	(xrf1) =	vsort.dscd.msk.f32 $0xffff, v30, v21;
	v30 =	vbroadcast v6, $0xF;
	v21 =	vshll.u32 v19, $0x7;
	v23, _, _ =	vpop (xrf2)  }
0x8f: {  	v17, v15, _ =	vpop (xrf1);
	(xrf1) =	vsort.dscd.msk.f32 $0xffff, v22, v9;
	v9 =	vadd.s32 v21, v18;
	(erf) = vpow2.f32 v26;
	v31 =	vbroadcast v23, $0xF  }
0x90: {  	v6 =	vmov v8;
	v21 =	vld [tilespmem:s13+$0xFFFFFF80];
	(xrf1) =	vsort.dscd.msk.f32 $0xffff, v33, v1;
	v22, v25, _ =	vpop (xrf1);
	v23 =	vsub.f32 v34, v30;
	v9 =	vor.u32 v28, v9;
	s13 =	smov.u32 s15  }
0x91: {  	v26 =	vperm.xlane v20, v4;
	vm1 =	vge.f32 v22, v24;
	v27, v28, _ =	vpop (xrf1);
	(erf) = vrcp.f32 v31;
	(xrf2) =	vadd.scan.msk.f32 $0xffff, v14  }
0x92: {  	v8 =	vmov v19;
	v30 =	vmul.f32 $1.442695020e+00, v23;
	v14, _, _ =	vpop (xrf2)  }
0x93: {  	v19 =	vld [tilespmem:s15+$0x30];
	v20, v18, _ =	vpop (xrf1);
	v31 =	vbroadcast v14, $0xF  }
.Ltmp0:
0x94: {  	v22 =	vsel vm1, v22, v24;
	v32 =	vperm.xlane v27, v4;
	v23 =	vld [tilespmem:s15+$0x0];
	(xrf1) =	vsort.dscd.msk.f32 $0xffff, v12, v13;
	(pc) =	sbr.rel @p0 .LBB2_2-.Ltmp0, $4  }
0x95: {  	v28 =	vperm.xlane v28, v4;
	v13 =	vsel vm1, v25, v26;
	(xrf1) =	vsort.dscd.msk.f32 $0xffff, v21, v0;
	v12, v21, _ =	vpop (xrf1);
	v14 =	vld.idx.msk [tilespmem:v9+s2+$0x0], $0xffff  }
0x96: {  	v24 =	vld [tilespmem:s15+$0xFFFFFFB0];
	vm1 =	vge.f32 v12, v32;
	(xrf1) =	vsort.dscd.msk.f32 $0xffff, v10, v11;
	(erf) = vpow2.f32 v30;
	v9, _, _ =	vpop (xrf2);
	v10 =	vmov v22  }
0x97: {  	v11 =	vmov v13;
	v22 =	vld [tilespmem:s15+$0x20];
	(xrf1) =	vsort.dscd.msk.f32 $0xffff, v16, v1;
	v12 =	vsel vm1, v12, v32;
	v27, v26, _ =	vpop (xrf1);
	v9 =	vbroadcast v9, $0xF  }
0x98: {  	s15 =	sadd.s32 $0x100, s15;
	v13 =	vsel vm1, v21, v28;
	v21 =	vld.idx.msk [tilespmem:v29+s2+$0x0], $0xffff;
	v25 =	vpop (erf);
	(erf) = vrcp.f32 v31  }
0x99: {  	_ =	sdelay $0x1  }
0x9a: {  	v16 =	vld [tilespmem:s13+$0xFFFFFFA0];
	_ =	sdelay $0x1  }
0x9b: {  	v17 =	vperm.xlane v17, v4;
	(xrf1) =	vsort.dscd.msk.f32 $0xffff, v24, v3  }
0x9c: {  	v60, v24, _ =	vpop (xrf1);
	(xrf1) =	vsort.dscd.msk.f32 $0xffff, v23, v0  }
0x9d: {  	v15 =	vperm.xlane v15, v4;
	vm1 =	vge.f32 v20, v17;
	(xrf1) =	vsort.dscd.msk.f32 $0xffff, v19, v3;
	v61, v19, _ =	vpop (xrf1)  }
0x9e: {  	v17 =	vsel vm1, v20, v17;
	(xrf1) =	vsort.dscd.msk.f32 $0xffff, v16, v2;
	v28, v29, _ =	vpop (xrf1)  }
0x9f: {  	v27 =	vperm.xlane v27, v4;
	v15 =	vsel vm1, v18, v15;
	v30, v31, _ =	vpop (xrf1)  }
0xa0: {  	v26 =	vperm.xlane v26, v4;
	(xrf0) =	vmax.scan.msk.f32 $0xffff, v60;
	v35, v63, _ =	vpop (xrf1)  }
0xa1: {  	vm2 =	vge.f32 v28, v27;
	(xrf1) =	vsort.dscd.msk.f32 $0xffff, v22, v2;
	v37, v38, _ =	vpop (xrf1);
	v22 =	vperm.xlane v35, v4  }
0xa2: {  	v25 =	vnsel vm0, $0x0, v25;
	v62 =	vsel vm2, v28, v27;
	(xrf1) =	vsort.dscd.msk.f32 $0xffff, v17, v15;
	v27 =	vperm.xlane v63, v4;
	v15, v17, _ =	vpop (xrf1)  }
0xa3: {  	v36 =	vperm.xlane v30, v4;
	v26 =	vsel vm2, v29, v26;
	vm2 =	vge.f32 v15, v22  }
0xa4: {  	v32 =	vld [tilespmem:s13+$0xFFFFFF90];
	(xrf2) =	vadd.scan.msk.f32 $0xffff, v25;
	v17 =	vsel vm2, v17, v27  }
0xa5: {  	(xrf0) =	vmax.scan.msk.f32 $0xffff, v61;
	v39 =	vperm.xlane v31, v4;
	vm1 =	vge.f32 v37, v36;
	v15 =	vsel vm2, v15, v22  }
0xa6: {  	v40 =	vld [tilespmem:s13+$0xFFFFFF80];
	(xrf1) =	vsort.dscd.msk.f32 $0xffff, v62, v26;
	v18 =	vsel vm1, v37, v36  }
0xa7: {  	v41, _, _ =	vpop (xrf0);
	v42 =	vsel vm1, v38, v39;
	(xrf1) =	vsort.dscd.msk.f32 $0xffff, v15, v17  }
0xa8: {  	v15, v17, _ =	vpop (xrf1);
	(xrf1) =	vsort.dscd.msk.f32 $0xffff, v18, v42  }
0xa9: {  	v18, v26, _ =	vpop (xrf1);
	(xrf1) =	vsort.dscd.msk.f32 $0xffff, v32, v1  }
0xaa: {  	v27, v28, _ =	vpop (xrf1);
	(xrf1) =	vsort.dscd.msk.f32 $0xffff, v12, v13  }
0xab: {  	v12, v13, _ =	vpop (xrf1);
	(xrf1) =	vsort.dscd.msk.f32 $0xffff, v40, v0  }
0xac: {  	v44, v43, _ =	vpop (xrf1);
	(xrf1) =	vsort.dscd.msk.f32 $0xffff, v10, v11  }
0xad: {  	v22 =	vbroadcast v41, $0xF;
	v11, _, _ =	vpop (xrf2)  }
0xae: {  	v47, _, _ =	vpop (xrf2)  }
0xaf: {  	v46, _, _ =	vpop (xrf0);
	v22 =	vsub.f32 v60, v22;
	v31 =	vbroadcast v47, $0xF  }
0xb0: {  	v23 =	vbroadcast v46, $0xF;
	v10 =	vpop (erf)  }
0xb1: {  	v22 =	vmul.f32 $1.442695020e+00, v22;
	v45 =	vpop (erf)  }
0xb2: {  	v21 =	vmul.f32 v25, v21;
	v48, v33, _ =	vpop (xrf1)  }
0xb3: {  	v16 =	vsub.f32 v61, v23;
	(erf) = vpow2.f32 v22;
	v18 =	vperm.xlane v18, v4;
	v51, v50, _ =	vpop (xrf1)  }
0xb4: {  	v52 =	vperm.xlane v26, v4;
	(erf) = vrcp.f32 v31;
	v23, v31, _ =	vpop (xrf1)  }
0xb5: {  	v16 =	vmul.f32 $1.442695020e+00, v16;
	vm1 =	vge.f32 v44, v18;
	v49 =	vnsel vm0, $0x0, v45;
	v34, v35, _ =	vpop (xrf1)  }
0xb6: {  	v55 =	vsel vm1, v44, v18;
	v25 =	vsel vm1, v43, v52;
	v22 =	vperm.xlane v51, v4;
	(xrf2) =	vadd.scan.msk.f32 $0xffff, v49;
	v36, v37, _ =	vpop (xrf1)  }
0xb7: {  	v14 =	vmul.f32 v49, v14;
	v30 =	vperm.xlane v50, v4;
	(xrf1) =	vsort.dscd.msk.f32 $0xffff, v55, v25;
	v53, v38, _ =	vpop (xrf1)  }
0xb8: {  	v54 =	vperm.xlane v12, v4;
	(xrf2) =	vadd.scan.msk.f32 $0xffff, v21;
	(erf) = vpow2.f32 v16;
	vm2 =	vge.f32 v36, v22;
	v57, v58, _ =	vpop (xrf1)  }
0xb9: {  	(xrf2) =	vadd.scan.msk.f32 $0xffff, v14;
	v56 =	vsel vm2, v36, v22;
	v59 =	vsel vm2, v37, v30;
	v61, v60, _ =	vpop (xrf1);
	v20 =	vperm.xlane v57, v4  }
0xba: {  	v26 =	vperm.xlane v53, v4;
	v22 =	vperm.xlane v58, v4;
	v63, v62, _ =	vpop (xrf1);
	(xrf1) =	vsort.dscd.msk.f32 $0xffff, v56, v59  }
0xbb: {  	v13 =	vperm.xlane v13, v4;
	(xrf0) =	vmax.scan.msk.f32 $0xffff, v23;
	v37 =	vperm.xlane v38, v4;
	vm1 =	vge.f32 v63, v20  }
0xbc: {  	v12 =	vpop (erf);
	(xrf0) =	vmax.scan.msk.f32 $0xffff, v34;
	vm2 =	vge.f32 v61, v26;
	v38 =	vsel vm1, v63, v20;
	v39 =	vsel vm1, v62, v22  }
0xbd: {  	v40 =	vpop (erf);
	v41 =	vsel vm2, v61, v26;
	v16 =	vsel vm2, v60, v37;
	(xrf1) =	vsort.dscd.msk.f32 $0xffff, v38, v39  }
0xbe: {  	v42 =	vperm.xlane v15, v4;
	v20 =	vnsel vm0, $0x0, v40;
	vm1 =	vge.f32 v48, v54;
	(xrf1) =	vsort.dscd.msk.f32 $0xffff, v41, v16  }
0xbf: {  	v43 =	vperm.xlane v17, v4;
	(xrf2) =	vadd.scan.msk.f32 $0xffff, v20;
	v44 =	vsel vm1, v48, v54;
	v13 =	vsel vm1, v33, v13  }
0xc0: {  	vm1 =	vge.f32 v27, v42;
	(xrf1) =	vsort.dscd.msk.f32 $0xffff, v44, v13  }
0xc1: {  	v45, _, _ =	vpop (xrf2);
	v14 =	vsel vm1, v27, v42;
	v46 =	vsel vm1, v28, v43  }
0xc2: {  	v19 =	vadd.s32 $0x40, v19;
	v47 =	vadd.s32 $0x40, v24;
	v15 =	vpop (erf);
	(xrf1) =	vsort.dscd.msk.f32 $0xffff, v14, v46  }
0xc3: {  	v17 =	vmov s11;
	v51 =	vand.u32 $0xFFFFFF80, v19;
	v19 =	vand.u32 $0x7F, v19;
	v50 =	vpop (erf)  }
0xc4: {  	v21 =	vand.u32 $0x7F, v47;
	v53, _, _ =	vpop (xrf0);
	v56 =	vbroadcast v45, $0xF;
	v59 =	vadd.s32 $0x40, v31  }
0xc5: {  	v55, _, _ =	vpop (xrf0);
	v24 =	vnsel vm0, $0x0, v50;
	v61 =	vand.u32 $0xFFFFFF80, v59;
	v29 =	vand.u32 $0x7F, v59  }
0xc6: {  	(erf) = vrcp.f32 v56;
	v62 =	vshll.u32 v17, $0x7;
	v26 =	vbroadcast v55, $0xF;
	v57, v58, _ =	vpop (xrf1)  }
0xc7: {  	v48 =	vand.u32 $0xFFFFFF80, v47;
	v54 =	vbroadcast v53, $0xF;
	v16, _, _ =	vpop (xrf2);
	v27 =	vperm.xlane v57, v4  }
0xc8: {  	s28 =	sadd.s32 $0x1, s12;
	(xrf2) =	vadd.scan.msk.f32 $0xffff, v24;
	v28 =	vperm.xlane v58, v4;
	v26 =	vsub.f32 v34, v26;
	v13 =	vmov s12;
	v60, v30, _ =	vpop (xrf1)  }
0xc9: {  	v43 =	vadd.s32 $0x40, v35;
	v18, _, _ =	vpop (xrf2);
	v49 =	vshll.u32 v13, $0x7;
	v14 =	vmov s28;
	(xrf0) =	vmax.scan.msk.f32 $0xffff, v60  }
0xca: {  	v23 =	vsub.f32 v23, v54;
	v22 =	vadd.s32 v49, v48;
	v52 =	vshll.u32 v14, $0x7;
	v63, _, _ =	vpop (xrf2)  }
0xcb: {  	v46 =	vand.u32 $0xFFFFFF80, v43;
	v21 =	vor.u32 v21, v22;
	v22 =	vadd.s32 v52, v51;
	v33, v36, _ =	vpop (xrf1)  }
0xcc: {  	v26 =	vmul.f32 $1.442695020e+00, v26;
	v23 =	vmul.f32 $1.442695020e+00, v23;
	v22 =	vor.u32 v19, v22;
	v41, v40, _ =	vpop (xrf1)  }
0xcd: {  	v19 =	vadd.s32 v62, v61;
	v42 =	vbroadcast v63, $0xF;
	vm1 =	vge.f32 v41, v27  }
0xce: {  	(erf) = vpow2.f32 v23;
	v44, v45, _ =	vpop (xrf1);
	v27 =	vsel vm1, v41, v27;
	v28 =	vsel vm1, v40, v28  }
0xcf: {  	s29 =	sadd.s32 $0x1, s11;
	v29 =	vor.u32 v29, v19;
	(erf) = vrcp.f32 v42;
	v48 =	vperm.xlane v44, v4;
	(xrf1) =	vsort.dscd.msk.f32 $0xffff, v27, v28;
	v47, _, _ =	vpop (xrf0)  }
0xd0: {  	v19 =	vmov s29;
	v49, v50, _ =	vpop (xrf1);
	v23 =	vperm.xlane v45, v4;
	v28 =	vbroadcast v47, $0xF  }
0xd1: {  	v51 =	vshll.u32 v19, $0x7;
	v21 =	vld.idx.msk [tilespmem:v21+s2+$0x0], $0xffff;
	(erf) = vpow2.f32 v26;
	vm1 =	vge.f32 v49, v48  }
0xd2: {  	v22 =	vld.idx.msk [tilespmem:v22+s2+$0x0], $0xffff;
	v52, _, _ =	vpop (xrf2);
	v53 =	vsel vm1, v49, v48;
	v23 =	vsel vm1, v50, v23;
	v25 =	vsub.f32 v60, v28  }
0xd3: {  	v31 =	vand.u32 $0x7F, v43;
	v26 =	vbroadcast v52, $0xF;
	v27 =	vadd.s32 v51, v46;
	(xrf1) =	vsort.dscd.msk.f32 $0xffff, v53, v23  }
0xd4: {  	v54 =	vor.u32 v31, v27;
	v25 =	vmul.f32 $1.442695020e+00, v25  }
0xd5: {  	(erf) = vrcp.f32 v26  }
0xd6: {  	v20 =	vmul.f32 v20, v21;
	(erf) = vpow2.f32 v25  }
0xd7: {  	v55 =	vmul.f32 v24, v22  }
0xd8: {  	v56 =	vld.idx.msk [tilespmem:v29+s2+$0x0], $0xffff;
	v22 =	vpop (erf);
	(xrf2) =	vadd.scan.msk.f32 $0xffff, v20  }
0xd9: {  	v57 =	vpop (erf);
	(xrf2) =	vadd.scan.msk.f32 $0xffff, v55;
	v58 =	vld.idx.msk [tilespmem:v54+s2+$0x0], $0xffff  }
0xda: {  	(xrf0) =	vmax.scan.msk.f32 $0xffff, v33;
	v24 =	vnsel vm0, $0x0, v57;
	v23 =	vpop (erf)  }
0xdb: {  	(xrf2) =	vadd.scan.msk.f32 $0xffff, v24;
	v59 =	vpop (erf)  }
0xdc: {  	v25 =	vnsel vm0, $0x0, v59  }
0xdd: {  	v20 =	vmul.f32 v24, v56;
	(xrf2) =	vadd.scan.msk.f32 $0xffff, v25;
	v61, v60, _ =	vpop (xrf1)  }
0xde: {  	v24 =	vpop (erf);
	v21 =	vmul.f32 v25, v58;
	(xrf0) =	vmax.scan.msk.f32 $0xffff, v61  }
0xdf: {  	(xrf2) =	vadd.scan.msk.f32 $0xffff, v20;
	v62 =	vpop (erf)  }
0xe0: {  	v43, _, _ =	vpop (xrf0);
	(xrf2) =	vadd.scan.msk.f32 $0xffff, v21;
	v20 =	vnsel vm0, $0x0, v62  }
0xe1: {  	v63, v25, _ =	vpop (xrf1);
	(xrf2) =	vadd.scan.msk.f32 $0xffff, v20  }
0xe2: {  	s30 =	sadd.s32 $0x1, s10;
	v32, _, _ =	vpop (xrf2);
	(xrf0) =	vmax.scan.msk.f32 $0xffff, v63  }
0xe3: {  	v38 =	vmov s30;
	v30 =	vadd.s32 $0x40, v30;
	v37, _, _ =	vpop (xrf2)  }
0xe4: {  	v39 =	vshll.u32 v38, $0x7;
	v45 =	vand.u32 $0xFFFFFF80, v30;
	v44, _, _ =	vpop (xrf0)  }
0xe5: {  	v30 =	vand.u32 $0x7F, v30;
	v28 =	vbroadcast v43, $0xF;
	v49, _, _ =	vpop (xrf2);
	v29 =	vbroadcast v44, $0xF  }
0xe6: {  	v31 =	vmov s10;
	v47 =	vadd.s32 $0x40, v36;
	v36 =	vbroadcast v49, $0xF  }
0xe7: {  	v46 =	vshll.u32 v31, $0x7;
	v35 =	vand.u32 $0xFFFFFF80, v47;
	v28 =	vsub.f32 v33, v28;
	v50, _, _ =	vpop (xrf2)  }
0xe8: {  	v48 =	vand.u32 $0x7F, v47;
	v34 =	vadd.s32 v46, v45;
	v35 =	vadd.s32 v39, v35;
	v40, _, _ =	vpop (xrf0)  }
0xe9: {  	v28 =	vmul.f32 $1.442695020e+00, v28;
	v26 =	vsub.f32 v61, v29;
	v40 =	vbroadcast v40, $0xF;
	v29, _, _ =	vpop (xrf2)  }
0xea: {  	v30 =	vor.u32 v30, v34;
	(erf) = vrcp.f32 v36;
	v33 =	vbroadcast v50, $0xF;
	v36, _, _ =	vpop (xrf2)  }
0xeb: {  	(erf) = vpow2.f32 v28;
	v26 =	vmul.f32 $1.442695020e+00, v26;
	v21 =	vsub.f32 v63, v40;
	v51, _, _ =	vpop (xrf2)  }
0xec: {  	v34 =	vor.u32 v48, v35;
	(erf) = vrcp.f32 v33;
	v28 =	vbroadcast v51, $0xF  }
0xed: {  	(erf) = vpow2.f32 v26;
	v21 =	vmul.f32 $1.442695020e+00, v21  }
0xee: {  	(erf) = vrcp.f32 v28  }
0xef: {  	v52 =	vld.idx.msk [tilespmem:v30+s2+$0x0], $0xffff;
	(erf) = vpow2.f32 v21;
	_ =	sdelay $0x1  }
0xf0: {  	v53 =	vld.idx.msk [tilespmem:v34+s2+$0x0], $0xffff  }
0xf1: {  	s31 =	sadd.s32 $0x1, s9;
	v27 =	vadd.s32 $0x40, v60;
	v28 =	vmov s9  }
0xf2: {  	v35 =	vmov s31;
	v54 =	vand.u32 $0xFFFFFF80, v27;
	v30 =	vpop (erf);
	v55 =	vshll.u32 v28, $0x7  }
0xf3: {  	v57 =	vand.u32 $0x7F, v27;
	v20 =	vmul.f32 v20, v52;
	v56 =	vpop (erf);
	v58 =	vadd.s32 v55, v54  }
0xf4: {  	v25 =	vadd.s32 $0x40, v25;
	v60 =	vnsel vm0, $0x0, v56;
	v59 =	vpop (erf);
	v26 =	vor.u32 v57, v58  }
0xf5: {  	v62 =	vshll.u32 v35, $0x7;
	v61 =	vand.u32 $0xFFFFFF80, v25;
	(xrf2) =	vadd.scan.msk.f32 $0xffff, v60;
	v21 =	vmul.f32 v60, v53;
	v63 =	vpop (erf)  }
0xf6: {  	v25 =	vand.u32 $0x7F, v25;
	v42 =	vadd.s32 v62, v61;
	(xrf2) =	vadd.scan.msk.f32 $0xffff, v20;
	v43 =	vpop (erf)  }
0xf7: {  	v20 =	vor.u32 v25, v42;
	(xrf2) =	vadd.scan.msk.f32 $0xffff, v21;
	v44 =	vnsel vm0, $0x0, v63;
	v45 =	vpop (erf)  }
0xf8: {  	(xrf2) =	vadd.scan.msk.f32 $0xffff, v44;
	v25 =	vnsel vm0, $0x0, v45  }
0xf9: {  	v26 =	vld.idx.msk [tilespmem:v26+s2+$0x0], $0xffff;
	(xrf2) =	vadd.scan.msk.f32 $0xffff, v25;
	_ =	sdelay $0x2  }
0xfa: {  	v20 =	vld.idx.msk [tilespmem:v20+s2+$0x0], $0xffff;
	_ =	sdelay $0x1  }
0xfb: {  	v21 =	vmul.f32 v44, v26  }
0xfc: {  	v46, _, _ =	vpop (xrf2)  }
0xfd: {  	v11 =	vbroadcast v11, $0xF;
	v9 =	vmul.f32 v10, v9;
	v47, _, _ =	vpop (xrf2);
	(xrf2) =	vadd.scan.msk.f32 $0xffff, v21  }
0xfe: {  	v48 =	vbroadcast v46, $0xF;
	v20 =	vmul.f32 v25, v20;
	v49, _, _ =	vpop (xrf2)  }
0xff: {  	v11 =	vmul.f32 v12, v11;
	v16 =	vbroadcast v16, $0xF;
	v50, _, _ =	vpop (xrf2)  }
0x100: {  	(erf) = vrcp.f32 v48;
	(xrf2) =	vadd.scan.msk.f32 $0xffff, v20;
	v51 =	vbroadcast v50, $0xF;
	v52, _, _ =	vpop (xrf2)  }
0x101: {  	[tilespmem:v7+s7+$0x0] =	vst.idx.msk $0x1, v9;
	v7 =	vmul.f32 v15, v16;
	v53 =	vbroadcast v52, $0xF  }
0x102: {  	v55 =	vbroadcast v32, $0xF;
	(erf) = vrcp.f32 v51  }
0x103: {  	v54 =	vbroadcast v18, $0xF;
	(erf) = vrcp.f32 v53  }
0x104: {  	[tilespmem:v5+s7+$0x0] =	vst.idx.msk $0x1, v7;
	v7 =	vbroadcast v29, $0xF;
	v5 =	vmul.f32 v23, v55  }
0x105: {  	[tilespmem:v6+s7+$0x0] =	vst.idx.msk $0x1, v11;
	v56 =	vbroadcast v37, $0xF;
	v6 =	vmul.f32 v22, v54  }
0x106: {  	[tilespmem:v13+s7+$0x0] =	vst.idx.msk $0x1, v5;
	v5 =	vmul.f32 v30, v7;
	v7 =	vbroadcast v47, $0xF  }
0x107: {  	v57 =	vbroadcast v36, $0xF;
	[tilespmem:v8+s7+$0x0] =	vst.idx.msk $0x1, v6;
	v6 =	vmul.f32 v24, v56;
	v60, _, _ =	vpop (xrf2)  }
0x108: {  	[tilespmem:v17+s7+$0x0] =	vst.idx.msk $0x1, v5;
	v5 =	vmul.f32 v43, v7;
	v7 =	vbroadcast v60, $0xF  }
0x109: {  	[tilespmem:v14+s7+$0x0] =	vst.idx.msk $0x1, v6;
	v6 =	vmul.f32 v59, v57;
	v59 =	vbroadcast v49, $0xF;
	v58 =	vpop (erf)  }
0x10a: {  	v61, _, _ =	vpop (xrf2)  }
0x10b: {  	[tilespmem:v19+s7+$0x0] =	vst.idx.msk $0x1, v6;
	v6 =	vmul.f32 v58, v59;
	v63 =	vbroadcast v61, $0xF;
	v62 =	vpop (erf)  }
0x10c: {  	[tilespmem:v31+s7+$0x0] =	vst.idx.msk $0x1, v5;
	v5 =	vmul.f32 v62, v7;
	v7 =	vpop (erf)  }
0x10d: {  	s8 =	sadd.s32 $0x1, s8;
	[tilespmem:v38+s7+$0x0] =	vst.idx.msk $0x1, v6;
	v6 =	vmul.f32 v7, v63  }
0x10e: {  	p0 =	sne.s32 s8, s5;
	[tilespmem:v28+s7+$0x0] =	vst.idx.msk $0x1, v5  }
.Ltmp1:
0x10f: {  	[tilespmem:v35+s7+$0x0] =	vst.idx.msk $0x1, v6;
	(pc) =	sbr.rel @p0 .LBB2_1-.Ltmp1, $4  }
0x110: {  	[hbm4b:s4+s2] =	stream.linear.scatter [tilespmem:s7], [sflag:$0x1], $0x100, $0x38;
	[tilespmem:$0x8100] =	vst v63  }
0x111: {  	_ =	swait.ge [sflag:s6], $0x100  }
0x112: {  	[sflag:s6] =	ssyncset.done $0x0  }
0x113: {  	[sflag:s6] =	ssyncadd.s32 $0xFFFFFF00  }
0x114: {  	_ =	sfence.sel $0x180000  }
0x115: {  	[bflag:$0x0] =	sbarrier.arrive $0xFFFF  }
0x116: {  	p0 =	sne.s32 s1, $0x0;
	_ =	strace $0x90000047  }
0x117: {  	s0 =	sadd.s32 @!p0 $0x100000, s0;
	[bflag:$0x2] =	sbarrier.arrive $0xFFFF  }
0x118: {  	[sflag:s0] =	ssyncadd.tile.s32 @!p0 $0x1;
	_ =	shalt  }
.Lfunc_end2:
_tile_overlayer_lowered:
.L_overlay_start_2:
0x119: {  	(tag) =	ssettag $0x2  }
0x11a: {  	s0 =	rddreg [dreg:$0x0];
	s2 =	stileid.u32  }
0x11b: {  	s1 =	rddreg [dreg:$0x1];
	p0 =	sne.s32 s2, $0x0  }
0x11c: {  	s3 =	rddreg [dreg:$0x2];
	[bflag:$0x3] =	sbarrier.arrive $0xFFFF;
	s2 =	simm.s32 @!p0 $0x1C01  }
0x11d: {  	[timem:s3], [sflag:s2] =	dma.local @!p0 [hbm:s0], s1  }
0x11e: {  	s0 =	simm.s32 @!p0 $0x1  }
0x11f: {  	_ =	swait.ge @!p0 [sflag:s0], s1  }
0x120: {  	s1 =	ssub.s32 @!p0 $0x0, s1;
	[sflag:s0] =	ssyncset.done @!p0 $0x0  }
0x121: {  	[sflag:s0] =	ssyncadd.s32 @!p0 s1  }
0x122: {  	[bflag:$0x3] =	sbarrier.arrive $0xFFFF  }
0x123: {  	_ =	shalt  }

</sc_bundles>
